<compile_context>
chip_gen: v7x
topology: tpu7x:2x2x1
jax: 0.10.2.dev20260603
libtpu: 0.0.44.dev20260713+nightly
codegen_flags: <defaults>
</compile_context>

<pallas_src>
import functools

import jax
import jax.numpy as jnp
from jax import lax
from jax.experimental import pallas as pl
from jax.experimental.pallas import tpu as pltpu
from jax.experimental.pallas import tpu_sc as plsc

SEG = 1024
LN = 16
NC = 2
NS = 16
NW = NC * NS
SPW = SEG // NW
CH = 64


def _scores_body(n, x_ref, batch_ref, w1_ref, b1_ref, w2_ref, b2_ref,
                 e_ref, bnd_ref):
    i = pl.program_id(0)
    h = jnp.tanh(
        jnp.dot(x_ref[...], w1_ref[...],
                preferred_element_type=jnp.float32,
                precision=jax.lax.Precision.DEFAULT)
        + b1_ref[...])
    s = jnp.sum(h * w2_ref[...], axis=1) + b2_ref[0]
    e_ref[...] = s.reshape(e_ref.shape)

    bn = batch_ref.shape[0]
    glob = i * bn + lax.broadcasted_iota(jnp.int32, (bn, 1), 0)
    thresh = SPW * lax.broadcasted_iota(jnp.int32, (1, 128), 1)
    m = (batch_ref[...].reshape(bn, 1) < thresh) & (glob < n)
    partial = jnp.sum(m.astype(jnp.int32), axis=0).reshape(1, 128)

    @pl.when(i == 0)
    def _():
        bnd_ref[...] = jnp.zeros_like(bnd_ref)
    bnd_ref[...] += partial


def _pool_body(n_rows, d, x_hbm, e_hbm, ids_hbm, bnd_hbm, out_hbm,
               xbuf, ebuf, rawid, bbuf, table, tsp, sem):
    nk = d // LN
    c = lax.axis_index("c")
    s = lax.axis_index("s")
    wid = s * NC + c
    seg0 = wid * SPW
    zero16 = jnp.zeros((LN,), jnp.float32)
    lane = lax.iota(jnp.int32, LN)

    pltpu.sync_copy(bnd_hbm, bbuf)
    bv = bbuf[pl.ds(wid, LN)]
    b_lo = bv[0]
    b_hi = bv[1]

    def _ztab(ls, carry):
        for k in range(nk):
            table[ls, pl.ds(k * LN, LN)] = zero16
        tsp[ls, pl.ds(0, LN)] = zero16
        return carry
    lax.fori_loop(0, SPW, _ztab, 0)

    base = (b_lo // 8) * 8
    nch = (b_hi - base + CH - 1) // CH
    n_clamp = ((n_rows - CH) // 8) * 8

    def _dma_args(ci, slot):
        st = jnp.minimum(base + ci * CH, n_clamp)
        return (
            (x_hbm.at[pl.ds(st, CH)], xbuf.at[slot]),
            (e_hbm.at[pl.ds(st, CH)], ebuf.at[slot].at[pl.ds(0, CH)]),
            (ids_hbm.at[pl.ds(st, CH)], rawid.at[slot].at[pl.ds(0, CH)]),
        )

    def _issue(ci, slot):
        for src, dst in _dma_args(ci, slot):
            pltpu.async_copy(src, dst, sem.at[slot])

    def _drain(ci, slot):
        for src, dst in _dma_args(ci, slot):
            pltpu.make_async_copy(src, dst, sem.at[slot]).wait()

    @pl.when(nch > 0)
    def _():
        _issue(0, 0)

    def _chunk(i, carry):
        slot = lax.rem(i, 2)
        lo = base + i * CH
        start = jnp.minimum(lo, n_clamp)
        _drain(i, slot)

        @pl.when(i + 1 < nch)
        def _():
            _issue(i + 1, 1 - slot)

        def _row(j, carry2):
            cur, accsp, accs = carry2
            g = start + j
            valid = (g >= b_lo) & (g >= lo) & (g < b_hi) & (g < lo + CH)
            id_j = rawid[slot, pl.ds(j, LN)][0]
            lseg = jnp.clip(id_j - seg0, 0, SPW - 1)
            changed = lseg != cur

            @pl.when(changed)
            def _flush():
                for k in range(nk):
                    sl = pl.ds(k * LN, LN)
                    table[cur, sl] += accs[k]
                tsp[cur, pl.ds(0, LN)] += accsp

            keep = jnp.full(
                (LN,), jnp.where(changed, jnp.float32(0.0), jnp.float32(1.0)))
            vf = jnp.full(
                (LN,), jnp.where(valid, jnp.float32(1.0), jnp.float32(0.0)))
            evv = jnp.exp(jnp.full((LN,), ebuf[slot, pl.ds(j, LN)][0])) * vf
            new_accs = tuple(
                accs[k] * keep + xbuf[slot, j, pl.ds(k * LN, LN)] * evv
                for k in range(nk))
            sp = jnp.where(lane == 0, evv, jnp.where(lane == 1, vf, 0.0))
            return (lseg, accsp * keep + sp, new_accs)
        return lax.fori_loop(0, CH, _row, carry)

    init = (jnp.int32(0), zero16, tuple(zero16 for _ in range(nk)))
    cur_end, accsp_end, accs_end = lax.fori_loop(0, nch, _chunk, init)

    for k in range(nk):
        table[cur_end, pl.ds(k * LN, LN)] += accs_end[k]
    tsp[cur_end, pl.ds(0, LN)] += accsp_end

    def _norm(ls, carry):
        spv = tsp[ls, pl.ds(0, LN)]
        denv = jnp.full((LN,), spv[0] + 1e-16) * \
            jnp.maximum(jnp.full((LN,), spv[1]), 1.0)
        rinv = jnp.float32(1.0) / denv
        for k in range(nk):
            sl = pl.ds(k * LN, LN)
            table[ls, sl] = table[ls, sl] * rinv
        return carry
    lax.fori_loop(0, SPW, _norm, 0)
    pltpu.sync_copy(table, out_hbm.at[pl.ds(seg0, SPW)])


def kernel(x, batch, W1, b1, W2, b2):
    n, d = x.shape
    assert n % 8 == 0 and d % LN == 0 and n >= CH

    bn = 1024
    nblk = (n + bn - 1) // bn
    e2, bnd = pl.pallas_call(
        functools.partial(_scores_body, n),
        grid=(nblk,),
        in_specs=[
            pl.BlockSpec((bn, d), lambda i: (i, 0)),
            pl.BlockSpec((bn,), lambda i: (i,)),
            pl.BlockSpec((d, d), lambda i: (0, 0)),
            pl.BlockSpec((1, d), lambda i: (0, 0)),
            pl.BlockSpec((1, d), lambda i: (0, 0)),
            pl.BlockSpec(memory_space=pltpu.SMEM),
        ],
        out_specs=[
            pl.BlockSpec((1, 1, bn), lambda i: (i, 0, 0)),
            pl.BlockSpec((1, 128), lambda i: (0, 0)),
        ],
        out_shape=[
            jax.ShapeDtypeStruct((nblk, 1, bn), jnp.float32),
            jax.ShapeDtypeStruct((1, 128), jnp.int32),
        ],
        compiler_params=pltpu.CompilerParams(
            dimension_semantics=("arbitrary",)),
    )(x, batch, W1, b1.reshape(1, d), W2.reshape(1, d), b2)
    e = e2.reshape(-1)[:n]

    mesh = plsc.VectorSubcoreMesh(core_axis_name="c", subcore_axis_name="s")
    out = pl.kernel(
        functools.partial(_pool_body, n, d),
        mesh=mesh,
        out_type=jax.ShapeDtypeStruct((SEG, d), jnp.float32),
        scratch_types=[
            pltpu.VMEM((2, CH, d), jnp.float32),
            pltpu.VMEM((2, CH + LN), jnp.float32),
            pltpu.VMEM((2, CH + LN), jnp.int32),
            pltpu.VMEM((128,), jnp.int32),
            pltpu.VMEM((SPW, d), jnp.float32),
            pltpu.VMEM((SPW, LN), jnp.float32),
            pltpu.SemaphoreType.DMA((2,)),
        ],
    )(x, e, batch, bnd.reshape(128))
    return out

# --- scband reference (transcript-rebuilt; emitter-appended) ---
"""Pipeline reference for scband-attention-pooling-16363825397776 (READ-ONLY COPY).

The authoritative reference and input builder live on the scoring server;
editing this copy changes nothing except your own understanding.
"""

import jax, jax.numpy as jnp
import numpy as np

N = 100000
D = 512
NUM_SEGMENTS = 1024


def setup_inputs(seed: int = 0) -> dict:
    key = jax.random.key(seed)
    k1, k2, k3, k4, k5, k6 = jax.random.split(key, 6)
    x = jax.random.normal(k1, (N, D), dtype=jnp.float32)
    batch = jnp.sort(jax.random.randint(k2, (N,), 0, NUM_SEGMENTS)).astype(jnp.int32)
    s1 = 1.0 / np.sqrt(D)
    W1 = jax.random.uniform(k3, (D, D), minval=-s1, maxval=s1, dtype=jnp.float32)
    b1 = jax.random.uniform(k4, (D,), minval=-s1, maxval=s1, dtype=jnp.float32)
    s2 = 1.0 / np.sqrt(D)
    W2 = jax.random.uniform(k5, (D, 1), minval=-s2, maxval=s2, dtype=jnp.float32)
    b2 = jax.random.uniform(k6, (1,), minval=-s2, maxval=s2, dtype=jnp.float32)
    return {"x": x, "batch": batch, "W1": W1, "b1": b1, "W2": W2, "b2": b2}


def reference(x, batch, W1, b1, W2, b2):
    # attention MLP: Linear -> Tanh -> Linear
    h = jnp.tanh(x @ W1 + b1)
    scores = h @ W2 + b2  # [N, 1]
    # segment-wise softmax over nodes sharing the same batch id
    m = jax.ops.segment_max(scores, batch, num_segments=NUM_SEGMENTS)
    m = jnp.where(jnp.isfinite(m), m, 0.0)
    e = jnp.exp(scores - m[batch])
    s = jax.ops.segment_sum(e, batch, num_segments=NUM_SEGMENTS)
    attn_weights = e / (s[batch] + 1e-16)  # [N, 1]
    x_weighted = x * attn_weights
    # global mean pool per segment
    sums = jax.ops.segment_sum(x_weighted, batch, num_segments=NUM_SEGMENTS)
    counts = jax.ops.segment_sum(jnp.ones((x.shape[0], 1), dtype=x.dtype), batch, num_segments=NUM_SEGMENTS)
    return sums / jnp.maximum(counts, 1.0)

if __name__ == "__main__":
    import jax
    _d = setup_inputs()
    print(jax.jit(kernel)(*tuple(_d.values())))

</pallas_src>

<mosaic_0001>
#map = affine_map<(d0, d1) -> (0, 0)>
#map1 = affine_map<(d0, d1) -> (0)>
module attributes {stable_mosaic.version = 14 : i64} {
  func.func @_pool_body(%arg0: i32, %arg1: i32, %arg2: memref<100000x512xf32, #tpu.memory_space<hbm>>, %arg3: memref<100000xf32, #tpu.memory_space<hbm>>, %arg4: memref<100000xi32, #tpu.memory_space<hbm>>, %arg5: memref<128xi32, #tpu.memory_space<hbm>>, %arg6: memref<1024x512xf32, #tpu.memory_space<hbm>>, %arg7: memref<2x64x512xf32, #tpu.memory_space<vmem>>, %arg8: memref<2x80xf32, #tpu.memory_space<vmem>>, %arg9: memref<2x80xi32, #tpu.memory_space<vmem>>, %arg10: memref<128xi32, #tpu.memory_space<vmem>>, %arg11: memref<32x512xf32, #tpu.memory_space<vmem>>, %arg12: memref<32x16xf32, #tpu.memory_space<vmem>>, %arg13: memref<2x!tpu.dma_semaphore, #tpu.memory_space<semaphore_mem>>) attributes {dimension_semantics = [#tpu.dimension_semantics<core_parallel>, #tpu.dimension_semantics<subcore_parallel>], iteration_bounds = array<i64: 2, 16>, scalar_prefetch = 0 : i64, scratch_operands = 7 : i64, tpu.core_type = #tpu.core_type<sc_vector_subcore>, window_params = [{transform_indices = #map}, {transform_indices = #map1}, {transform_indices = #map1}, {transform_indices = #map1}, {transform_indices = #map}]} {
    %mul3A = arith.constant 2 : i32
    %mul3A_0 = arith.muli %arg1, %mul3A : i32
    %add3A = arith.addi %mul3A_0, %arg0 : i32
    %mul3A_1 = arith.constant 32 : i32
    %mul3A_2 = arith.muli %add3A, %mul3A_1 : i32
    %broadcast_in_dim3A = arith.constant 0.000000e+00 : f32
    %broadcast_in_dim3A_3 = vector.broadcast %broadcast_in_dim3A : f32 to vector<16xf32>
    %iota3A = tpu.iota {dimensions = array<i32: 0>} : vector<16xi32>
    "tpu.region"() ({
      %run_scoped3A = tpu.sem_alloc : memref<!tpu.dma_semaphore, #tpu.memory_space<semaphore_mem>>
      tpu.enqueue_dma source(%arg5 : memref<128xi32, #tpu.memory_space<hbm>>) target(%arg10 : memref<128xi32, #tpu.memory_space<vmem>>) target_semaphore(%run_scoped3A : memref<!tpu.dma_semaphore, #tpu.memory_space<semaphore_mem>>)
      tpu.wait_dma2 semaphore(%run_scoped3A : memref<!tpu.dma_semaphore, #tpu.memory_space<semaphore_mem>>) src(%arg5 : memref<128xi32, #tpu.memory_space<hbm>>) dst(%arg10 : memref<128xi32, #tpu.memory_space<vmem>>)
      tpu.yield
    }) : () -> ()
    %get3A = arith.index_cast %add3A : i32 to index
    %get3A_4 = tpu.vector_load %arg10[%get3A] {strides = array<i32>} : memref<128xi32, #tpu.memory_space<vmem>>, vector<16xi32>,
    %get3A_5 = vector.shape_cast %get3A_4 : vector<16xi32> to vector<16xi32>
    %slice3A = vector.extract_strided_slice %get3A_5 {offsets = [0], sizes = [1], strides = [1]} : vector<16xi32> to vector<1xi32>
    %squeeze3A = vector.extract %slice3A[0] : i32 from vector<1xi32>
    %slice3A_6 = vector.extract_strided_slice %get3A_5 {offsets = [1], sizes = [1], strides = [1]} : vector<16xi32> to vector<1xi32>
    %squeeze3A_7 = vector.extract %slice3A_6[0] : i32 from vector<1xi32>
    %scan3A = arith.constant 0 : i32
    %scan3A_8 = arith.constant 0 : i32
    %scan3A_9 = arith.constant 32 : i32
    %scan3A_10 = arith.addi %scan3A_8, %scan3A_9 : i32
    %scan3A_11 = arith.constant 1 : i32
    scf.for %scan3A_408 = %scan3A_8 to %scan3A_10 step %scan3A_11  : i32 {
      %swap3A_409 = arith.index_cast %scan3A_408 : i32 to index
      %swap3A_410 = arith.constant 0 : index
      %swap3A_411 = tpu.vector_load %arg11[%swap3A_409, %swap3A_410] {strides = array<i32>} : memref<32x512xf32, #tpu.memory_space<vmem>>, vector<1x16xf32>,
      %swap3A_412 = vector.shape_cast %swap3A_411 : vector<1x16xf32> to vector<16xf32>
      %swap3A_413 = vector.shape_cast %broadcast_in_dim3A_3 : vector<16xf32> to vector<1x16xf32>
      tpu.vector_store %arg11[%swap3A_409, %swap3A_410], %swap3A_413 {strides = array<i32>} : memref<32x512xf32, #tpu.memory_space<vmem>>, vector<1x16xf32>,
      %swap3A_414 = arith.index_cast %scan3A_408 : i32 to index
      %swap3A_415 = arith.constant 16 : index
      %swap3A_416 = tpu.vector_load %arg11[%swap3A_414, %swap3A_415] {strides = array<i32>} : memref<32x512xf32, #tpu.memory_space<vmem>>, vector<1x16xf32>,
      %swap3A_417 = vector.shape_cast %swap3A_416 : vector<1x16xf32> to vector<16xf32>
      %swap3A_418 = vector.shape_cast %broadcast_in_dim3A_3 : vector<16xf32> to vector<1x16xf32>
      tpu.vector_store %arg11[%swap3A_414, %swap3A_415], %swap3A_418 {strides = array<i32>} : memref<32x512xf32, #tpu.memory_space<vmem>>, vector<1x16xf32>,
      %swap3A_419 = arith.index_cast %scan3A_408 : i32 to index
      %swap3A_420 = arith.constant 32 : index
      %swap3A_421 = tpu.vector_load %arg11[%swap3A_419, %swap3A_420] {strides = array<i32>} : memref<32x512xf32, #tpu.memory_space<vmem>>, vector<1x16xf32>,
      %swap3A_422 = vector.shape_cast %swap3A_421 : vector<1x16xf32> to vector<16xf32>
      %swap3A_423 = vector.shape_cast %broadcast_in_dim3A_3 : vector<16xf32> to vector<1x16xf32>
      tpu.vector_store %arg11[%swap3A_419, %swap3A_420], %swap3A_423 {strides = array<i32>} : memref<32x512xf32, #tpu.memory_space<vmem>>, vector<1x16xf32>,
      %swap3A_424 = arith.index_cast %scan3A_408 : i32 to index
      %swap3A_425 = arith.constant 48 : index
      %swap3A_426 = tpu.vector_load %arg11[%swap3A_424, %swap3A_425] {strides = array<i32>} : memref<32x512xf32, #tpu.memory_space<vmem>>, vector<1x16xf32>,
      %swap3A_427 = vector.shape_cast %swap3A_426 : vector<1x16xf32> to vector<16xf32>
      %swap3A_428 = vector.shape_cast %broadcast_in_dim3A_3 : vector<16xf32> to vector<1x16xf32>
      tpu.vector_store %arg11[%swap3A_424, %swap3A_425], %swap3A_428 {strides = array<i32>} : memref<32x512xf32, #tpu.memory_space<vmem>>, vector<1x16xf32>,
      %swap3A_429 = arith.index_cast %scan3A_408 : i32 to index
      %swap3A_430 = arith.constant 64 : index
      %swap3A_431 = tpu.vector_load %arg11[%swap3A_429, %swap3A_430] {strides = array<i32>} : memref<32x512xf32, #tpu.memory_space<vmem>>, vector<1x16xf32>,
      %swap3A_432 = vector.shape_cast %swap3A_431 : vector<1x16xf32> to vector<16xf32>
      %swap3A_433 = vector.shape_cast %broadcast_in_dim3A_3 : vector<16xf32> to vector<1x16xf32>
      tpu.vector_store %arg11[%swap3A_429, %swap3A_430], %swap3A_433 {strides = array<i32>} : memref<32x512xf32, #tpu.memory_space<vmem>>, vector<1x16xf32>,
      %swap3A_434 = arith.index_cast %scan3A_408 : i32 to index
      %swap3A_435 = arith.constant 80 : index
      %swap3A_436 = tpu.vector_load %arg11[%swap3A_434, %swap3A_435] {strides = array<i32>} : memref<32x512xf32, #tpu.memory_space<vmem>>, vector<1x16xf32>,
      %swap3A_437 = vector.shape_cast %swap3A_436 : vector<1x16xf32> to vector<16xf32>
      %swap3A_438 = vector.shape_cast %broadcast_in_dim3A_3 : vector<16xf32> to vector<1x16xf32>
      tpu.vector_store %arg11[%swap3A_434, %swap3A_435], %swap3A_438 {strides = array<i32>} : memref<32x512xf32, #tpu.memory_space<vmem>>, vector<1x16xf32>,
      %swap3A_439 = arith.index_cast %scan3A_408 : i32 to index
      %swap3A_440 = arith.constant 96 : index
      %swap3A_441 = tpu.vector_load %arg11[%swap3A_439, %swap3A_440] {strides = array<i32>} : memref<32x512xf32, #tpu.memory_space<vmem>>, vector<1x16xf32>,
      %swap3A_442 = vector.shape_cast %swap3A_441 : vector<1x16xf32> to vector<16xf32>
      %swap3A_443 = vector.shape_cast %broadcast_in_dim3A_3 : vector<16xf32> to vector<1x16xf32>
      tpu.vector_store %arg11[%swap3A_439, %swap3A_440], %swap3A_443 {strides = array<i32>} : memref<32x512xf32, #tpu.memory_space<vmem>>, vector<1x16xf32>,
      %swap3A_444 = arith.index_cast %scan3A_408 : i32 to index
      %swap3A_445 = arith.constant 112 : index
      %swap3A_446 = tpu.vector_load %arg11[%swap3A_444, %swap3A_445] {strides = array<i32>} : memref<32x512xf32, #tpu.memory_space<vmem>>, vector<1x16xf32>,
      %swap3A_447 = vector.shape_cast %swap3A_446 : vector<1x16xf32> to vector<16xf32>
      %swap3A_448 = vector.shape_cast %broadcast_in_dim3A_3 : vector<16xf32> to vector<1x16xf32>
      tpu.vector_store %arg11[%swap3A_444, %swap3A_445], %swap3A_448 {strides = array<i32>} : memref<32x512xf32, #tpu.memory_space<vmem>>, vector<1x16xf32>,
      %swap3A_449 = arith.index_cast %scan3A_408 : i32 to index
      %swap3A_450 = arith.constant 128 : index
      %swap3A_451 = tpu.vector_load %arg11[%swap3A_449, %swap3A_450] {strides = array<i32>} : memref<32x512xf32, #tpu.memory_space<vmem>>, vector<1x16xf32>,
      %swap3A_452 = vector.shape_cast %swap3A_451 : vector<1x16xf32> to vector<16xf32>
      %swap3A_453 = vector.shape_cast %broadcast_in_dim3A_3 : vector<16xf32> to vector<1x16xf32>
      tpu.vector_store %arg11[%swap3A_449, %swap3A_450], %swap3A_453 {strides = array<i32>} : memref<32x512xf32, #tpu.memory_space<vmem>>, vector<1x16xf32>,
      %swap3A_454 = arith.index_cast %scan3A_408 : i32 to index
      %swap3A_455 = arith.constant 144 : index
      %swap3A_456 = tpu.vector_load %arg11[%swap3A_454, %swap3A_455] {strides = array<i32>} : memref<32x512xf32, #tpu.memory_space<vmem>>, vector<1x16xf32>,
      %swap3A_457 = vector.shape_cast %swap3A_456 : vector<1x16xf32> to vector<16xf32>
      %swap3A_458 = vector.shape_cast %broadcast_in_dim3A_3 : vector<16xf32> to vector<1x16xf32>
      tpu.vector_store %arg11[%swap3A_454, %swap3A_455], %swap3A_458 {strides = array<i32>} : memref<32x512xf32, #tpu.memory_space<vmem>>, vector<1x16xf32>,
      %swap3A_459 = arith.index_cast %scan3A_408 : i32 to index
      %swap3A_460 = arith.constant 160 : index
      %swap3A_461 = tpu.vector_load %arg11[%swap3A_459, %swap3A_460] {strides = array<i32>} : memref<32x512xf32, #tpu.memory_space<vmem>>, vector<1x16xf32>,
      %swap3A_462 = vector.shape_cast %swap3A_461 : vector<1x16xf32> to vector<16xf32>
      %swap3A_463 = vector.shape_cast %broadcast_in_dim3A_3 : vector<16xf32> to vector<1x16xf32>
      tpu.vector_store %arg11[%swap3A_459, %swap3A_460], %swap3A_463 {strides = array<i32>} : memref<32x512xf32, #tpu.memory_space<vmem>>, vector<1x16xf32>,
      %swap3A_464 = arith.index_cast %scan3A_408 : i32 to index
      %swap3A_465 = arith.constant 176 : index
      %swap3A_466 = tpu.vector_load %arg11[%swap3A_464, %swap3A_465] {strides = array<i32>} : memref<32x512xf32, #tpu.memory_space<vmem>>, vector<1x16xf32>,
      %swap3A_467 = vector.shape_cast %swap3A_466 : vector<1x16xf32> to vector<16xf32>
      %swap3A_468 = vector.shape_cast %broadcast_in_dim3A_3 : vector<16xf32> to vector<1x16xf32>
      tpu.vector_store %arg11[%swap3A_464, %swap3A_465], %swap3A_468 {strides = array<i32>} : memref<32x512xf32, #tpu.memory_space<vmem>>, vector<1x16xf32>,
      %swap3A_469 = arith.index_cast %scan3A_408 : i32 to index
      %swap3A_470 = arith.constant 192 : index
      %swap3A_471 = tpu.vector_load %arg11[%swap3A_469, %swap3A_470] {strides = array<i32>} : memref<32x512xf32, #tpu.memory_space<vmem>>, vector<1x16xf32>,
      %swap3A_472 = vector.shape_cast %swap3A_471 : vector<1x16xf32> to vector<16xf32>
      %swap3A_473 = vector.shape_cast %broadcast_in_dim3A_3 : vector<16xf32> to vector<1x16xf32>
      tpu.vector_store %arg11[%swap3A_469, %swap3A_470], %swap3A_473 {strides = array<i32>} : memref<32x512xf32, #tpu.memory_space<vmem>>, vector<1x16xf32>,
      %swap3A_474 = arith.index_cast %scan3A_408 : i32 to index
      %swap3A_475 = arith.constant 208 : index
      %swap3A_476 = tpu.vector_load %arg11[%swap3A_474, %swap3A_475] {strides = array<i32>} : memref<32x512xf32, #tpu.memory_space<vmem>>, vector<1x16xf32>,
      %swap3A_477 = vector.shape_cast %swap3A_476 : vector<1x16xf32> to vector<16xf32>
      %swap3A_478 = vector.shape_cast %broadcast_in_dim3A_3 : vector<16xf32> to vector<1x16xf32>
      tpu.vector_store %arg11[%swap3A_474, %swap3A_475], %swap3A_478 {strides = array<i32>} : memref<32x512xf32, #tpu.memory_space<vmem>>, vector<1x16xf32>,
      %swap3A_479 = arith.index_cast %scan3A_408 : i32 to index
      %swap3A_480 = arith.constant 224 : index
      %swap3A_481 = tpu.vector_load %arg11[%swap3A_479, %swap3A_480] {strides = array<i32>} : memref<32x512xf32, #tpu.memory_space<vmem>>, vector<1x16xf32>,
      %swap3A_482 = vector.shape_cast %swap3A_481 : vector<1x16xf32> to vector<16xf32>
      %swap3A_483 = vector.shape_cast %broadcast_in_dim3A_3 : vector<16xf32> to vector<1x16xf32>
      tpu.vector_store %arg11[%swap3A_479, %swap3A_480], %swap3A_483 {strides = array<i32>} : memref<32x512xf32, #tpu.memory_space<vmem>>, vector<1x16xf32>,
      %swap3A_484 = arith.index_cast %scan3A_408 : i32 to index
      %swap3A_485 = arith.constant 240 : index
      %swap3A_486 = tpu.vector_load %arg11[%swap3A_484, %swap3A_485] {strides = array<i32>} : memref<32x512xf32, #tpu.memory_space<vmem>>, vector<1x16xf32>,
      %swap3A_487 = vector.shape_cast %swap3A_486 : vector<1x16xf32> to vector<16xf32>
      %swap3A_488 = vector.shape_cast %broadcast_in_dim3A_3 : vector<16xf32> to vector<1x16xf32>
      tpu.vector_store %arg11[%swap3A_484, %swap3A_485], %swap3A_488 {strides = array<i32>} : memref<32x512xf32, #tpu.memory_space<vmem>>, vector<1x16xf32>,
      %swap3A_489 = arith.index_cast %scan3A_408 : i32 to index
      %swap3A_490 = arith.constant 256 : index
      %swap3A_491 = tpu.vector_load %arg11[%swap3A_489, %swap3A_490] {strides = array<i32>} : memref<32x512xf32, #tpu.memory_space<vmem>>, vector<1x16xf32>,
      %swap3A_492 = vector.shape_cast %swap3A_491 : vector<1x16xf32> to vector<16xf32>
      %swap3A_493 = vector.shape_cast %broadcast_in_dim3A_3 : vector<16xf32> to vector<1x16xf32>
      tpu.vector_store %arg11[%swap3A_489, %swap3A_490], %swap3A_493 {strides = array<i32>} : memref<32x512xf32, #tpu.memory_space<vmem>>, vector<1x16xf32>,
      %swap3A_494 = arith.index_cast %scan3A_408 : i32 to index
      %swap3A_495 = arith.constant 272 : index
      %swap3A_496 = tpu.vector_load %arg11[%swap3A_494, %swap3A_495] {strides = array<i32>} : memref<32x512xf32, #tpu.memory_space<vmem>>, vector<1x16xf32>,
      %swap3A_497 = vector.shape_cast %swap3A_496 : vector<1x16xf32> to vector<16xf32>
      %swap3A_498 = vector.shape_cast %broadcast_in_dim3A_3 : vector<16xf32> to vector<1x16xf32>
      tpu.vector_store %arg11[%swap3A_494, %swap3A_495], %swap3A_498 {strides = array<i32>} : memref<32x512xf32, #tpu.memory_space<vmem>>, vector<1x16xf32>,
      %swap3A_499 = arith.index_cast %scan3A_408 : i32 to index
      %swap3A_500 = arith.constant 288 : index
      %swap3A_501 = tpu.vector_load %arg11[%swap3A_499, %swap3A_500] {strides = array<i32>} : memref<32x512xf32, #tpu.memory_space<vmem>>, vector<1x16xf32>,
      %swap3A_502 = vector.shape_cast %swap3A_501 : vector<1x16xf32> to vector<16xf32>
      %swap3A_503 = vector.shape_cast %broadcast_in_dim3A_3 : vector<16xf32> to vector<1x16xf32>
      tpu.vector_store %arg11[%swap3A_499, %swap3A_500], %swap3A_503 {strides = array<i32>} : memref<32x512xf32, #tpu.memory_space<vmem>>, vector<1x16xf32>,
      %swap3A_504 = arith.index_cast %scan3A_408 : i32 to index
      %swap3A_505 = arith.constant 304 : index
      %swap3A_506 = tpu.vector_load %arg11[%swap3A_504, %swap3A_505] {strides = array<i32>} : memref<32x512xf32, #tpu.memory_space<vmem>>, vector<1x16xf32>,
      %swap3A_507 = vector.shape_cast %swap3A_506 : vector<1x16xf32> to vector<16xf32>
      %swap3A_508 = vector.shape_cast %broadcast_in_dim3A_3 : vector<16xf32> to vector<1x16xf32>
      tpu.vector_store %arg11[%swap3A_504, %swap3A_505], %swap3A_508 {strides = array<i32>} : memref<32x512xf32, #tpu.memory_space<vmem>>, vector<1x16xf32>,
      %swap3A_509 = arith.index_cast %scan3A_408 : i32 to index
      %swap3A_510 = arith.constant 320 : index
      %swap3A_511 = tpu.vector_load %arg11[%swap3A_509, %swap3A_510] {strides = array<i32>} : memref<32x512xf32, #tpu.memory_space<vmem>>, vector<1x16xf32>,
      %swap3A_512 = vector.shape_cast %swap3A_511 : vector<1x16xf32> to vector<16xf32>
      %swap3A_513 = vector.shape_cast %broadcast_in_dim3A_3 : vector<16xf32> to vector<1x16xf32>
      tpu.vector_store %arg11[%swap3A_509, %swap3A_510], %swap3A_513 {strides = array<i32>} : memref<32x512xf32, #tpu.memory_space<vmem>>, vector<1x16xf32>,
      %swap3A_514 = arith.index_cast %scan3A_408 : i32 to index
      %swap3A_515 = arith.constant 336 : index
      %swap3A_516 = tpu.vector_load %arg11[%swap3A_514, %swap3A_515] {strides = array<i32>} : memref<32x512xf32, #tpu.memory_space<vmem>>, vector<1x16xf32>,
      %swap3A_517 = vector.shape_cast %swap3A_516 : vector<1x16xf32> to vector<16xf32>
      %swap3A_518 = vector.shape_cast %broadcast_in_dim3A_3 : vector<16xf32> to vector<1x16xf32>
      tpu.vector_store %arg11[%swap3A_514, %swap3A_515], %swap3A_518 {strides = array<i32>} : memref<32x512xf32, #tpu.memory_space<vmem>>, vector<1x16xf32>,
      %swap3A_519 = arith.index_cast %scan3A_408 : i32 to index
      %swap3A_520 = arith.constant 352 : index
      %swap3A_521 = tpu.vector_load %arg11[%swap3A_519, %swap3A_520] {strides = array<i32>} : memref<32x512xf32, #tpu.memory_space<vmem>>, vector<1x16xf32>,
      %swap3A_522 = vector.shape_cast %swap3A_521 : vector<1x16xf32> to vector<16xf32>
      %swap3A_523 = vector.shape_cast %broadcast_in_dim3A_3 : vector<16xf32> to vector<1x16xf32>
      tpu.vector_store %arg11[%swap3A_519, %swap3A_520], %swap3A_523 {strides = array<i32>} : memref<32x512xf32, #tpu.memory_space<vmem>>, vector<1x16xf32>,
      %swap3A_524 = arith.index_cast %scan3A_408 : i32 to index
      %swap3A_525 = arith.constant 368 : index
      %swap3A_526 = tpu.vector_load %arg11[%swap3A_524, %swap3A_525] {strides = array<i32>} : memref<32x512xf32, #tpu.memory_space<vmem>>, vector<1x16xf32>,
      %swap3A_527 = vector.shape_cast %swap3A_526 : vector<1x16xf32> to vector<16xf32>
      %swap3A_528 = vector.shape_cast %broadcast_in_dim3A_3 : vector<16xf32> to vector<1x16xf32>
      tpu.vector_store %arg11[%swap3A_524, %swap3A_525], %swap3A_528 {strides = array<i32>} : memref<32x512xf32, #tpu.memory_space<vmem>>, vector<1x16xf32>,
      %swap3A_529 = arith.index_cast %scan3A_408 : i32 to index
      %swap3A_530 = arith.constant 384 : index
      %swap3A_531 = tpu.vector_load %arg11[%swap3A_529, %swap3A_530] {strides = array<i32>} : memref<32x512xf32, #tpu.memory_space<vmem>>, vector<1x16xf32>,
      %swap3A_532 = vector.shape_cast %swap3A_531 : vector<1x16xf32> to vector<16xf32>
      %swap3A_533 = vector.shape_cast %broadcast_in_dim3A_3 : vector<16xf32> to vector<1x16xf32>
      tpu.vector_store %arg11[%swap3A_529, %swap3A_530], %swap3A_533 {strides = array<i32>} : memref<32x512xf32, #tpu.memory_space<vmem>>, vector<1x16xf32>,
      %swap3A_534 = arith.index_cast %scan3A_408 : i32 to index
      %swap3A_535 = arith.constant 400 : index
      %swap3A_536 = tpu.vector_load %arg11[%swap3A_534, %swap3A_535] {strides = array<i32>} : memref<32x512xf32, #tpu.memory_space<vmem>>, vector<1x16xf32>,
      %swap3A_537 = vector.shape_cast %swap3A_536 : vector<1x16xf32> to vector<16xf32>
      %swap3A_538 = vector.shape_cast %broadcast_in_dim3A_3 : vector<16xf32> to vector<1x16xf32>
      tpu.vector_store %arg11[%swap3A_534, %swap3A_535], %swap3A_538 {strides = array<i32>} : memref<32x512xf32, #tpu.memory_space<vmem>>, vector<1x16xf32>,
      %swap3A_539 = arith.index_cast %scan3A_408 : i32 to index
      %swap3A_540 = arith.constant 416 : index
      %swap3A_541 = tpu.vector_load %arg11[%swap3A_539, %swap3A_540] {strides = array<i32>} : memref<32x512xf32, #tpu.memory_space<vmem>>, vector<1x16xf32>,
      %swap3A_542 = vector.shape_cast %swap3A_541 : vector<1x16xf32> to vector<16xf32>
      %swap3A_543 = vector.shape_cast %broadcast_in_dim3A_3 : vector<16xf32> to vector<1x16xf32>
      tpu.vector_store %arg11[%swap3A_539, %swap3A_540], %swap3A_543 {strides = array<i32>} : memref<32x512xf32, #tpu.memory_space<vmem>>, vector<1x16xf32>,
      %swap3A_544 = arith.index_cast %scan3A_408 : i32 to index
      %swap3A_545 = arith.constant 432 : index
      %swap3A_546 = tpu.vector_load %arg11[%swap3A_544, %swap3A_545] {strides = array<i32>} : memref<32x512xf32, #tpu.memory_space<vmem>>, vector<1x16xf32>,
      %swap3A_547 = vector.shape_cast %swap3A_546 : vector<1x16xf32> to vector<16xf32>
      %swap3A_548 = vector.shape_cast %broadcast_in_dim3A_3 : vector<16xf32> to vector<1x16xf32>
      tpu.vector_store %arg11[%swap3A_544, %swap3A_545], %swap3A_548 {strides = array<i32>} : memref<32x512xf32, #tpu.memory_space<vmem>>, vector<1x16xf32>,
      %swap3A_549 = arith.index_cast %scan3A_408 : i32 to index
      %swap3A_550 = arith.constant 448 : index
      %swap3A_551 = tpu.vector_load %arg11[%swap3A_549, %swap3A_550] {strides = array<i32>} : memref<32x512xf32, #tpu.memory_space<vmem>>, vector<1x16xf32>,
      %swap3A_552 = vector.shape_cast %swap3A_551 : vector<1x16xf32> to vector<16xf32>
      %swap3A_553 = vector.shape_cast %broadcast_in_dim3A_3 : vector<16xf32> to vector<1x16xf32>
      tpu.vector_store %arg11[%swap3A_549, %swap3A_550], %swap3A_553 {strides = array<i32>} : memref<32x512xf32, #tpu.memory_space<vmem>>, vector<1x16xf32>,
      %swap3A_554 = arith.index_cast %scan3A_408 : i32 to index
      %swap3A_555 = arith.constant 464 : index
      %swap3A_556 = tpu.vector_load %arg11[%swap3A_554, %swap3A_555] {strides = array<i32>} : memref<32x512xf32, #tpu.memory_space<vmem>>, vector<1x16xf32>,
      %swap3A_557 = vector.shape_cast %swap3A_556 : vector<1x16xf32> to vector<16xf32>
      %swap3A_558 = vector.shape_cast %broadcast_in_dim3A_3 : vector<16xf32> to vector<1x16xf32>
      tpu.vector_store %arg11[%swap3A_554, %swap3A_555], %swap3A_558 {strides = array<i32>} : memref<32x512xf32, #tpu.memory_space<vmem>>, vector<1x16xf32>,
      %swap3A_559 = arith.index_cast %scan3A_408 : i32 to index
      %swap3A_560 = arith.constant 480 : index
      %swap3A_561 = tpu.vector_load %arg11[%swap3A_559, %swap3A_560] {strides = array<i32>} : memref<32x512xf32, #tpu.memory_space<vmem>>, vector<1x16xf32>,
      %swap3A_562 = vector.shape_cast %swap3A_561 : vector<1x16xf32> to vector<16xf32>
      %swap3A_563 = vector.shape_cast %broadcast_in_dim3A_3 : vector<16xf32> to vector<1x16xf32>
      tpu.vector_store %arg11[%swap3A_559, %swap3A_560], %swap3A_563 {strides = array<i32>} : memref<32x512xf32, #tpu.memory_space<vmem>>, vector<1x16xf32>,
      %swap3A_564 = arith.index_cast %scan3A_408 : i32 to index
      %swap3A_565 = arith.constant 496 : index
      %swap3A_566 = tpu.vector_load %arg11[%swap3A_564, %swap3A_565] {strides = array<i32>} : memref<32x512xf32, #tpu.memory_space<vmem>>, vector<1x16xf32>,
      %swap3A_567 = vector.shape_cast %swap3A_566 : vector<1x16xf32> to vector<16xf32>
      %swap3A_568 = vector.shape_cast %broadcast_in_dim3A_3 : vector<16xf32> to vector<1x16xf32>
      tpu.vector_store %arg11[%swap3A_564, %swap3A_565], %swap3A_568 {strides = array<i32>} : memref<32x512xf32, #tpu.memory_space<vmem>>, vector<1x16xf32>,
      %swap3A_569 = arith.index_cast %scan3A_408 : i32 to index
      %swap3A_570 = arith.constant 0 : index
      %swap3A_571 = tpu.vector_load %arg12[%swap3A_569, %swap3A_570] {strides = array<i32>} : memref<32x16xf32, #tpu.memory_space<vmem>>, vector<1x16xf32>,
      %swap3A_572 = vector.shape_cast %swap3A_571 : vector<1x16xf32> to vector<16xf32>
      %swap3A_573 = vector.shape_cast %broadcast_in_dim3A_3 : vector<16xf32> to vector<1x16xf32>
      tpu.vector_store %arg12[%swap3A_569, %swap3A_570], %swap3A_573 {strides = array<i32>} : memref<32x16xf32, #tpu.memory_space<vmem>>, vector<1x16xf32>,
    }
    %scan3A_12 = arith.constant 32 : i32
    %jit3A = arith.constant 8 : i32
    %div3A = arith.divsi %squeeze3A, %jit3A : i32
    %sign3A = arith.constant 0 : i32
    %sign3A_13 = arith.cmpi sgt, %squeeze3A, %sign3A : i32
    %sign3A_14 = arith.extui %sign3A_13 : i1 to i32
    %sign3A_15 = arith.constant 0 : i32
    %sign3A_16 = arith.cmpi slt, %squeeze3A, %sign3A_15 : i32
    %sign3A_17 = arith.extui %sign3A_16 : i1 to i32
    %sign3A_18 = arith.subi %sign3A_14, %sign3A_17 : i32
    %sign3A_19 = arith.constant 0 : i32
    %sign3A_20 = arith.cmpi sgt, %jit3A, %sign3A_19 : i32
    %sign3A_21 = arith.extui %sign3A_20 : i1 to i32
    %sign3A_22 = arith.constant 0 : i32
    %sign3A_23 = arith.cmpi slt, %jit3A, %sign3A_22 : i32
    %sign3A_24 = arith.extui %sign3A_23 : i1 to i32
    %sign3A_25 = arith.subi %sign3A_21, %sign3A_24 : i32
    %ne3A = arith.cmpi ne, %sign3A_18, %sign3A_25 : i32
    %rem3A = arith.remsi %squeeze3A, %jit3A : i32
    %ne3A_26 = arith.constant 0 : i32
    %ne3A_27 = arith.cmpi ne, %rem3A, %ne3A_26 : i32
    %and3A = arith.andi %ne3A, %ne3A_27 : i1
    %sub3A = arith.constant 1 : i32
    %sub3A_28 = arith.subi %div3A, %sub3A : i32
    %select_n3A = arith.select %and3A, %sub3A_28, %div3A : i32
    %mul3A_29 = arith.constant 8 : i32
    %mul3A_30 = arith.muli %select_n3A, %mul3A_29 : i32
    %sub3A_31 = arith.subi %squeeze3A_7, %mul3A_30 : i32
    %add3A_32 = arith.constant 64 : i32
    %add3A_33 = arith.addi %sub3A_31, %add3A_32 : i32
    %sub3A_34 = arith.constant 1 : i32
    %sub3A_35 = arith.subi %add3A_33, %sub3A_34 : i32
    %jit3A_36 = arith.constant 64 : i32
    %div3A_37 = arith.divsi %sub3A_35, %jit3A_36 : i32
    %sign3A_38 = arith.constant 0 : i32
    %sign3A_39 = arith.cmpi sgt, %sub3A_35, %sign3A_38 : i32
    %sign3A_40 = arith.extui %sign3A_39 : i1 to i32
    %sign3A_41 = arith.constant 0 : i32
    %sign3A_42 = arith.cmpi slt, %sub3A_35, %sign3A_41 : i32
    %sign3A_43 = arith.extui %sign3A_42 : i1 to i32
    %sign3A_44 = arith.subi %sign3A_40, %sign3A_43 : i32
    %sign3A_45 = arith.constant 0 : i32
    %sign3A_46 = arith.cmpi sgt, %jit3A_36, %sign3A_45 : i32
    %sign3A_47 = arith.extui %sign3A_46 : i1 to i32
    %sign3A_48 = arith.constant 0 : i32
    %sign3A_49 = arith.cmpi slt, %jit3A_36, %sign3A_48 : i32
    %sign3A_50 = arith.extui %sign3A_49 : i1 to i32
    %sign3A_51 = arith.subi %sign3A_47, %sign3A_50 : i32
    %ne3A_52 = arith.cmpi ne, %sign3A_44, %sign3A_51 : i32
    %rem3A_53 = arith.remsi %sub3A_35, %jit3A_36 : i32
    %ne3A_54 = arith.constant 0 : i32
    %ne3A_55 = arith.cmpi ne, %rem3A_53, %ne3A_54 : i32
    %and3A_56 = arith.andi %ne3A_52, %ne3A_55 : i1
    %sub3A_57 = arith.constant 1 : i32
    %sub3A_58 = arith.subi %div3A_37, %sub3A_57 : i32
    %select_n3A_59 = arith.select %and3A_56, %sub3A_58, %div3A_37 : i32
    %gt3A = arith.constant 0 : i32
    %gt3A_60 = arith.cmpi sgt, %select_n3A_59, %gt3A : i32
    %convert_element_type3A = arith.extui %gt3A_60 : i1 to i32
    %cond3A = arith.constant 0 : i32
    %cond3A_61 = arith.cmpi ne, %convert_element_type3A, %cond3A : i32
    scf.if %cond3A_61 {
      %add3A_408 = arith.constant 0 : i32
      %add3A_409 = arith.addi %mul3A_30, %add3A_408 : i32
      %min3A = arith.constant 99936 : i32
      %min3A_410 = arith.minsi %add3A_409, %min3A : i32
      %dma_start3A = arith.constant 0 : i32
      %dma_start3A_411 = arith.constant 0 : i32
      %dma_start3A_412 = arith.constant 0 : i32
      %dma_start3A_413 = arith.constant 0 : i32
      %dma_start3A_414 = tpu.memref_slice %arg7[%dma_start3A, %dma_start3A_412, %dma_start3A_413] : memref<2x64x512xf32, #tpu.memory_space<vmem>> -> memref<1x64x512xf32, #tpu.memory_space<vmem>>
      %dma_start3A_415 = tpu.memref_squeeze %dma_start3A_414 : memref<1x64x512xf32, #tpu.memory_space<vmem>> -> memref<64x512xf32, #tpu.memory_space<vmem>>
      %dma_start3A_416 = arith.constant 0 : i32
      %dma_start3A_417 = tpu.memref_slice %arg2[%min3A_410, %dma_start3A_416] : memref<100000x512xf32, #tpu.memory_space<hbm>> -> memref<64x512xf32, #tpu.memory_space<hbm>>
      %dma_start3A_418 = tpu.memref_slice %arg13[%dma_start3A_411] : memref<2x!tpu.dma_semaphore, #tpu.memory_space<semaphore_mem>> -> memref<1x!tpu.dma_semaphore, #tpu.memory_space<semaphore_mem>>
      %dma_start3A_419 = tpu.memref_squeeze %dma_start3A_418 : memref<1x!tpu.dma_semaphore, #tpu.memory_space<semaphore_mem>> -> memref<!tpu.dma_semaphore, #tpu.memory_space<semaphore_mem>>
      %dma_start3A_420 = arith.constant 0 : i32
      %dma_start3A_421 = arith.constant 0 : i32
      %dma_start3A_422 = tpu.memref_slice %arg7[%dma_start3A, %dma_start3A_420, %dma_start3A_421] : memref<2x64x512xf32, #tpu.memory_space<vmem>> -> memref<1x64x512xf32, #tpu.memory_space<vmem>>
      %dma_start3A_423 = tpu.memref_squeeze %dma_start3A_422 : memref<1x64x512xf32, #tpu.memory_space<vmem>> -> memref<64x512xf32, #tpu.memory_space<vmem>>
      %dma_start3A_424 = arith.constant 0 : i32
      %dma_start3A_425 = tpu.memref_slice %arg2[%min3A_410, %dma_start3A_424] : memref<100000x512xf32, #tpu.memory_space<hbm>> -> memref<64x512xf32, #tpu.memory_space<hbm>>
      tpu.enqueue_dma source(%dma_start3A_425 : memref<64x512xf32, #tpu.memory_space<hbm>>) target(%dma_start3A_423 : memref<64x512xf32, #tpu.memory_space<vmem>>) target_semaphore(%dma_start3A_419 : memref<!tpu.dma_semaphore, #tpu.memory_space<semaphore_mem>>)
      %dma_start3A_426 = arith.constant 0 : i32
      %dma_start3A_427 = arith.constant 0 : i32
      %dma_start3A_428 = arith.constant 0 : i32
      %dma_start3A_429 = tpu.memref_slice %arg8[%dma_start3A_426, %dma_start3A_428] : memref<2x80xf32, #tpu.memory_space<vmem>> -> memref<1x80xf32, #tpu.memory_space<vmem>>
      %dma_start3A_430 = tpu.memref_squeeze %dma_start3A_429 : memref<1x80xf32, #tpu.memory_space<vmem>> -> memref<80xf32, #tpu.memory_space<vmem>>
      %dma_start3A_431 = arith.constant 0 : i32
      %dma_start3A_432 = tpu.memref_slice %dma_start3A_430[%dma_start3A_431] : memref<80xf32, #tpu.memory_space<vmem>> -> memref<64xf32, #tpu.memory_space<vmem>>
      %dma_start3A_433 = tpu.memref_slice %arg3[%min3A_410] : memref<100000xf32, #tpu.memory_space<hbm>> -> memref<64xf32, #tpu.memory_space<hbm>>
      %dma_start3A_434 = tpu.memref_slice %arg13[%dma_start3A_427] : memref<2x!tpu.dma_semaphore, #tpu.memory_space<semaphore_mem>> -> memref<1x!tpu.dma_semaphore, #tpu.memory_space<semaphore_mem>>
      %dma_start3A_435 = tpu.memref_squeeze %dma_start3A_434 : memref<1x!tpu.dma_semaphore, #tpu.memory_space<semaphore_mem>> -> memref<!tpu.dma_semaphore, #tpu.memory_space<semaphore_mem>>
      %dma_start3A_436 = arith.constant 0 : i32
      %dma_start3A_437 = tpu.memref_slice %arg8[%dma_start3A_426, %dma_start3A_436] : memref<2x80xf32, #tpu.memory_space<vmem>> -> memref<1x80xf32, #tpu.memory_space<vmem>>
      %dma_start3A_438 = tpu.memref_squeeze %dma_start3A_437 : memref<1x80xf32, #tpu.memory_space<vmem>> -> memref<80xf32, #tpu.memory_space<vmem>>
      %dma_start3A_439 = arith.constant 0 : i32
      %dma_start3A_440 = tpu.memref_slice %dma_start3A_438[%dma_start3A_439] : memref<80xf32, #tpu.memory_space<vmem>> -> memref<64xf32, #tpu.memory_space<vmem>>
      %dma_start3A_441 = tpu.memref_slice %arg3[%min3A_410] : memref<100000xf32, #tpu.memory_space<hbm>> -> memref<64xf32, #tpu.memory_space<hbm>>
      tpu.enqueue_dma source(%dma_start3A_441 : memref<64xf32, #tpu.memory_space<hbm>>) target(%dma_start3A_440 : memref<64xf32, #tpu.memory_space<vmem>>) target_semaphore(%dma_start3A_435 : memref<!tpu.dma_semaphore, #tpu.memory_space<semaphore_mem>>)
      %dma_start3A_442 = arith.constant 0 : i32
      %dma_start3A_443 = arith.constant 0 : i32
      %dma_start3A_444 = arith.constant 0 : i32
      %dma_start3A_445 = tpu.memref_slice %arg9[%dma_start3A_442, %dma_start3A_444] : memref<2x80xi32, #tpu.memory_space<vmem>> -> memref<1x80xi32, #tpu.memory_space<vmem>>
      %dma_start3A_446 = tpu.memref_squeeze %dma_start3A_445 : memref<1x80xi32, #tpu.memory_space<vmem>> -> memref<80xi32, #tpu.memory_space<vmem>>
      %dma_start3A_447 = arith.constant 0 : i32
      %dma_start3A_448 = tpu.memref_slice %dma_start3A_446[%dma_start3A_447] : memref<80xi32, #tpu.memory_space<vmem>> -> memref<64xi32, #tpu.memory_space<vmem>>
      %dma_start3A_449 = tpu.memref_slice %arg4[%min3A_410] : memref<100000xi32, #tpu.memory_space<hbm>> -> memref<64xi32, #tpu.memory_space<hbm>>
      %dma_start3A_450 = tpu.memref_slice %arg13[%dma_start3A_443] : memref<2x!tpu.dma_semaphore, #tpu.memory_space<semaphore_mem>> -> memref<1x!tpu.dma_semaphore, #tpu.memory_space<semaphore_mem>>
      %dma_start3A_451 = tpu.memref_squeeze %dma_start3A_450 : memref<1x!tpu.dma_semaphore, #tpu.memory_space<semaphore_mem>> -> memref<!tpu.dma_semaphore, #tpu.memory_space<semaphore_mem>>
      %dma_start3A_452 = arith.constant 0 : i32
      %dma_start3A_453 = tpu.memref_slice %arg9[%dma_start3A_442, %dma_start3A_452] : memref<2x80xi32, #tpu.memory_space<vmem>> -> memref<1x80xi32, #tpu.memory_space<vmem>>
      %dma_start3A_454 = tpu.memref_squeeze %dma_start3A_453 : memref<1x80xi32, #tpu.memory_space<vmem>> -> memref<80xi32, #tpu.memory_space<vmem>>
      %dma_start3A_455 = arith.constant 0 : i32
      %dma_start3A_456 = tpu.memref_slice %dma_start3A_454[%dma_start3A_455] : memref<80xi32, #tpu.memory_space<vmem>> -> memref<64xi32, #tpu.memory_space<vmem>>
      %dma_start3A_457 = tpu.memref_slice %arg4[%min3A_410] : memref<100000xi32, #tpu.memory_space<hbm>> -> memref<64xi32, #tpu.memory_space<hbm>>
      tpu.enqueue_dma source(%dma_start3A_457 : memref<64xi32, #tpu.memory_space<hbm>>) target(%dma_start3A_456 : memref<64xi32, #tpu.memory_space<vmem>>) target_semaphore(%dma_start3A_451 : memref<!tpu.dma_semaphore, #tpu.memory_space<semaphore_mem>>)
    } else {
    }
    %while3A = arith.constant 0 : i32
    %while3A_62 = arith.constant 0 : i32
    %while3A_63 = arith.subi %select_n3A_59, %while3A : i32
    %while3A_64 = arith.addi %while3A, %while3A_63 : i32
    %while3A_65 = arith.constant 1 : i32
    %while3A_66 = arith.divsi %while3A_63, %while3A_65 : i32
    %while3A_67 = arith.muli %while3A_66, %while3A_65 : i32
    %while3A_68 = arith.addi %while3A, %while3A_67 : i32
    %while3A_69 = arith.constant 1 : i32
    %while3A_70:34 = scf.for %while3A_408 = %while3A to %while3A_68 step %while3A_69 iter_args(%while3A_409 = %while3A_62, %while3A_410 = %broadcast_in_dim3A_3, %while3A_411 = %broadcast_in_dim3A_3, %while3A_412 = %broadcast_in_dim3A_3, %while3A_413 = %broadcast_in_dim3A_3, %while3A_414 = %broadcast_in_dim3A_3, %while3A_415 = %broadcast_in_dim3A_3, %while3A_416 = %broadcast_in_dim3A_3, %while3A_417 = %broadcast_in_dim3A_3, %while3A_418 = %broadcast_in_dim3A_3, %while3A_419 = %broadcast_in_dim3A_3, %while3A_420 = %broadcast_in_dim3A_3, %while3A_421 = %broadcast_in_dim3A_3, %while3A_422 = %broadcast_in_dim3A_3, %while3A_423 = %broadcast_in_dim3A_3, %while3A_424 = %broadcast_in_dim3A_3, %while3A_425 = %broadcast_in_dim3A_3, %while3A_426 = %broadcast_in_dim3A_3, %while3A_427 = %broadcast_in_dim3A_3, %while3A_428 = %broadcast_in_dim3A_3, %while3A_429 = %broadcast_in_dim3A_3, %while3A_430 = %broadcast_in_dim3A_3, %while3A_431 = %broadcast_in_dim3A_3, %while3A_432 = %broadcast_in_dim3A_3, %while3A_433 = %broadcast_in_dim3A_3, %while3A_434 = %broadcast_in_dim3A_3, %while3A_435 = %broadcast_in_dim3A_3, %while3A_436 = %broadcast_in_dim3A_3, %while3A_437 = %broadcast_in_dim3A_3, %while3A_438 = %broadcast_in_dim3A_3, %while3A_439 = %broadcast_in_dim3A_3, %while3A_440 = %broadcast_in_dim3A_3, %while3A_441 = %broadcast_in_dim3A_3, %while3A_442 = %broadcast_in_dim3A_3) -> (i32, vector<16xf32>, vector<16xf32>, vector<16xf32>, vector<16xf32>, vector<16xf32>, vector<16xf32>, vector<16xf32>, vector<16xf32>, vector<16xf32>, vector<16xf32>, vector<16xf32>, vector<16xf32>, vector<16xf32>, vector<16xf32>, vector<16xf32>, vector<16xf32>, vector<16xf32>, vector<16xf32>, vector<16xf32>, vector<16xf32>, vector<16xf32>, vector<16xf32>, vector<16xf32>, vector<16xf32>, vector<16xf32>, vector<16xf32>, vector<16xf32>, vector<16xf32>, vector<16xf32>, vector<16xf32>, vector<16xf32>, vector<16xf32>, vector<16xf32>)  : i32 {
      %rem3A_443 = arith.constant 2 : i32
      %rem3A_444 = arith.remsi %while3A_408, %rem3A_443 : i32
      %mul3A_445 = arith.constant 64 : i32
      %mul3A_446 = arith.muli %while3A_408, %mul3A_445 : i32
      %add3A_447 = arith.addi %mul3A_30, %mul3A_446 : i32
      %min3A = arith.constant 99936 : i32
      %min3A_448 = arith.minsi %add3A_447, %min3A : i32
      %mul3A_449 = arith.constant 64 : i32
      %mul3A_450 = arith.muli %while3A_408, %mul3A_449 : i32
      %add3A_451 = arith.addi %mul3A_30, %mul3A_450 : i32
      %min3A_452 = arith.constant 99936 : i32
      %min3A_453 = arith.minsi %add3A_451, %min3A_452 : i32
      %dma_wait3A = arith.constant 0 : i32
      %dma_wait3A_454 = arith.constant 0 : i32
      %dma_wait3A_455 = tpu.memref_slice %arg7[%rem3A_444, %dma_wait3A, %dma_wait3A_454] : memref<2x64x512xf32, #tpu.memory_space<vmem>> -> memref<1x64x512xf32, #tpu.memory_space<vmem>>
      %dma_wait3A_456 = tpu.memref_squeeze %dma_wait3A_455 : memref<1x64x512xf32, #tpu.memory_space<vmem>> -> memref<64x512xf32, #tpu.memory_space<vmem>>
      %dma_wait3A_457 = arith.constant 0 : i32
      %dma_wait3A_458 = tpu.memref_slice %arg2[%min3A_453, %dma_wait3A_457] : memref<100000x512xf32, #tpu.memory_space<hbm>> -> memref<64x512xf32, #tpu.memory_space<hbm>>
      %dma_wait3A_459 = tpu.memref_slice %arg13[%rem3A_444] : memref<2x!tpu.dma_semaphore, #tpu.memory_space<semaphore_mem>> -> memref<1x!tpu.dma_semaphore, #tpu.memory_space<semaphore_mem>>
      %dma_wait3A_460 = tpu.memref_squeeze %dma_wait3A_459 : memref<1x!tpu.dma_semaphore, #tpu.memory_space<semaphore_mem>> -> memref<!tpu.dma_semaphore, #tpu.memory_space<semaphore_mem>>
      %dma_wait3A_461 = arith.constant 0 : i32
      %dma_wait3A_462 = arith.constant 0 : i32
      %dma_wait3A_463 = tpu.memref_slice %arg7[%rem3A_444, %dma_wait3A_461, %dma_wait3A_462] : memref<2x64x512xf32, #tpu.memory_space<vmem>> -> memref<1x64x512xf32, #tpu.memory_space<vmem>>
      %dma_wait3A_464 = tpu.memref_squeeze %dma_wait3A_463 : memref<1x64x512xf32, #tpu.memory_space<vmem>> -> memref<64x512xf32, #tpu.memory_space<vmem>>
      %dma_wait3A_465 = arith.constant 0 : i32
      %dma_wait3A_466 = tpu.memref_slice %arg2[%min3A_453, %dma_wait3A_465] : memref<100000x512xf32, #tpu.memory_space<hbm>> -> memref<64x512xf32, #tpu.memory_space<hbm>>
      tpu.wait_dma2 semaphore(%dma_wait3A_460 : memref<!tpu.dma_semaphore, #tpu.memory_space<semaphore_mem>>) src(%dma_wait3A_466 : memref<64x512xf32, #tpu.memory_space<hbm>>) dst(%dma_wait3A_464 : memref<64x512xf32, #tpu.memory_space<vmem>>)
      %dma_wait3A_467 = arith.constant 0 : i32
      %dma_wait3A_468 = tpu.memref_slice %arg8[%rem3A_444, %dma_wait3A_467] : memref<2x80xf32, #tpu.memory_space<vmem>> -> memref<1x80xf32, #tpu.memory_space<vmem>>
      %dma_wait3A_469 = tpu.memref_squeeze %dma_wait3A_468 : memref<1x80xf32, #tpu.memory_space<vmem>> -> memref<80xf32, #tpu.memory_space<vmem>>
      %dma_wait3A_470 = arith.constant 0 : i32
      %dma_wait3A_471 = tpu.memref_slice %dma_wait3A_469[%dma_wait3A_470] : memref<80xf32, #tpu.memory_space<vmem>> -> memref<64xf32, #tpu.memory_space<vmem>>
      %dma_wait3A_472 = tpu.memref_slice %arg3[%min3A_453] : memref<100000xf32, #tpu.memory_space<hbm>> -> memref<64xf32, #tpu.memory_space<hbm>>
      %dma_wait3A_473 = tpu.memref_slice %arg13[%rem3A_444] : memref<2x!tpu.dma_semaphore, #tpu.memory_space<semaphore_mem>> -> memref<1x!tpu.dma_semaphore, #tpu.memory_space<semaphore_mem>>
      %dma_wait3A_474 = tpu.memref_squeeze %dma_wait3A_473 : memref<1x!tpu.dma_semaphore, #tpu.memory_space<semaphore_mem>> -> memref<!tpu.dma_semaphore, #tpu.memory_space<semaphore_mem>>
      %dma_wait3A_475 = arith.constant 0 : i32
      %dma_wait3A_476 = tpu.memref_slice %arg8[%rem3A_444, %dma_wait3A_475] : memref<2x80xf32, #tpu.memory_space<vmem>> -> memref<1x80xf32, #tpu.memory_space<vmem>>
      %dma_wait3A_477 = tpu.memref_squeeze %dma_wait3A_476 : memref<1x80xf32, #tpu.memory_space<vmem>> -> memref<80xf32, #tpu.memory_space<vmem>>
      %dma_wait3A_478 = arith.constant 0 : i32
      %dma_wait3A_479 = tpu.memref_slice %dma_wait3A_477[%dma_wait3A_478] : memref<80xf32, #tpu.memory_space<vmem>> -> memref<64xf32, #tpu.memory_space<vmem>>
      %dma_wait3A_480 = tpu.memref_slice %arg3[%min3A_453] : memref<100000xf32, #tpu.memory_space<hbm>> -> memref<64xf32, #tpu.memory_space<hbm>>
      tpu.wait_dma2 semaphore(%dma_wait3A_474 : memref<!tpu.dma_semaphore, #tpu.memory_space<semaphore_mem>>) src(%dma_wait3A_480 : memref<64xf32, #tpu.memory_space<hbm>>) dst(%dma_wait3A_479 : memref<64xf32, #tpu.memory_space<vmem>>)
      %dma_wait3A_481 = arith.constant 0 : i32
      %dma_wait3A_482 = tpu.memref_slice %arg9[%rem3A_444, %dma_wait3A_481] : memref<2x80xi32, #tpu.memory_space<vmem>> -> memref<1x80xi32, #tpu.memory_space<vmem>>
      %dma_wait3A_483 = tpu.memref_squeeze %dma_wait3A_482 : memref<1x80xi32, #tpu.memory_space<vmem>> -> memref<80xi32, #tpu.memory_space<vmem>>
      %dma_wait3A_484 = arith.constant 0 : i32
      %dma_wait3A_485 = tpu.memref_slice %dma_wait3A_483[%dma_wait3A_484] : memref<80xi32, #tpu.memory_space<vmem>> -> memref<64xi32, #tpu.memory_space<vmem>>
      %dma_wait3A_486 = tpu.memref_slice %arg4[%min3A_453] : memref<100000xi32, #tpu.memory_space<hbm>> -> memref<64xi32, #tpu.memory_space<hbm>>
      %dma_wait3A_487 = tpu.memref_slice %arg13[%rem3A_444] : memref<2x!tpu.dma_semaphore, #tpu.memory_space<semaphore_mem>> -> memref<1x!tpu.dma_semaphore, #tpu.memory_space<semaphore_mem>>
      %dma_wait3A_488 = tpu.memref_squeeze %dma_wait3A_487 : memref<1x!tpu.dma_semaphore, #tpu.memory_space<semaphore_mem>> -> memref<!tpu.dma_semaphore, #tpu.memory_space<semaphore_mem>>
      %dma_wait3A_489 = arith.constant 0 : i32
      %dma_wait3A_490 = tpu.memref_slice %arg9[%rem3A_444, %dma_wait3A_489] : memref<2x80xi32, #tpu.memory_space<vmem>> -> memref<1x80xi32, #tpu.memory_space<vmem>>
      %dma_wait3A_491 = tpu.memref_squeeze %dma_wait3A_490 : memref<1x80xi32, #tpu.memory_space<vmem>> -> memref<80xi32, #tpu.memory_space<vmem>>
      %dma_wait3A_492 = arith.constant 0 : i32
      %dma_wait3A_493 = tpu.memref_slice %dma_wait3A_491[%dma_wait3A_492] : memref<80xi32, #tpu.memory_space<vmem>> -> memref<64xi32, #tpu.memory_space<vmem>>
      %dma_wait3A_494 = tpu.memref_slice %arg4[%min3A_453] : memref<100000xi32, #tpu.memory_space<hbm>> -> memref<64xi32, #tpu.memory_space<hbm>>
      tpu.wait_dma2 semaphore(%dma_wait3A_488 : memref<!tpu.dma_semaphore, #tpu.memory_space<semaphore_mem>>) src(%dma_wait3A_494 : memref<64xi32, #tpu.memory_space<hbm>>) dst(%dma_wait3A_493 : memref<64xi32, #tpu.memory_space<vmem>>)
      %add3A_495 = arith.constant 1 : i32
      %add3A_496 = arith.addi %while3A_408, %add3A_495 : i32
      %lt3A = arith.cmpi slt, %add3A_496, %select_n3A_59 : i32
      %convert_element_type3A_497 = arith.extui %lt3A : i1 to i32
      %cond3A_498 = arith.constant 0 : i32
      %cond3A_499 = arith.cmpi ne, %convert_element_type3A_497, %cond3A_498 : i32
      scf.if %cond3A_499 {
        %add3A_506 = arith.constant 1 : i32
        %add3A_507 = arith.addi %while3A_408, %add3A_506 : i32
        %sub3A_508 = arith.constant 1 : i32
        %sub3A_509 = arith.subi %sub3A_508, %rem3A_444 : i32
        %mul3A_510 = arith.constant 64 : i32
        %mul3A_511 = arith.muli %add3A_507, %mul3A_510 : i32
        %add3A_512 = arith.addi %mul3A_30, %mul3A_511 : i32
        %min3A_513 = arith.constant 99936 : i32
        %min3A_514 = arith.minsi %add3A_512, %min3A_513 : i32
        %dma_start3A = arith.constant 0 : i32
        %dma_start3A_515 = arith.constant 0 : i32
        %dma_start3A_516 = tpu.memref_slice %arg7[%sub3A_509, %dma_start3A, %dma_start3A_515] : memref<2x64x512xf32, #tpu.memory_space<vmem>> -> memref<1x64x512xf32, #tpu.memory_space<vmem>>
        %dma_start3A_517 = tpu.memref_squeeze %dma_start3A_516 : memref<1x64x512xf32, #tpu.memory_space<vmem>> -> memref<64x512xf32, #tpu.memory_space<vmem>>
        %dma_start3A_518 = arith.constant 0 : i32
        %dma_start3A_519 = tpu.memref_slice %arg2[%min3A_514, %dma_start3A_518] : memref<100000x512xf32, #tpu.memory_space<hbm>> -> memref<64x512xf32, #tpu.memory_space<hbm>>
        %dma_start3A_520 = tpu.memref_slice %arg13[%sub3A_509] : memref<2x!tpu.dma_semaphore, #tpu.memory_space<semaphore_mem>> -> memref<1x!tpu.dma_semaphore, #tpu.memory_space<semaphore_mem>>
        %dma_start3A_521 = tpu.memref_squeeze %dma_start3A_520 : memref<1x!tpu.dma_semaphore, #tpu.memory_space<semaphore_mem>> -> memref<!tpu.dma_semaphore, #tpu.memory_space<semaphore_mem>>
        %dma_start3A_522 = arith.constant 0 : i32
        %dma_start3A_523 = arith.constant 0 : i32
        %dma_start3A_524 = tpu.memref_slice %arg7[%sub3A_509, %dma_start3A_522, %dma_start3A_523] : memref<2x64x512xf32, #tpu.memory_space<vmem>> -> memref<1x64x512xf32, #tpu.memory_space<vmem>>
        %dma_start3A_525 = tpu.memref_squeeze %dma_start3A_524 : memref<1x64x512xf32, #tpu.memory_space<vmem>> -> memref<64x512xf32, #tpu.memory_space<vmem>>
        %dma_start3A_526 = arith.constant 0 : i32
        %dma_start3A_527 = tpu.memref_slice %arg2[%min3A_514, %dma_start3A_526] : memref<100000x512xf32, #tpu.memory_space<hbm>> -> memref<64x512xf32, #tpu.memory_space<hbm>>
        tpu.enqueue_dma source(%dma_start3A_527 : memref<64x512xf32, #tpu.memory_space<hbm>>) target(%dma_start3A_525 : memref<64x512xf32, #tpu.memory_space<vmem>>) target_semaphore(%dma_start3A_521 : memref<!tpu.dma_semaphore, #tpu.memory_space<semaphore_mem>>)
        %dma_start3A_528 = arith.constant 0 : i32
        %dma_start3A_529 = tpu.memref_slice %arg8[%sub3A_509, %dma_start3A_528] : memref<2x80xf32, #tpu.memory_space<vmem>> -> memref<1x80xf32, #tpu.memory_space<vmem>>
        %dma_start3A_530 = tpu.memref_squeeze %dma_start3A_529 : memref<1x80xf32, #tpu.memory_space<vmem>> -> memref<80xf32, #tpu.memory_space<vmem>>
        %dma_start3A_531 = arith.constant 0 : i32
        %dma_start3A_532 = tpu.memref_slice %dma_start3A_530[%dma_start3A_531] : memref<80xf32, #tpu.memory_space<vmem>> -> memref<64xf32, #tpu.memory_space<vmem>>
        %dma_start3A_533 = tpu.memref_slice %arg3[%min3A_514] : memref<100000xf32, #tpu.memory_space<hbm>> -> memref<64xf32, #tpu.memory_space<hbm>>
        %dma_start3A_534 = tpu.memref_slice %arg13[%sub3A_509] : memref<2x!tpu.dma_semaphore, #tpu.memory_space<semaphore_mem>> -> memref<1x!tpu.dma_semaphore, #tpu.memory_space<semaphore_mem>>
        %dma_start3A_535 = tpu.memref_squeeze %dma_start3A_534 : memref<1x!tpu.dma_semaphore, #tpu.memory_space<semaphore_mem>> -> memref<!tpu.dma_semaphore, #tpu.memory_space<semaphore_mem>>
        %dma_start3A_536 = arith.constant 0 : i32
        %dma_start3A_537 = tpu.memref_slice %arg8[%sub3A_509, %dma_start3A_536] : memref<2x80xf32, #tpu.memory_space<vmem>> -> memref<1x80xf32, #tpu.memory_space<vmem>>
        %dma_start3A_538 = tpu.memref_squeeze %dma_start3A_537 : memref<1x80xf32, #tpu.memory_space<vmem>> -> memref<80xf32, #tpu.memory_space<vmem>>
        %dma_start3A_539 = arith.constant 0 : i32
        %dma_start3A_540 = tpu.memref_slice %dma_start3A_538[%dma_start3A_539] : memref<80xf32, #tpu.memory_space<vmem>> -> memref<64xf32, #tpu.memory_space<vmem>>
        %dma_start3A_541 = tpu.memref_slice %arg3[%min3A_514] : memref<100000xf32, #tpu.memory_space<hbm>> -> memref<64xf32, #tpu.memory_space<hbm>>
        tpu.enqueue_dma source(%dma_start3A_541 : memref<64xf32, #tpu.memory_space<hbm>>) target(%dma_start3A_540 : memref<64xf32, #tpu.memory_space<vmem>>) target_semaphore(%dma_start3A_535 : memref<!tpu.dma_semaphore, #tpu.memory_space<semaphore_mem>>)
        %dma_start3A_542 = arith.constant 0 : i32
        %dma_start3A_543 = tpu.memref_slice %arg9[%sub3A_509, %dma_start3A_542] : memref<2x80xi32, #tpu.memory_space<vmem>> -> memref<1x80xi32, #tpu.memory_space<vmem>>
        %dma_start3A_544 = tpu.memref_squeeze %dma_start3A_543 : memref<1x80xi32, #tpu.memory_space<vmem>> -> memref<80xi32, #tpu.memory_space<vmem>>
        %dma_start3A_545 = arith.constant 0 : i32
        %dma_start3A_546 = tpu.memref_slice %dma_start3A_544[%dma_start3A_545] : memref<80xi32, #tpu.memory_space<vmem>> -> memref<64xi32, #tpu.memory_space<vmem>>
        %dma_start3A_547 = tpu.memref_slice %arg4[%min3A_514] : memref<100000xi32, #tpu.memory_space<hbm>> -> memref<64xi32, #tpu.memory_space<hbm>>
        %dma_start3A_548 = tpu.memref_slice %arg13[%sub3A_509] : memref<2x!tpu.dma_semaphore, #tpu.memory_space<semaphore_mem>> -> memref<1x!tpu.dma_semaphore, #tpu.memory_space<semaphore_mem>>
        %dma_start3A_549 = tpu.memref_squeeze %dma_start3A_548 : memref<1x!tpu.dma_semaphore, #tpu.memory_space<semaphore_mem>> -> memref<!tpu.dma_semaphore, #tpu.memory_space<semaphore_mem>>
        %dma_start3A_550 = arith.constant 0 : i32
        %dma_start3A_551 = tpu.memref_slice %arg9[%sub3A_509, %dma_start3A_550] : memref<2x80xi32, #tpu.memory_space<vmem>> -> memref<1x80xi32, #tpu.memory_space<vmem>>
        %dma_start3A_552 = tpu.memref_squeeze %dma_start3A_551 : memref<1x80xi32, #tpu.memory_space<vmem>> -> memref<80xi32, #tpu.memory_space<vmem>>
        %dma_start3A_553 = arith.constant 0 : i32
        %dma_start3A_554 = tpu.memref_slice %dma_start3A_552[%dma_start3A_553] : memref<80xi32, #tpu.memory_space<vmem>> -> memref<64xi32, #tpu.memory_space<vmem>>
        %dma_start3A_555 = tpu.memref_slice %arg4[%min3A_514] : memref<100000xi32, #tpu.memory_space<hbm>> -> memref<64xi32, #tpu.memory_space<hbm>>
        tpu.enqueue_dma source(%dma_start3A_555 : memref<64xi32, #tpu.memory_space<hbm>>) target(%dma_start3A_554 : memref<64xi32, #tpu.memory_space<vmem>>) target_semaphore(%dma_start3A_549 : memref<!tpu.dma_semaphore, #tpu.memory_space<semaphore_mem>>)
      } else {
      }
      %scan3A_500 = arith.constant 0 : i32
      %scan3A_501 = arith.constant 64 : i32
      %scan3A_502 = arith.addi %scan3A_500, %scan3A_501 : i32
      %scan3A_503 = arith.constant 1 : i32
      %scan3A_504:34 = scf.for %scan3A_506 = %scan3A_500 to %scan3A_502 step %scan3A_503 iter_args(%scan3A_507 = %while3A_409, %scan3A_508 = %while3A_410, %scan3A_509 = %while3A_411, %scan3A_510 = %while3A_412, %scan3A_511 = %while3A_413, %scan3A_512 = %while3A_414, %scan3A_513 = %while3A_415, %scan3A_514 = %while3A_416, %scan3A_515 = %while3A_417, %scan3A_516 = %while3A_418, %scan3A_517 = %while3A_419, %scan3A_518 = %while3A_420, %scan3A_519 = %while3A_421, %scan3A_520 = %while3A_422, %scan3A_521 = %while3A_423, %scan3A_522 = %while3A_424, %scan3A_523 = %while3A_425, %scan3A_524 = %while3A_426, %scan3A_525 = %while3A_427, %scan3A_526 = %while3A_428, %scan3A_527 = %while3A_429, %scan3A_528 = %while3A_430, %scan3A_529 = %while3A_431, %scan3A_530 = %while3A_432, %scan3A_531 = %while3A_433, %scan3A_532 = %while3A_434, %scan3A_533 = %while3A_435, %scan3A_534 = %while3A_436, %scan3A_535 = %while3A_437, %scan3A_536 = %while3A_438, %scan3A_537 = %while3A_439, %scan3A_538 = %while3A_440, %scan3A_539 = %while3A_441, %scan3A_540 = %while3A_442) -> (i32, vector<16xf32>, vector<16xf32>, vector<16xf32>, vector<16xf32>, vector<16xf32>, vector<16xf32>, vector<16xf32>, vector<16xf32>, vector<16xf32>, vector<16xf32>, vector<16xf32>, vector<16xf32>, vector<16xf32>, vector<16xf32>, vector<16xf32>, vector<16xf32>, vector<16xf32>, vector<16xf32>, vector<16xf32>, vector<16xf32>, vector<16xf32>, vector<16xf32>, vector<16xf32>, vector<16xf32>, vector<16xf32>, vector<16xf32>, vector<16xf32>, vector<16xf32>, vector<16xf32>, vector<16xf32>, vector<16xf32>, vector<16xf32>, vector<16xf32>)  : i32 {
        %add3A_541 = arith.addi %min3A_448, %scan3A_506 : i32
        %ge3A = arith.cmpi sge, %add3A_541, %squeeze3A : i32
        %ge3A_542 = arith.cmpi sge, %add3A_541, %add3A_447 : i32
        %and3A_543 = arith.andi %ge3A, %ge3A_542 : i1
        %lt3A_544 = arith.cmpi slt, %add3A_541, %squeeze3A_7 : i32
        %and3A_545 = arith.andi %and3A_543, %lt3A_544 : i1
        %add3A_546 = arith.constant 64 : i32
        %add3A_547 = arith.addi %add3A_447, %add3A_546 : i32
        %lt3A_548 = arith.cmpi slt, %add3A_541, %add3A_547 : i32
        %and3A_549 = arith.andi %and3A_545, %lt3A_548 : i1
        %get3A_550 = arith.index_cast %rem3A_444 : i32 to index
        %get3A_551 = arith.index_cast %scan3A_506 : i32 to index
        %get3A_552 = tpu.vector_load %arg9[%get3A_550, %get3A_551] {strides = array<i32>} : memref<2x80xi32, #tpu.memory_space<vmem>>, vector<1x16xi32>,
        %get3A_553 = vector.shape_cast %get3A_552 : vector<1x16xi32> to vector<16xi32>
        %slice3A_554 = vector.extract_strided_slice %get3A_553 {offsets = [0], sizes = [1], strides = [1]} : vector<16xi32> to vector<1xi32>
        %squeeze3A_555 = vector.extract %slice3A_554[0] : i32 from vector<1xi32>
        %sub3A_556 = arith.subi %squeeze3A_555, %mul3A_2 : i32
        %jit3A_557 = arith.constant 0 : i32
        %jit3A_558 = arith.constant 31 : i32
        %max3A = arith.maxsi %jit3A_557, %sub3A_556 : i32
        %min3A_559 = arith.minsi %jit3A_558, %max3A : i32
        %ne3A_560 = arith.cmpi ne, %min3A_559, %scan3A_507 : i32
        %convert_element_type3A_561 = arith.extui %ne3A_560 : i1 to i32
        %cond3A_562 = arith.constant 0 : i32
        %cond3A_563 = arith.cmpi ne, %convert_element_type3A_561, %cond3A_562 : i32
        scf.if %cond3A_563 {
          %get3A_847 = arith.index_cast %scan3A_507 : i32 to index
          %get3A_848 = arith.constant 0 : index
          %get3A_849 = tpu.vector_load %arg11[%get3A_847, %get3A_848] {strides = array<i32>} : memref<32x512xf32, #tpu.memory_space<vmem>>, vector<1x16xf32>,
          %get3A_850 = vector.shape_cast %get3A_849 : vector<1x16xf32> to vector<16xf32>
          %add3A_851 = arith.addf %get3A_850, %scan3A_509 : vector<16xf32>
          %swap3A_852 = arith.index_cast %scan3A_507 : i32 to index
          %swap3A_853 = arith.constant 0 : index
          %swap3A_854 = tpu.vector_load %arg11[%swap3A_852, %swap3A_853] {strides = array<i32>} : memref<32x512xf32, #tpu.memory_space<vmem>>, vector<1x16xf32>,
          %swap3A_855 = vector.shape_cast %swap3A_854 : vector<1x16xf32> to vector<16xf32>
          %swap3A_856 = vector.shape_cast %add3A_851 : vector<16xf32> to vector<1x16xf32>
          tpu.vector_store %arg11[%swap3A_852, %swap3A_853], %swap3A_856 {strides = array<i32>} : memref<32x512xf32, #tpu.memory_space<vmem>>, vector<1x16xf32>,
          %get3A_857 = arith.index_cast %scan3A_507 : i32 to index
          %get3A_858 = arith.constant 16 : index
          %get3A_859 = tpu.vector_load %arg11[%get3A_857, %get3A_858] {strides = array<i32>} : memref<32x512xf32, #tpu.memory_space<vmem>>, vector<1x16xf32>,
          %get3A_860 = vector.shape_cast %get3A_859 : vector<1x16xf32> to vector<16xf32>
          %add3A_861 = arith.addf %get3A_860, %scan3A_510 : vector<16xf32>
          %swap3A_862 = arith.index_cast %scan3A_507 : i32 to index
          %swap3A_863 = arith.constant 16 : index
          %swap3A_864 = tpu.vector_load %arg11[%swap3A_862, %swap3A_863] {strides = array<i32>} : memref<32x512xf32, #tpu.memory_space<vmem>>, vector<1x16xf32>,
          %swap3A_865 = vector.shape_cast %swap3A_864 : vector<1x16xf32> to vector<16xf32>
          %swap3A_866 = vector.shape_cast %add3A_861 : vector<16xf32> to vector<1x16xf32>
          tpu.vector_store %arg11[%swap3A_862, %swap3A_863], %swap3A_866 {strides = array<i32>} : memref<32x512xf32, #tpu.memory_space<vmem>>, vector<1x16xf32>,
          %get3A_867 = arith.index_cast %scan3A_507 : i32 to index
          %get3A_868 = arith.constant 32 : index
          %get3A_869 = tpu.vector_load %arg11[%get3A_867, %get3A_868] {strides = array<i32>} : memref<32x512xf32, #tpu.memory_space<vmem>>, vector<1x16xf32>,
          %get3A_870 = vector.shape_cast %get3A_869 : vector<1x16xf32> to vector<16xf32>
          %add3A_871 = arith.addf %get3A_870, %scan3A_511 : vector<16xf32>
          %swap3A_872 = arith.index_cast %scan3A_507 : i32 to index
          %swap3A_873 = arith.constant 32 : index
          %swap3A_874 = tpu.vector_load %arg11[%swap3A_872, %swap3A_873] {strides = array<i32>} : memref<32x512xf32, #tpu.memory_space<vmem>>, vector<1x16xf32>,
          %swap3A_875 = vector.shape_cast %swap3A_874 : vector<1x16xf32> to vector<16xf32>
          %swap3A_876 = vector.shape_cast %add3A_871 : vector<16xf32> to vector<1x16xf32>
          tpu.vector_store %arg11[%swap3A_872, %swap3A_873], %swap3A_876 {strides = array<i32>} : memref<32x512xf32, #tpu.memory_space<vmem>>, vector<1x16xf32>,
          %get3A_877 = arith.index_cast %scan3A_507 : i32 to index
          %get3A_878 = arith.constant 48 : index
          %get3A_879 = tpu.vector_load %arg11[%get3A_877, %get3A_878] {strides = array<i32>} : memref<32x512xf32, #tpu.memory_space<vmem>>, vector<1x16xf32>,
          %get3A_880 = vector.shape_cast %get3A_879 : vector<1x16xf32> to vector<16xf32>
          %add3A_881 = arith.addf %get3A_880, %scan3A_512 : vector<16xf32>
          %swap3A_882 = arith.index_cast %scan3A_507 : i32 to index
          %swap3A_883 = arith.constant 48 : index
          %swap3A_884 = tpu.vector_load %arg11[%swap3A_882, %swap3A_883] {strides = array<i32>} : memref<32x512xf32, #tpu.memory_space<vmem>>, vector<1x16xf32>,
          %swap3A_885 = vector.shape_cast %swap3A_884 : vector<1x16xf32> to vector<16xf32>
          %swap3A_886 = vector.shape_cast %add3A_881 : vector<16xf32> to vector<1x16xf32>
          tpu.vector_store %arg11[%swap3A_882, %swap3A_883], %swap3A_886 {strides = array<i32>} : memref<32x512xf32, #tpu.memory_space<vmem>>, vector<1x16xf32>,
          %get3A_887 = arith.index_cast %scan3A_507 : i32 to index
          %get3A_888 = arith.constant 64 : index
          %get3A_889 = tpu.vector_load %arg11[%get3A_887, %get3A_888] {strides = array<i32>} : memref<32x512xf32, #tpu.memory_space<vmem>>, vector<1x16xf32>,
          %get3A_890 = vector.shape_cast %get3A_889 : vector<1x16xf32> to vector<16xf32>
          %add3A_891 = arith.addf %get3A_890, %scan3A_513 : vector<16xf32>
          %swap3A_892 = arith.index_cast %scan3A_507 : i32 to index
          %swap3A_893 = arith.constant 64 : index
          %swap3A_894 = tpu.vector_load %arg11[%swap3A_892, %swap3A_893] {strides = array<i32>} : memref<32x512xf32, #tpu.memory_space<vmem>>, vector<1x16xf32>,
          %swap3A_895 = vector.shape_cast %swap3A_894 : vector<1x16xf32> to vector<16xf32>
          %swap3A_896 = vector.shape_cast %add3A_891 : vector<16xf32> to vector<1x16xf32>
          tpu.vector_store %arg11[%swap3A_892, %swap3A_893], %swap3A_896 {strides = array<i32>} : memref<32x512xf32, #tpu.memory_space<vmem>>, vector<1x16xf32>,
          %get3A_897 = arith.index_cast %scan3A_507 : i32 to index
          %get3A_898 = arith.constant 80 : index
          %get3A_899 = tpu.vector_load %arg11[%get3A_897, %get3A_898] {strides = array<i32>} : memref<32x512xf32, #tpu.memory_space<vmem>>, vector<1x16xf32>,
          %get3A_900 = vector.shape_cast %get3A_899 : vector<1x16xf32> to vector<16xf32>
          %add3A_901 = arith.addf %get3A_900, %scan3A_514 : vector<16xf32>
          %swap3A_902 = arith.index_cast %scan3A_507 : i32 to index
          %swap3A_903 = arith.constant 80 : index
          %swap3A_904 = tpu.vector_load %arg11[%swap3A_902, %swap3A_903] {strides = array<i32>} : memref<32x512xf32, #tpu.memory_space<vmem>>, vector<1x16xf32>,
          %swap3A_905 = vector.shape_cast %swap3A_904 : vector<1x16xf32> to vector<16xf32>
          %swap3A_906 = vector.shape_cast %add3A_901 : vector<16xf32> to vector<1x16xf32>
          tpu.vector_store %arg11[%swap3A_902, %swap3A_903], %swap3A_906 {strides = array<i32>} : memref<32x512xf32, #tpu.memory_space<vmem>>, vector<1x16xf32>,
          %get3A_907 = arith.index_cast %scan3A_507 : i32 to index
          %get3A_908 = arith.constant 96 : index
          %get3A_909 = tpu.vector_load %arg11[%get3A_907, %get3A_908] {strides = array<i32>} : memref<32x512xf32, #tpu.memory_space<vmem>>, vector<1x16xf32>,
          %get3A_910 = vector.shape_cast %get3A_909 : vector<1x16xf32> to vector<16xf32>
          %add3A_911 = arith.addf %get3A_910, %scan3A_515 : vector<16xf32>
          %swap3A_912 = arith.index_cast %scan3A_507 : i32 to index
          %swap3A_913 = arith.constant 96 : index
          %swap3A_914 = tpu.vector_load %arg11[%swap3A_912, %swap3A_913] {strides = array<i32>} : memref<32x512xf32, #tpu.memory_space<vmem>>, vector<1x16xf32>,
          %swap3A_915 = vector.shape_cast %swap3A_914 : vector<1x16xf32> to vector<16xf32>
          %swap3A_916 = vector.shape_cast %add3A_911 : vector<16xf32> to vector<1x16xf32>
          tpu.vector_store %arg11[%swap3A_912, %swap3A_913], %swap3A_916 {strides = array<i32>} : memref<32x512xf32, #tpu.memory_space<vmem>>, vector<1x16xf32>,
          %get3A_917 = arith.index_cast %scan3A_507 : i32 to index
          %get3A_918 = arith.constant 112 : index
          %get3A_919 = tpu.vector_load %arg11[%get3A_917, %get3A_918] {strides = array<i32>} : memref<32x512xf32, #tpu.memory_space<vmem>>, vector<1x16xf32>,
          %get3A_920 = vector.shape_cast %get3A_919 : vector<1x16xf32> to vector<16xf32>
          %add3A_921 = arith.addf %get3A_920, %scan3A_516 : vector<16xf32>
          %swap3A_922 = arith.index_cast %scan3A_507 : i32 to index
          %swap3A_923 = arith.constant 112 : index
          %swap3A_924 = tpu.vector_load %arg11[%swap3A_922, %swap3A_923] {strides = array<i32>} : memref<32x512xf32, #tpu.memory_space<vmem>>, vector<1x16xf32>,
          %swap3A_925 = vector.shape_cast %swap3A_924 : vector<1x16xf32> to vector<16xf32>
          %swap3A_926 = vector.shape_cast %add3A_921 : vector<16xf32> to vector<1x16xf32>
          tpu.vector_store %arg11[%swap3A_922, %swap3A_923], %swap3A_926 {strides = array<i32>} : memref<32x512xf32, #tpu.memory_space<vmem>>, vector<1x16xf32>,
          %get3A_927 = arith.index_cast %scan3A_507 : i32 to index
          %get3A_928 = arith.constant 128 : index
          %get3A_929 = tpu.vector_load %arg11[%get3A_927, %get3A_928] {strides = array<i32>} : memref<32x512xf32, #tpu.memory_space<vmem>>, vector<1x16xf32>,
          %get3A_930 = vector.shape_cast %get3A_929 : vector<1x16xf32> to vector<16xf32>
          %add3A_931 = arith.addf %get3A_930, %scan3A_517 : vector<16xf32>
          %swap3A_932 = arith.index_cast %scan3A_507 : i32 to index
          %swap3A_933 = arith.constant 128 : index
          %swap3A_934 = tpu.vector_load %arg11[%swap3A_932, %swap3A_933] {strides = array<i32>} : memref<32x512xf32, #tpu.memory_space<vmem>>, vector<1x16xf32>,
          %swap3A_935 = vector.shape_cast %swap3A_934 : vector<1x16xf32> to vector<16xf32>
          %swap3A_936 = vector.shape_cast %add3A_931 : vector<16xf32> to vector<1x16xf32>
          tpu.vector_store %arg11[%swap3A_932, %swap3A_933], %swap3A_936 {strides = array<i32>} : memref<32x512xf32, #tpu.memory_space<vmem>>, vector<1x16xf32>,
          %get3A_937 = arith.index_cast %scan3A_507 : i32 to index
          %get3A_938 = arith.constant 144 : index
          %get3A_939 = tpu.vector_load %arg11[%get3A_937, %get3A_938] {strides = array<i32>} : memref<32x512xf32, #tpu.memory_space<vmem>>, vector<1x16xf32>,
          %get3A_940 = vector.shape_cast %get3A_939 : vector<1x16xf32> to vector<16xf32>
          %add3A_941 = arith.addf %get3A_940, %scan3A_518 : vector<16xf32>
          %swap3A_942 = arith.index_cast %scan3A_507 : i32 to index
          %swap3A_943 = arith.constant 144 : index
          %swap3A_944 = tpu.vector_load %arg11[%swap3A_942, %swap3A_943] {strides = array<i32>} : memref<32x512xf32, #tpu.memory_space<vmem>>, vector<1x16xf32>,
          %swap3A_945 = vector.shape_cast %swap3A_944 : vector<1x16xf32> to vector<16xf32>
          %swap3A_946 = vector.shape_cast %add3A_941 : vector<16xf32> to vector<1x16xf32>
          tpu.vector_store %arg11[%swap3A_942, %swap3A_943], %swap3A_946 {strides = array<i32>} : memref<32x512xf32, #tpu.memory_space<vmem>>, vector<1x16xf32>,
          %get3A_947 = arith.index_cast %scan3A_507 : i32 to index
          %get3A_948 = arith.constant 160 : index
          %get3A_949 = tpu.vector_load %arg11[%get3A_947, %get3A_948] {strides = array<i32>} : memref<32x512xf32, #tpu.memory_space<vmem>>, vector<1x16xf32>,
          %get3A_950 = vector.shape_cast %get3A_949 : vector<1x16xf32> to vector<16xf32>
          %add3A_951 = arith.addf %get3A_950, %scan3A_519 : vector<16xf32>
          %swap3A_952 = arith.index_cast %scan3A_507 : i32 to index
          %swap3A_953 = arith.constant 160 : index
          %swap3A_954 = tpu.vector_load %arg11[%swap3A_952, %swap3A_953] {strides = array<i32>} : memref<32x512xf32, #tpu.memory_space<vmem>>, vector<1x16xf32>,
          %swap3A_955 = vector.shape_cast %swap3A_954 : vector<1x16xf32> to vector<16xf32>
          %swap3A_956 = vector.shape_cast %add3A_951 : vector<16xf32> to vector<1x16xf32>
          tpu.vector_store %arg11[%swap3A_952, %swap3A_953], %swap3A_956 {strides = array<i32>} : memref<32x512xf32, #tpu.memory_space<vmem>>, vector<1x16xf32>,
          %get3A_957 = arith.index_cast %scan3A_507 : i32 to index
          %get3A_958 = arith.constant 176 : index
          %get3A_959 = tpu.vector_load %arg11[%get3A_957, %get3A_958] {strides = array<i32>} : memref<32x512xf32, #tpu.memory_space<vmem>>, vector<1x16xf32>,
          %get3A_960 = vector.shape_cast %get3A_959 : vector<1x16xf32> to vector<16xf32>
          %add3A_961 = arith.addf %get3A_960, %scan3A_520 : vector<16xf32>
          %swap3A_962 = arith.index_cast %scan3A_507 : i32 to index
          %swap3A_963 = arith.constant 176 : index
          %swap3A_964 = tpu.vector_load %arg11[%swap3A_962, %swap3A_963] {strides = array<i32>} : memref<32x512xf32, #tpu.memory_space<vmem>>, vector<1x16xf32>,
          %swap3A_965 = vector.shape_cast %swap3A_964 : vector<1x16xf32> to vector<16xf32>
          %swap3A_966 = vector.shape_cast %add3A_961 : vector<16xf32> to vector<1x16xf32>
          tpu.vector_store %arg11[%swap3A_962, %swap3A_963], %swap3A_966 {strides = array<i32>} : memref<32x512xf32, #tpu.memory_space<vmem>>, vector<1x16xf32>,
          %get3A_967 = arith.index_cast %scan3A_507 : i32 to index
          %get3A_968 = arith.constant 192 : index
          %get3A_969 = tpu.vector_load %arg11[%get3A_967, %get3A_968] {strides = array<i32>} : memref<32x512xf32, #tpu.memory_space<vmem>>, vector<1x16xf32>,
          %get3A_970 = vector.shape_cast %get3A_969 : vector<1x16xf32> to vector<16xf32>
          %add3A_971 = arith.addf %get3A_970, %scan3A_521 : vector<16xf32>
          %swap3A_972 = arith.index_cast %scan3A_507 : i32 to index
          %swap3A_973 = arith.constant 192 : index
          %swap3A_974 = tpu.vector_load %arg11[%swap3A_972, %swap3A_973] {strides = array<i32>} : memref<32x512xf32, #tpu.memory_space<vmem>>, vector<1x16xf32>,
          %swap3A_975 = vector.shape_cast %swap3A_974 : vector<1x16xf32> to vector<16xf32>
          %swap3A_976 = vector.shape_cast %add3A_971 : vector<16xf32> to vector<1x16xf32>
          tpu.vector_store %arg11[%swap3A_972, %swap3A_973], %swap3A_976 {strides = array<i32>} : memref<32x512xf32, #tpu.memory_space<vmem>>, vector<1x16xf32>,
          %get3A_977 = arith.index_cast %scan3A_507 : i32 to index
          %get3A_978 = arith.constant 208 : index
          %get3A_979 = tpu.vector_load %arg11[%get3A_977, %get3A_978] {strides = array<i32>} : memref<32x512xf32, #tpu.memory_space<vmem>>, vector<1x16xf32>,
          %get3A_980 = vector.shape_cast %get3A_979 : vector<1x16xf32> to vector<16xf32>
          %add3A_981 = arith.addf %get3A_980, %scan3A_522 : vector<16xf32>
          %swap3A_982 = arith.index_cast %scan3A_507 : i32 to index
          %swap3A_983 = arith.constant 208 : index
          %swap3A_984 = tpu.vector_load %arg11[%swap3A_982, %swap3A_983] {strides = array<i32>} : memref<32x512xf32, #tpu.memory_space<vmem>>, vector<1x16xf32>,
          %swap3A_985 = vector.shape_cast %swap3A_984 : vector<1x16xf32> to vector<16xf32>
          %swap3A_986 = vector.shape_cast %add3A_981 : vector<16xf32> to vector<1x16xf32>
          tpu.vector_store %arg11[%swap3A_982, %swap3A_983], %swap3A_986 {strides = array<i32>} : memref<32x512xf32, #tpu.memory_space<vmem>>, vector<1x16xf32>,
          %get3A_987 = arith.index_cast %scan3A_507 : i32 to index
          %get3A_988 = arith.constant 224 : index
          %get3A_989 = tpu.vector_load %arg11[%get3A_987, %get3A_988] {strides = array<i32>} : memref<32x512xf32, #tpu.memory_space<vmem>>, vector<1x16xf32>,
          %get3A_990 = vector.shape_cast %get3A_989 : vector<1x16xf32> to vector<16xf32>
          %add3A_991 = arith.addf %get3A_990, %scan3A_523 : vector<16xf32>
          %swap3A_992 = arith.index_cast %scan3A_507 : i32 to index
          %swap3A_993 = arith.constant 224 : index
          %swap3A_994 = tpu.vector_load %arg11[%swap3A_992, %swap3A_993] {strides = array<i32>} : memref<32x512xf32, #tpu.memory_space<vmem>>, vector<1x16xf32>,
          %swap3A_995 = vector.shape_cast %swap3A_994 : vector<1x16xf32> to vector<16xf32>
          %swap3A_996 = vector.shape_cast %add3A_991 : vector<16xf32> to vector<1x16xf32>
          tpu.vector_store %arg11[%swap3A_992, %swap3A_993], %swap3A_996 {strides = array<i32>} : memref<32x512xf32, #tpu.memory_space<vmem>>, vector<1x16xf32>,
          %get3A_997 = arith.index_cast %scan3A_507 : i32 to index
          %get3A_998 = arith.constant 240 : index
          %get3A_999 = tpu.vector_load %arg11[%get3A_997, %get3A_998] {strides = array<i32>} : memref<32x512xf32, #tpu.memory_space<vmem>>, vector<1x16xf32>,
          %get3A_1000 = vector.shape_cast %get3A_999 : vector<1x16xf32> to vector<16xf32>
          %add3A_1001 = arith.addf %get3A_1000, %scan3A_524 : vector<16xf32>
          %swap3A_1002 = arith.index_cast %scan3A_507 : i32 to index
          %swap3A_1003 = arith.constant 240 : index
          %swap3A_1004 = tpu.vector_load %arg11[%swap3A_1002, %swap3A_1003] {strides = array<i32>} : memref<32x512xf32, #tpu.memory_space<vmem>>, vector<1x16xf32>,
          %swap3A_1005 = vector.shape_cast %swap3A_1004 : vector<1x16xf32> to vector<16xf32>
          %swap3A_1006 = vector.shape_cast %add3A_1001 : vector<16xf32> to vector<1x16xf32>
          tpu.vector_store %arg11[%swap3A_1002, %swap3A_1003], %swap3A_1006 {strides = array<i32>} : memref<32x512xf32, #tpu.memory_space<vmem>>, vector<1x16xf32>,
          %get3A_1007 = arith.index_cast %scan3A_507 : i32 to index
          %get3A_1008 = arith.constant 256 : index
          %get3A_1009 = tpu.vector_load %arg11[%get3A_1007, %get3A_1008] {strides = array<i32>} : memref<32x512xf32, #tpu.memory_space<vmem>>, vector<1x16xf32>,
          %get3A_1010 = vector.shape_cast %get3A_1009 : vector<1x16xf32> to vector<16xf32>
          %add3A_1011 = arith.addf %get3A_1010, %scan3A_525 : vector<16xf32>
          %swap3A_1012 = arith.index_cast %scan3A_507 : i32 to index
          %swap3A_1013 = arith.constant 256 : index
          %swap3A_1014 = tpu.vector_load %arg11[%swap3A_1012, %swap3A_1013] {strides = array<i32>} : memref<32x512xf32, #tpu.memory_space<vmem>>, vector<1x16xf32>,
          %swap3A_1015 = vector.shape_cast %swap3A_1014 : vector<1x16xf32> to vector<16xf32>
          %swap3A_1016 = vector.shape_cast %add3A_1011 : vector<16xf32> to vector<1x16xf32>
          tpu.vector_store %arg11[%swap3A_1012, %swap3A_1013], %swap3A_1016 {strides = array<i32>} : memref<32x512xf32, #tpu.memory_space<vmem>>, vector<1x16xf32>,
          %get3A_1017 = arith.index_cast %scan3A_507 : i32 to index
          %get3A_1018 = arith.constant 272 : index
          %get3A_1019 = tpu.vector_load %arg11[%get3A_1017, %get3A_1018] {strides = array<i32>} : memref<32x512xf32, #tpu.memory_space<vmem>>, vector<1x16xf32>,
          %get3A_1020 = vector.shape_cast %get3A_1019 : vector<1x16xf32> to vector<16xf32>
          %add3A_1021 = arith.addf %get3A_1020, %scan3A_526 : vector<16xf32>
          %swap3A_1022 = arith.index_cast %scan3A_507 : i32 to index
          %swap3A_1023 = arith.constant 272 : index
          %swap3A_1024 = tpu.vector_load %arg11[%swap3A_1022, %swap3A_1023] {strides = array<i32>} : memref<32x512xf32, #tpu.memory_space<vmem>>, vector<1x16xf32>,
          %swap3A_1025 = vector.shape_cast %swap3A_1024 : vector<1x16xf32> to vector<16xf32>
          %swap3A_1026 = vector.shape_cast %add3A_1021 : vector<16xf32> to vector<1x16xf32>
          tpu.vector_store %arg11[%swap3A_1022, %swap3A_1023], %swap3A_1026 {strides = array<i32>} : memref<32x512xf32, #tpu.memory_space<vmem>>, vector<1x16xf32>,
          %get3A_1027 = arith.index_cast %scan3A_507 : i32 to index
          %get3A_1028 = arith.constant 288 : index
          %get3A_1029 = tpu.vector_load %arg11[%get3A_1027, %get3A_1028] {strides = array<i32>} : memref<32x512xf32, #tpu.memory_space<vmem>>, vector<1x16xf32>,
          %get3A_1030 = vector.shape_cast %get3A_1029 : vector<1x16xf32> to vector<16xf32>
          %add3A_1031 = arith.addf %get3A_1030, %scan3A_527 : vector<16xf32>
          %swap3A_1032 = arith.index_cast %scan3A_507 : i32 to index
          %swap3A_1033 = arith.constant 288 : index
          %swap3A_1034 = tpu.vector_load %arg11[%swap3A_1032, %swap3A_1033] {strides = array<i32>} : memref<32x512xf32, #tpu.memory_space<vmem>>, vector<1x16xf32>,
          %swap3A_1035 = vector.shape_cast %swap3A_1034 : vector<1x16xf32> to vector<16xf32>
          %swap3A_1036 = vector.shape_cast %add3A_1031 : vector<16xf32> to vector<1x16xf32>
          tpu.vector_store %arg11[%swap3A_1032, %swap3A_1033], %swap3A_1036 {strides = array<i32>} : memref<32x512xf32, #tpu.memory_space<vmem>>, vector<1x16xf32>,
          %get3A_1037 = arith.index_cast %scan3A_507 : i32 to index
          %get3A_1038 = arith.constant 304 : index
          %get3A_1039 = tpu.vector_load %arg11[%get3A_1037, %get3A_1038] {strides = array<i32>} : memref<32x512xf32, #tpu.memory_space<vmem>>, vector<1x16xf32>,
          %get3A_1040 = vector.shape_cast %get3A_1039 : vector<1x16xf32> to vector<16xf32>
          %add3A_1041 = arith.addf %get3A_1040, %scan3A_528 : vector<16xf32>
          %swap3A_1042 = arith.index_cast %scan3A_507 : i32 to index
          %swap3A_1043 = arith.constant 304 : index
          %swap3A_1044 = tpu.vector_load %arg11[%swap3A_1042, %swap3A_1043] {strides = array<i32>} : memref<32x512xf32, #tpu.memory_space<vmem>>, vector<1x16xf32>,
          %swap3A_1045 = vector.shape_cast %swap3A_1044 : vector<1x16xf32> to vector<16xf32>
          %swap3A_1046 = vector.shape_cast %add3A_1041 : vector<16xf32> to vector<1x16xf32>
          tpu.vector_store %arg11[%swap3A_1042, %swap3A_1043], %swap3A_1046 {strides = array<i32>} : memref<32x512xf32, #tpu.memory_space<vmem>>, vector<1x16xf32>,
          %get3A_1047 = arith.index_cast %scan3A_507 : i32 to index
          %get3A_1048 = arith.constant 320 : index
          %get3A_1049 = tpu.vector_load %arg11[%get3A_1047, %get3A_1048] {strides = array<i32>} : memref<32x512xf32, #tpu.memory_space<vmem>>, vector<1x16xf32>,
          %get3A_1050 = vector.shape_cast %get3A_1049 : vector<1x16xf32> to vector<16xf32>
          %add3A_1051 = arith.addf %get3A_1050, %scan3A_529 : vector<16xf32>
          %swap3A_1052 = arith.index_cast %scan3A_507 : i32 to index
          %swap3A_1053 = arith.constant 320 : index
          %swap3A_1054 = tpu.vector_load %arg11[%swap3A_1052, %swap3A_1053] {strides = array<i32>} : memref<32x512xf32, #tpu.memory_space<vmem>>, vector<1x16xf32>,
          %swap3A_1055 = vector.shape_cast %swap3A_1054 : vector<1x16xf32> to vector<16xf32>
          %swap3A_1056 = vector.shape_cast %add3A_1051 : vector<16xf32> to vector<1x16xf32>
          tpu.vector_store %arg11[%swap3A_1052, %swap3A_1053], %swap3A_1056 {strides = array<i32>} : memref<32x512xf32, #tpu.memory_space<vmem>>, vector<1x16xf32>,
          %get3A_1057 = arith.index_cast %scan3A_507 : i32 to index
          %get3A_1058 = arith.constant 336 : index
          %get3A_1059 = tpu.vector_load %arg11[%get3A_1057, %get3A_1058] {strides = array<i32>} : memref<32x512xf32, #tpu.memory_space<vmem>>, vector<1x16xf32>,
          %get3A_1060 = vector.shape_cast %get3A_1059 : vector<1x16xf32> to vector<16xf32>
          %add3A_1061 = arith.addf %get3A_1060, %scan3A_530 : vector<16xf32>
          %swap3A_1062 = arith.index_cast %scan3A_507 : i32 to index
          %swap3A_1063 = arith.constant 336 : index
          %swap3A_1064 = tpu.vector_load %arg11[%swap3A_1062, %swap3A_1063] {strides = array<i32>} : memref<32x512xf32, #tpu.memory_space<vmem>>, vector<1x16xf32>,
          %swap3A_1065 = vector.shape_cast %swap3A_1064 : vector<1x16xf32> to vector<16xf32>
          %swap3A_1066 = vector.shape_cast %add3A_1061 : vector<16xf32> to vector<1x16xf32>
          tpu.vector_store %arg11[%swap3A_1062, %swap3A_1063], %swap3A_1066 {strides = array<i32>} : memref<32x512xf32, #tpu.memory_space<vmem>>, vector<1x16xf32>,
          %get3A_1067 = arith.index_cast %scan3A_507 : i32 to index
          %get3A_1068 = arith.constant 352 : index
          %get3A_1069 = tpu.vector_load %arg11[%get3A_1067, %get3A_1068] {strides = array<i32>} : memref<32x512xf32, #tpu.memory_space<vmem>>, vector<1x16xf32>,
          %get3A_1070 = vector.shape_cast %get3A_1069 : vector<1x16xf32> to vector<16xf32>
          %add3A_1071 = arith.addf %get3A_1070, %scan3A_531 : vector<16xf32>
          %swap3A_1072 = arith.index_cast %scan3A_507 : i32 to index
          %swap3A_1073 = arith.constant 352 : index
          %swap3A_1074 = tpu.vector_load %arg11[%swap3A_1072, %swap3A_1073] {strides = array<i32>} : memref<32x512xf32, #tpu.memory_space<vmem>>, vector<1x16xf32>,
          %swap3A_1075 = vector.shape_cast %swap3A_1074 : vector<1x16xf32> to vector<16xf32>
          %swap3A_1076 = vector.shape_cast %add3A_1071 : vector<16xf32> to vector<1x16xf32>
          tpu.vector_store %arg11[%swap3A_1072, %swap3A_1073], %swap3A_1076 {strides = array<i32>} : memref<32x512xf32, #tpu.memory_space<vmem>>, vector<1x16xf32>,
          %get3A_1077 = arith.index_cast %scan3A_507 : i32 to index
          %get3A_1078 = arith.constant 368 : index
          %get3A_1079 = tpu.vector_load %arg11[%get3A_1077, %get3A_1078] {strides = array<i32>} : memref<32x512xf32, #tpu.memory_space<vmem>>, vector<1x16xf32>,
          %get3A_1080 = vector.shape_cast %get3A_1079 : vector<1x16xf32> to vector<16xf32>
          %add3A_1081 = arith.addf %get3A_1080, %scan3A_532 : vector<16xf32>
          %swap3A_1082 = arith.index_cast %scan3A_507 : i32 to index
          %swap3A_1083 = arith.constant 368 : index
          %swap3A_1084 = tpu.vector_load %arg11[%swap3A_1082, %swap3A_1083] {strides = array<i32>} : memref<32x512xf32, #tpu.memory_space<vmem>>, vector<1x16xf32>,
          %swap3A_1085 = vector.shape_cast %swap3A_1084 : vector<1x16xf32> to vector<16xf32>
          %swap3A_1086 = vector.shape_cast %add3A_1081 : vector<16xf32> to vector<1x16xf32>
          tpu.vector_store %arg11[%swap3A_1082, %swap3A_1083], %swap3A_1086 {strides = array<i32>} : memref<32x512xf32, #tpu.memory_space<vmem>>, vector<1x16xf32>,
          %get3A_1087 = arith.index_cast %scan3A_507 : i32 to index
          %get3A_1088 = arith.constant 384 : index
          %get3A_1089 = tpu.vector_load %arg11[%get3A_1087, %get3A_1088] {strides = array<i32>} : memref<32x512xf32, #tpu.memory_space<vmem>>, vector<1x16xf32>,
          %get3A_1090 = vector.shape_cast %get3A_1089 : vector<1x16xf32> to vector<16xf32>
          %add3A_1091 = arith.addf %get3A_1090, %scan3A_533 : vector<16xf32>
          %swap3A_1092 = arith.index_cast %scan3A_507 : i32 to index
          %swap3A_1093 = arith.constant 384 : index
          %swap3A_1094 = tpu.vector_load %arg11[%swap3A_1092, %swap3A_1093] {strides = array<i32>} : memref<32x512xf32, #tpu.memory_space<vmem>>, vector<1x16xf32>,
          %swap3A_1095 = vector.shape_cast %swap3A_1094 : vector<1x16xf32> to vector<16xf32>
          %swap3A_1096 = vector.shape_cast %add3A_1091 : vector<16xf32> to vector<1x16xf32>
          tpu.vector_store %arg11[%swap3A_1092, %swap3A_1093], %swap3A_1096 {strides = array<i32>} : memref<32x512xf32, #tpu.memory_space<vmem>>, vector<1x16xf32>,
          %get3A_1097 = arith.index_cast %scan3A_507 : i32 to index
          %get3A_1098 = arith.constant 400 : index
          %get3A_1099 = tpu.vector_load %arg11[%get3A_1097, %get3A_1098] {strides = array<i32>} : memref<32x512xf32, #tpu.memory_space<vmem>>, vector<1x16xf32>,
          %get3A_1100 = vector.shape_cast %get3A_1099 : vector<1x16xf32> to vector<16xf32>
          %add3A_1101 = arith.addf %get3A_1100, %scan3A_534 : vector<16xf32>
          %swap3A_1102 = arith.index_cast %scan3A_507 : i32 to index
          %swap3A_1103 = arith.constant 400 : index
          %swap3A_1104 = tpu.vector_load %arg11[%swap3A_1102, %swap3A_1103] {strides = array<i32>} : memref<32x512xf32, #tpu.memory_space<vmem>>, vector<1x16xf32>,
          %swap3A_1105 = vector.shape_cast %swap3A_1104 : vector<1x16xf32> to vector<16xf32>
          %swap3A_1106 = vector.shape_cast %add3A_1101 : vector<16xf32> to vector<1x16xf32>
          tpu.vector_store %arg11[%swap3A_1102, %swap3A_1103], %swap3A_1106 {strides = array<i32>} : memref<32x512xf32, #tpu.memory_space<vmem>>, vector<1x16xf32>,
          %get3A_1107 = arith.index_cast %scan3A_507 : i32 to index
          %get3A_1108 = arith.constant 416 : index
          %get3A_1109 = tpu.vector_load %arg11[%get3A_1107, %get3A_1108] {strides = array<i32>} : memref<32x512xf32, #tpu.memory_space<vmem>>, vector<1x16xf32>,
          %get3A_1110 = vector.shape_cast %get3A_1109 : vector<1x16xf32> to vector<16xf32>
          %add3A_1111 = arith.addf %get3A_1110, %scan3A_535 : vector<16xf32>
          %swap3A_1112 = arith.index_cast %scan3A_507 : i32 to index
          %swap3A_1113 = arith.constant 416 : index
          %swap3A_1114 = tpu.vector_load %arg11[%swap3A_1112, %swap3A_1113] {strides = array<i32>} : memref<32x512xf32, #tpu.memory_space<vmem>>, vector<1x16xf32>,
          %swap3A_1115 = vector.shape_cast %swap3A_1114 : vector<1x16xf32> to vector<16xf32>
          %swap3A_1116 = vector.shape_cast %add3A_1111 : vector<16xf32> to vector<1x16xf32>
          tpu.vector_store %arg11[%swap3A_1112, %swap3A_1113], %swap3A_1116 {strides = array<i32>} : memref<32x512xf32, #tpu.memory_space<vmem>>, vector<1x16xf32>,
          %get3A_1117 = arith.index_cast %scan3A_507 : i32 to index
          %get3A_1118 = arith.constant 432 : index
          %get3A_1119 = tpu.vector_load %arg11[%get3A_1117, %get3A_1118] {strides = array<i32>} : memref<32x512xf32, #tpu.memory_space<vmem>>, vector<1x16xf32>,
          %get3A_1120 = vector.shape_cast %get3A_1119 : vector<1x16xf32> to vector<16xf32>
          %add3A_1121 = arith.addf %get3A_1120, %scan3A_536 : vector<16xf32>
          %swap3A_1122 = arith.index_cast %scan3A_507 : i32 to index
          %swap3A_1123 = arith.constant 432 : index
          %swap3A_1124 = tpu.vector_load %arg11[%swap3A_1122, %swap3A_1123] {strides = array<i32>} : memref<32x512xf32, #tpu.memory_space<vmem>>, vector<1x16xf32>,
          %swap3A_1125 = vector.shape_cast %swap3A_1124 : vector<1x16xf32> to vector<16xf32>
          %swap3A_1126 = vector.shape_cast %add3A_1121 : vector<16xf32> to vector<1x16xf32>
          tpu.vector_store %arg11[%swap3A_1122, %swap3A_1123], %swap3A_1126 {strides = array<i32>} : memref<32x512xf32, #tpu.memory_space<vmem>>, vector<1x16xf32>,
          %get3A_1127 = arith.index_cast %scan3A_507 : i32 to index
          %get3A_1128 = arith.constant 448 : index
          %get3A_1129 = tpu.vector_load %arg11[%get3A_1127, %get3A_1128] {strides = array<i32>} : memref<32x512xf32, #tpu.memory_space<vmem>>, vector<1x16xf32>,
          %get3A_1130 = vector.shape_cast %get3A_1129 : vector<1x16xf32> to vector<16xf32>
          %add3A_1131 = arith.addf %get3A_1130, %scan3A_537 : vector<16xf32>
          %swap3A_1132 = arith.index_cast %scan3A_507 : i32 to index
          %swap3A_1133 = arith.constant 448 : index
          %swap3A_1134 = tpu.vector_load %arg11[%swap3A_1132, %swap3A_1133] {strides = array<i32>} : memref<32x512xf32, #tpu.memory_space<vmem>>, vector<1x16xf32>,
          %swap3A_1135 = vector.shape_cast %swap3A_1134 : vector<1x16xf32> to vector<16xf32>
          %swap3A_1136 = vector.shape_cast %add3A_1131 : vector<16xf32> to vector<1x16xf32>
          tpu.vector_store %arg11[%swap3A_1132, %swap3A_1133], %swap3A_1136 {strides = array<i32>} : memref<32x512xf32, #tpu.memory_space<vmem>>, vector<1x16xf32>,
          %get3A_1137 = arith.index_cast %scan3A_507 : i32 to index
          %get3A_1138 = arith.constant 464 : index
          %get3A_1139 = tpu.vector_load %arg11[%get3A_1137, %get3A_1138] {strides = array<i32>} : memref<32x512xf32, #tpu.memory_space<vmem>>, vector<1x16xf32>,
          %get3A_1140 = vector.shape_cast %get3A_1139 : vector<1x16xf32> to vector<16xf32>
          %add3A_1141 = arith.addf %get3A_1140, %scan3A_538 : vector<16xf32>
          %swap3A_1142 = arith.index_cast %scan3A_507 : i32 to index
          %swap3A_1143 = arith.constant 464 : index
          %swap3A_1144 = tpu.vector_load %arg11[%swap3A_1142, %swap3A_1143] {strides = array<i32>} : memref<32x512xf32, #tpu.memory_space<vmem>>, vector<1x16xf32>,
          %swap3A_1145 = vector.shape_cast %swap3A_1144 : vector<1x16xf32> to vector<16xf32>
          %swap3A_1146 = vector.shape_cast %add3A_1141 : vector<16xf32> to vector<1x16xf32>
          tpu.vector_store %arg11[%swap3A_1142, %swap3A_1143], %swap3A_1146 {strides = array<i32>} : memref<32x512xf32, #tpu.memory_space<vmem>>, vector<1x16xf32>,
          %get3A_1147 = arith.index_cast %scan3A_507 : i32 to index
          %get3A_1148 = arith.constant 480 : index
          %get3A_1149 = tpu.vector_load %arg11[%get3A_1147, %get3A_1148] {strides = array<i32>} : memref<32x512xf32, #tpu.memory_space<vmem>>, vector<1x16xf32>,
          %get3A_1150 = vector.shape_cast %get3A_1149 : vector<1x16xf32> to vector<16xf32>
          %add3A_1151 = arith.addf %get3A_1150, %scan3A_539 : vector<16xf32>
          %swap3A_1152 = arith.index_cast %scan3A_507 : i32 to index
          %swap3A_1153 = arith.constant 480 : index
          %swap3A_1154 = tpu.vector_load %arg11[%swap3A_1152, %swap3A_1153] {strides = array<i32>} : memref<32x512xf32, #tpu.memory_space<vmem>>, vector<1x16xf32>,
          %swap3A_1155 = vector.shape_cast %swap3A_1154 : vector<1x16xf32> to vector<16xf32>
          %swap3A_1156 = vector.shape_cast %add3A_1151 : vector<16xf32> to vector<1x16xf32>
          tpu.vector_store %arg11[%swap3A_1152, %swap3A_1153], %swap3A_1156 {strides = array<i32>} : memref<32x512xf32, #tpu.memory_space<vmem>>, vector<1x16xf32>,
          %get3A_1157 = arith.index_cast %scan3A_507 : i32 to index
          %get3A_1158 = arith.constant 496 : index
          %get3A_1159 = tpu.vector_load %arg11[%get3A_1157, %get3A_1158] {strides = array<i32>} : memref<32x512xf32, #tpu.memory_space<vmem>>, vector<1x16xf32>,
          %get3A_1160 = vector.shape_cast %get3A_1159 : vector<1x16xf32> to vector<16xf32>
          %add3A_1161 = arith.addf %get3A_1160, %scan3A_540 : vector<16xf32>
          %swap3A_1162 = arith.index_cast %scan3A_507 : i32 to index
          %swap3A_1163 = arith.constant 496 : index
          %swap3A_1164 = tpu.vector_load %arg11[%swap3A_1162, %swap3A_1163] {strides = array<i32>} : memref<32x512xf32, #tpu.memory_space<vmem>>, vector<1x16xf32>,
          %swap3A_1165 = vector.shape_cast %swap3A_1164 : vector<1x16xf32> to vector<16xf32>
          %swap3A_1166 = vector.shape_cast %add3A_1161 : vector<16xf32> to vector<1x16xf32>
          tpu.vector_store %arg11[%swap3A_1162, %swap3A_1163], %swap3A_1166 {strides = array<i32>} : memref<32x512xf32, #tpu.memory_space<vmem>>, vector<1x16xf32>,
          %get3A_1167 = arith.index_cast %scan3A_507 : i32 to index
          %get3A_1168 = arith.constant 0 : index
          %get3A_1169 = tpu.vector_load %arg12[%get3A_1167, %get3A_1168] {strides = array<i32>} : memref<32x16xf32, #tpu.memory_space<vmem>>, vector<1x16xf32>,
          %get3A_1170 = vector.shape_cast %get3A_1169 : vector<1x16xf32> to vector<16xf32>
          %add3A_1171 = arith.addf %get3A_1170, %scan3A_508 : vector<16xf32>
          %swap3A_1172 = arith.index_cast %scan3A_507 : i32 to index
          %swap3A_1173 = arith.constant 0 : index
          %swap3A_1174 = tpu.vector_load %arg12[%swap3A_1172, %swap3A_1173] {strides = array<i32>} : memref<32x16xf32, #tpu.memory_space<vmem>>, vector<1x16xf32>,
          %swap3A_1175 = vector.shape_cast %swap3A_1174 : vector<1x16xf32> to vector<16xf32>
          %swap3A_1176 = vector.shape_cast %add3A_1171 : vector<16xf32> to vector<1x16xf32>
          tpu.vector_store %arg12[%swap3A_1172, %swap3A_1173], %swap3A_1176 {strides = array<i32>} : memref<32x16xf32, #tpu.memory_space<vmem>>, vector<1x16xf32>,
        } else {
        }
        %jit3A_564 = arith.constant 0.000000e+00 : f32
        %jit3A_565 = arith.constant 1.000000e+00 : f32
        %select_n3A_566 = arith.select %ne3A_560, %jit3A_564, %jit3A_565 : f32
        %broadcast_in_dim3A_567 = vector.broadcast %select_n3A_566 : f32 to vector<16xf32>
        %jit3A_568 = arith.constant 1.000000e+00 : f32
        %jit3A_569 = arith.constant 0.000000e+00 : f32
        %select_n3A_570 = arith.select %and3A_549, %jit3A_568, %jit3A_569 : f32
        %broadcast_in_dim3A_571 = vector.broadcast %select_n3A_570 : f32 to vector<16xf32>
        %get3A_572 = arith.index_cast %rem3A_444 : i32 to index
        %get3A_573 = arith.index_cast %scan3A_506 : i32 to index
        %get3A_574 = tpu.vector_load %arg8[%get3A_572, %get3A_573] {strides = array<i32>} : memref<2x80xf32, #tpu.memory_space<vmem>>, vector<1x16xf32>,
        %get3A_575 = vector.shape_cast %get3A_574 : vector<1x16xf32> to vector<16xf32>
        %slice3A_576 = vector.extract_strided_slice %get3A_575 {offsets = [0], sizes = [1], strides = [1]} : vector<16xf32> to vector<1xf32>
        %squeeze3A_577 = vector.extract %slice3A_576[0] : f32 from vector<1xf32>
        %broadcast_in_dim3A_578 = vector.broadcast %squeeze3A_577 : f32 to vector<16xf32>
        %exp3A = math.exp %broadcast_in_dim3A_578 : vector<16xf32>
        %mul3A_579 = arith.mulf %exp3A, %broadcast_in_dim3A_571 : vector<16xf32>
        %mul3A_580 = arith.mulf %scan3A_509, %broadcast_in_dim3A_567 : vector<16xf32>
        %get3A_581 = arith.index_cast %rem3A_444 : i32 to index
        %get3A_582 = arith.index_cast %scan3A_506 : i32 to index
        %get3A_583 = arith.constant 0 : index
        %get3A_584 = tpu.vector_load %arg7[%get3A_581, %get3A_582, %get3A_583] {strides = array<i32>} : memref<2x64x512xf32, #tpu.memory_space<vmem>>, vector<1x1x16xf32>,
        %get3A_585 = vector.shape_cast %get3A_584 : vector<1x1x16xf32> to vector<16xf32>
        %mul3A_586 = arith.mulf %get3A_585, %mul3A_579 : vector<16xf32>
        %add3A_587 = arith.addf %mul3A_580, %mul3A_586 : vector<16xf32>
        %mul3A_588 = arith.mulf %scan3A_510, %broadcast_in_dim3A_567 : vector<16xf32>
        %get3A_589 = arith.index_cast %rem3A_444 : i32 to index
        %get3A_590 = arith.index_cast %scan3A_506 : i32 to index
        %get3A_591 = arith.constant 16 : index
        %get3A_592 = tpu.vector_load %arg7[%get3A_589, %get3A_590, %get3A_591] {strides = array<i32>} : memref<2x64x512xf32, #tpu.memory_space<vmem>>, vector<1x1x16xf32>,
        %get3A_593 = vector.shape_cast %get3A_592 : vector<1x1x16xf32> to vector<16xf32>
        %mul3A_594 = arith.mulf %get3A_593, %mul3A_579 : vector<16xf32>
        %add3A_595 = arith.addf %mul3A_588, %mul3A_594 : vector<16xf32>
        %mul3A_596 = arith.mulf %scan3A_511, %broadcast_in_dim3A_567 : vector<16xf32>
        %get3A_597 = arith.index_cast %rem3A_444 : i32 to index
        %get3A_598 = arith.index_cast %scan3A_506 : i32 to index
        %get3A_599 = arith.constant 32 : index
        %get3A_600 = tpu.vector_load %arg7[%get3A_597, %get3A_598, %get3A_599] {strides = array<i32>} : memref<2x64x512xf32, #tpu.memory_space<vmem>>, vector<1x1x16xf32>,
        %get3A_601 = vector.shape_cast %get3A_600 : vector<1x1x16xf32> to vector<16xf32>
        %mul3A_602 = arith.mulf %get3A_601, %mul3A_579 : vector<16xf32>
        %add3A_603 = arith.addf %mul3A_596, %mul3A_602 : vector<16xf32>
        %mul3A_604 = arith.mulf %scan3A_512, %broadcast_in_dim3A_567 : vector<16xf32>
        %get3A_605 = arith.index_cast %rem3A_444 : i32 to index
        %get3A_606 = arith.index_cast %scan3A_506 : i32 to index
        %get3A_607 = arith.constant 48 : index
        %get3A_608 = tpu.vector_load %arg7[%get3A_605, %get3A_606, %get3A_607] {strides = array<i32>} : memref<2x64x512xf32, #tpu.memory_space<vmem>>, vector<1x1x16xf32>,
        %get3A_609 = vector.shape_cast %get3A_608 : vector<1x1x16xf32> to vector<16xf32>
        %mul3A_610 = arith.mulf %get3A_609, %mul3A_579 : vector<16xf32>
        %add3A_611 = arith.addf %mul3A_604, %mul3A_610 : vector<16xf32>
        %mul3A_612 = arith.mulf %scan3A_513, %broadcast_in_dim3A_567 : vector<16xf32>
        %get3A_613 = arith.index_cast %rem3A_444 : i32 to index
        %get3A_614 = arith.index_cast %scan3A_506 : i32 to index
        %get3A_615 = arith.constant 64 : index
        %get3A_616 = tpu.vector_load %arg7[%get3A_613, %get3A_614, %get3A_615] {strides = array<i32>} : memref<2x64x512xf32, #tpu.memory_space<vmem>>, vector<1x1x16xf32>,
        %get3A_617 = vector.shape_cast %get3A_616 : vector<1x1x16xf32> to vector<16xf32>
        %mul3A_618 = arith.mulf %get3A_617, %mul3A_579 : vector<16xf32>
        %add3A_619 = arith.addf %mul3A_612, %mul3A_618 : vector<16xf32>
        %mul3A_620 = arith.mulf %scan3A_514, %broadcast_in_dim3A_567 : vector<16xf32>
        %get3A_621 = arith.index_cast %rem3A_444 : i32 to index
        %get3A_622 = arith.index_cast %scan3A_506 : i32 to index
        %get3A_623 = arith.constant 80 : index
        %get3A_624 = tpu.vector_load %arg7[%get3A_621, %get3A_622, %get3A_623] {strides = array<i32>} : memref<2x64x512xf32, #tpu.memory_space<vmem>>, vector<1x1x16xf32>,
        %get3A_625 = vector.shape_cast %get3A_624 : vector<1x1x16xf32> to vector<16xf32>
        %mul3A_626 = arith.mulf %get3A_625, %mul3A_579 : vector<16xf32>
        %add3A_627 = arith.addf %mul3A_620, %mul3A_626 : vector<16xf32>
        %mul3A_628 = arith.mulf %scan3A_515, %broadcast_in_dim3A_567 : vector<16xf32>
        %get3A_629 = arith.index_cast %rem3A_444 : i32 to index
        %get3A_630 = arith.index_cast %scan3A_506 : i32 to index
        %get3A_631 = arith.constant 96 : index
        %get3A_632 = tpu.vector_load %arg7[%get3A_629, %get3A_630, %get3A_631] {strides = array<i32>} : memref<2x64x512xf32, #tpu.memory_space<vmem>>, vector<1x1x16xf32>,
        %get3A_633 = vector.shape_cast %get3A_632 : vector<1x1x16xf32> to vector<16xf32>
        %mul3A_634 = arith.mulf %get3A_633, %mul3A_579 : vector<16xf32>
        %add3A_635 = arith.addf %mul3A_628, %mul3A_634 : vector<16xf32>
        %mul3A_636 = arith.mulf %scan3A_516, %broadcast_in_dim3A_567 : vector<16xf32>
        %get3A_637 = arith.index_cast %rem3A_444 : i32 to index
        %get3A_638 = arith.index_cast %scan3A_506 : i32 to index
        %get3A_639 = arith.constant 112 : index
        %get3A_640 = tpu.vector_load %arg7[%get3A_637, %get3A_638, %get3A_639] {strides = array<i32>} : memref<2x64x512xf32, #tpu.memory_space<vmem>>, vector<1x1x16xf32>,
        %get3A_641 = vector.shape_cast %get3A_640 : vector<1x1x16xf32> to vector<16xf32>
        %mul3A_642 = arith.mulf %get3A_641, %mul3A_579 : vector<16xf32>
        %add3A_643 = arith.addf %mul3A_636, %mul3A_642 : vector<16xf32>
        %mul3A_644 = arith.mulf %scan3A_517, %broadcast_in_dim3A_567 : vector<16xf32>
        %get3A_645 = arith.index_cast %rem3A_444 : i32 to index
        %get3A_646 = arith.index_cast %scan3A_506 : i32 to index
        %get3A_647 = arith.constant 128 : index
        %get3A_648 = tpu.vector_load %arg7[%get3A_645, %get3A_646, %get3A_647] {strides = array<i32>} : memref<2x64x512xf32, #tpu.memory_space<vmem>>, vector<1x1x16xf32>,
        %get3A_649 = vector.shape_cast %get3A_648 : vector<1x1x16xf32> to vector<16xf32>
        %mul3A_650 = arith.mulf %get3A_649, %mul3A_579 : vector<16xf32>
        %add3A_651 = arith.addf %mul3A_644, %mul3A_650 : vector<16xf32>
        %mul3A_652 = arith.mulf %scan3A_518, %broadcast_in_dim3A_567 : vector<16xf32>
        %get3A_653 = arith.index_cast %rem3A_444 : i32 to index
        %get3A_654 = arith.index_cast %scan3A_506 : i32 to index
        %get3A_655 = arith.constant 144 : index
        %get3A_656 = tpu.vector_load %arg7[%get3A_653, %get3A_654, %get3A_655] {strides = array<i32>} : memref<2x64x512xf32, #tpu.memory_space<vmem>>, vector<1x1x16xf32>,
        %get3A_657 = vector.shape_cast %get3A_656 : vector<1x1x16xf32> to vector<16xf32>
        %mul3A_658 = arith.mulf %get3A_657, %mul3A_579 : vector<16xf32>
        %add3A_659 = arith.addf %mul3A_652, %mul3A_658 : vector<16xf32>
        %mul3A_660 = arith.mulf %scan3A_519, %broadcast_in_dim3A_567 : vector<16xf32>
        %get3A_661 = arith.index_cast %rem3A_444 : i32 to index
        %get3A_662 = arith.index_cast %scan3A_506 : i32 to index
        %get3A_663 = arith.constant 160 : index
        %get3A_664 = tpu.vector_load %arg7[%get3A_661, %get3A_662, %get3A_663] {strides = array<i32>} : memref<2x64x512xf32, #tpu.memory_space<vmem>>, vector<1x1x16xf32>,
        %get3A_665 = vector.shape_cast %get3A_664 : vector<1x1x16xf32> to vector<16xf32>
        %mul3A_666 = arith.mulf %get3A_665, %mul3A_579 : vector<16xf32>
        %add3A_667 = arith.addf %mul3A_660, %mul3A_666 : vector<16xf32>
        %mul3A_668 = arith.mulf %scan3A_520, %broadcast_in_dim3A_567 : vector<16xf32>
        %get3A_669 = arith.index_cast %rem3A_444 : i32 to index
        %get3A_670 = arith.index_cast %scan3A_506 : i32 to index
        %get3A_671 = arith.constant 176 : index
        %get3A_672 = tpu.vector_load %arg7[%get3A_669, %get3A_670, %get3A_671] {strides = array<i32>} : memref<2x64x512xf32, #tpu.memory_space<vmem>>, vector<1x1x16xf32>,
        %get3A_673 = vector.shape_cast %get3A_672 : vector<1x1x16xf32> to vector<16xf32>
        %mul3A_674 = arith.mulf %get3A_673, %mul3A_579 : vector<16xf32>
        %add3A_675 = arith.addf %mul3A_668, %mul3A_674 : vector<16xf32>
        %mul3A_676 = arith.mulf %scan3A_521, %broadcast_in_dim3A_567 : vector<16xf32>
        %get3A_677 = arith.index_cast %rem3A_444 : i32 to index
        %get3A_678 = arith.index_cast %scan3A_506 : i32 to index
        %get3A_679 = arith.constant 192 : index
        %get3A_680 = tpu.vector_load %arg7[%get3A_677, %get3A_678, %get3A_679] {strides = array<i32>} : memref<2x64x512xf32, #tpu.memory_space<vmem>>, vector<1x1x16xf32>,
        %get3A_681 = vector.shape_cast %get3A_680 : vector<1x1x16xf32> to vector<16xf32>
        %mul3A_682 = arith.mulf %get3A_681, %mul3A_579 : vector<16xf32>
        %add3A_683 = arith.addf %mul3A_676, %mul3A_682 : vector<16xf32>
        %mul3A_684 = arith.mulf %scan3A_522, %broadcast_in_dim3A_567 : vector<16xf32>
        %get3A_685 = arith.index_cast %rem3A_444 : i32 to index
        %get3A_686 = arith.index_cast %scan3A_506 : i32 to index
        %get3A_687 = arith.constant 208 : index
        %get3A_688 = tpu.vector_load %arg7[%get3A_685, %get3A_686, %get3A_687] {strides = array<i32>} : memref<2x64x512xf32, #tpu.memory_space<vmem>>, vector<1x1x16xf32>,
        %get3A_689 = vector.shape_cast %get3A_688 : vector<1x1x16xf32> to vector<16xf32>
        %mul3A_690 = arith.mulf %get3A_689, %mul3A_579 : vector<16xf32>
        %add3A_691 = arith.addf %mul3A_684, %mul3A_690 : vector<16xf32>
        %mul3A_692 = arith.mulf %scan3A_523, %broadcast_in_dim3A_567 : vector<16xf32>
        %get3A_693 = arith.index_cast %rem3A_444 : i32 to index
        %get3A_694 = arith.index_cast %scan3A_506 : i32 to index
        %get3A_695 = arith.constant 224 : index
        %get3A_696 = tpu.vector_load %arg7[%get3A_693, %get3A_694, %get3A_695] {strides = array<i32>} : memref<2x64x512xf32, #tpu.memory_space<vmem>>, vector<1x1x16xf32>,
        %get3A_697 = vector.shape_cast %get3A_696 : vector<1x1x16xf32> to vector<16xf32>
        %mul3A_698 = arith.mulf %get3A_697, %mul3A_579 : vector<16xf32>
        %add3A_699 = arith.addf %mul3A_692, %mul3A_698 : vector<16xf32>
        %mul3A_700 = arith.mulf %scan3A_524, %broadcast_in_dim3A_567 : vector<16xf32>
        %get3A_701 = arith.index_cast %rem3A_444 : i32 to index
        %get3A_702 = arith.index_cast %scan3A_506 : i32 to index
        %get3A_703 = arith.constant 240 : index
        %get3A_704 = tpu.vector_load %arg7[%get3A_701, %get3A_702, %get3A_703] {strides = array<i32>} : memref<2x64x512xf32, #tpu.memory_space<vmem>>, vector<1x1x16xf32>,
        %get3A_705 = vector.shape_cast %get3A_704 : vector<1x1x16xf32> to vector<16xf32>
        %mul3A_706 = arith.mulf %get3A_705, %mul3A_579 : vector<16xf32>
        %add3A_707 = arith.addf %mul3A_700, %mul3A_706 : vector<16xf32>
        %mul3A_708 = arith.mulf %scan3A_525, %broadcast_in_dim3A_567 : vector<16xf32>
        %get3A_709 = arith.index_cast %rem3A_444 : i32 to index
        %get3A_710 = arith.index_cast %scan3A_506 : i32 to index
        %get3A_711 = arith.constant 256 : index
        %get3A_712 = tpu.vector_load %arg7[%get3A_709, %get3A_710, %get3A_711] {strides = array<i32>} : memref<2x64x512xf32, #tpu.memory_space<vmem>>, vector<1x1x16xf32>,
        %get3A_713 = vector.shape_cast %get3A_712 : vector<1x1x16xf32> to vector<16xf32>
        %mul3A_714 = arith.mulf %get3A_713, %mul3A_579 : vector<16xf32>
        %add3A_715 = arith.addf %mul3A_708, %mul3A_714 : vector<16xf32>
        %mul3A_716 = arith.mulf %scan3A_526, %broadcast_in_dim3A_567 : vector<16xf32>
        %get3A_717 = arith.index_cast %rem3A_444 : i32 to index
        %get3A_718 = arith.index_cast %scan3A_506 : i32 to index
        %get3A_719 = arith.constant 272 : index
        %get3A_720 = tpu.vector_load %arg7[%get3A_717, %get3A_718, %get3A_719] {strides = array<i32>} : memref<2x64x512xf32, #tpu.memory_space<vmem>>, vector<1x1x16xf32>,
        %get3A_721 = vector.shape_cast %get3A_720 : vector<1x1x16xf32> to vector<16xf32>
        %mul3A_722 = arith.mulf %get3A_721, %mul3A_579 : vector<16xf32>
        %add3A_723 = arith.addf %mul3A_716, %mul3A_722 : vector<16xf32>
        %mul3A_724 = arith.mulf %scan3A_527, %broadcast_in_dim3A_567 : vector<16xf32>
        %get3A_725 = arith.index_cast %rem3A_444 : i32 to index
        %get3A_726 = arith.index_cast %scan3A_506 : i32 to index
        %get3A_727 = arith.constant 288 : index
        %get3A_728 = tpu.vector_load %arg7[%get3A_725, %get3A_726, %get3A_727] {strides = array<i32>} : memref<2x64x512xf32, #tpu.memory_space<vmem>>, vector<1x1x16xf32>,
        %get3A_729 = vector.shape_cast %get3A_728 : vector<1x1x16xf32> to vector<16xf32>
        %mul3A_730 = arith.mulf %get3A_729, %mul3A_579 : vector<16xf32>
        %add3A_731 = arith.addf %mul3A_724, %mul3A_730 : vector<16xf32>
        %mul3A_732 = arith.mulf %scan3A_528, %broadcast_in_dim3A_567 : vector<16xf32>
        %get3A_733 = arith.index_cast %rem3A_444 : i32 to index
        %get3A_734 = arith.index_cast %scan3A_506 : i32 to index
        %get3A_735 = arith.constant 304 : index
        %get3A_736 = tpu.vector_load %arg7[%get3A_733, %get3A_734, %get3A_735] {strides = array<i32>} : memref<2x64x512xf32, #tpu.memory_space<vmem>>, vector<1x1x16xf32>,
        %get3A_737 = vector.shape_cast %get3A_736 : vector<1x1x16xf32> to vector<16xf32>
        %mul3A_738 = arith.mulf %get3A_737, %mul3A_579 : vector<16xf32>
        %add3A_739 = arith.addf %mul3A_732, %mul3A_738 : vector<16xf32>
        %mul3A_740 = arith.mulf %scan3A_529, %broadcast_in_dim3A_567 : vector<16xf32>
        %get3A_741 = arith.index_cast %rem3A_444 : i32 to index
        %get3A_742 = arith.index_cast %scan3A_506 : i32 to index
        %get3A_743 = arith.constant 320 : index
        %get3A_744 = tpu.vector_load %arg7[%get3A_741, %get3A_742, %get3A_743] {strides = array<i32>} : memref<2x64x512xf32, #tpu.memory_space<vmem>>, vector<1x1x16xf32>,
        %get3A_745 = vector.shape_cast %get3A_744 : vector<1x1x16xf32> to vector<16xf32>
        %mul3A_746 = arith.mulf %get3A_745, %mul3A_579 : vector<16xf32>
        %add3A_747 = arith.addf %mul3A_740, %mul3A_746 : vector<16xf32>
        %mul3A_748 = arith.mulf %scan3A_530, %broadcast_in_dim3A_567 : vector<16xf32>
        %get3A_749 = arith.index_cast %rem3A_444 : i32 to index
        %get3A_750 = arith.index_cast %scan3A_506 : i32 to index
        %get3A_751 = arith.constant 336 : index
        %get3A_752 = tpu.vector_load %arg7[%get3A_749, %get3A_750, %get3A_751] {strides = array<i32>} : memref<2x64x512xf32, #tpu.memory_space<vmem>>, vector<1x1x16xf32>,
        %get3A_753 = vector.shape_cast %get3A_752 : vector<1x1x16xf32> to vector<16xf32>
        %mul3A_754 = arith.mulf %get3A_753, %mul3A_579 : vector<16xf32>
        %add3A_755 = arith.addf %mul3A_748, %mul3A_754 : vector<16xf32>
        %mul3A_756 = arith.mulf %scan3A_531, %broadcast_in_dim3A_567 : vector<16xf32>
        %get3A_757 = arith.index_cast %rem3A_444 : i32 to index
        %get3A_758 = arith.index_cast %scan3A_506 : i32 to index
        %get3A_759 = arith.constant 352 : index
        %get3A_760 = tpu.vector_load %arg7[%get3A_757, %get3A_758, %get3A_759] {strides = array<i32>} : memref<2x64x512xf32, #tpu.memory_space<vmem>>, vector<1x1x16xf32>,
        %get3A_761 = vector.shape_cast %get3A_760 : vector<1x1x16xf32> to vector<16xf32>
        %mul3A_762 = arith.mulf %get3A_761, %mul3A_579 : vector<16xf32>
        %add3A_763 = arith.addf %mul3A_756, %mul3A_762 : vector<16xf32>
        %mul3A_764 = arith.mulf %scan3A_532, %broadcast_in_dim3A_567 : vector<16xf32>
        %get3A_765 = arith.index_cast %rem3A_444 : i32 to index
        %get3A_766 = arith.index_cast %scan3A_506 : i32 to index
        %get3A_767 = arith.constant 368 : index
        %get3A_768 = tpu.vector_load %arg7[%get3A_765, %get3A_766, %get3A_767] {strides = array<i32>} : memref<2x64x512xf32, #tpu.memory_space<vmem>>, vector<1x1x16xf32>,
        %get3A_769 = vector.shape_cast %get3A_768 : vector<1x1x16xf32> to vector<16xf32>
        %mul3A_770 = arith.mulf %get3A_769, %mul3A_579 : vector<16xf32>
        %add3A_771 = arith.addf %mul3A_764, %mul3A_770 : vector<16xf32>
        %mul3A_772 = arith.mulf %scan3A_533, %broadcast_in_dim3A_567 : vector<16xf32>
        %get3A_773 = arith.index_cast %rem3A_444 : i32 to index
        %get3A_774 = arith.index_cast %scan3A_506 : i32 to index
        %get3A_775 = arith.constant 384 : index
        %get3A_776 = tpu.vector_load %arg7[%get3A_773, %get3A_774, %get3A_775] {strides = array<i32>} : memref<2x64x512xf32, #tpu.memory_space<vmem>>, vector<1x1x16xf32>,
        %get3A_777 = vector.shape_cast %get3A_776 : vector<1x1x16xf32> to vector<16xf32>
        %mul3A_778 = arith.mulf %get3A_777, %mul3A_579 : vector<16xf32>
        %add3A_779 = arith.addf %mul3A_772, %mul3A_778 : vector<16xf32>
        %mul3A_780 = arith.mulf %scan3A_534, %broadcast_in_dim3A_567 : vector<16xf32>
        %get3A_781 = arith.index_cast %rem3A_444 : i32 to index
        %get3A_782 = arith.index_cast %scan3A_506 : i32 to index
        %get3A_783 = arith.constant 400 : index
        %get3A_784 = tpu.vector_load %arg7[%get3A_781, %get3A_782, %get3A_783] {strides = array<i32>} : memref<2x64x512xf32, #tpu.memory_space<vmem>>, vector<1x1x16xf32>,
        %get3A_785 = vector.shape_cast %get3A_784 : vector<1x1x16xf32> to vector<16xf32>
        %mul3A_786 = arith.mulf %get3A_785, %mul3A_579 : vector<16xf32>
        %add3A_787 = arith.addf %mul3A_780, %mul3A_786 : vector<16xf32>
        %mul3A_788 = arith.mulf %scan3A_535, %broadcast_in_dim3A_567 : vector<16xf32>
        %get3A_789 = arith.index_cast %rem3A_444 : i32 to index
        %get3A_790 = arith.index_cast %scan3A_506 : i32 to index
        %get3A_791 = arith.constant 416 : index
        %get3A_792 = tpu.vector_load %arg7[%get3A_789, %get3A_790, %get3A_791] {strides = array<i32>} : memref<2x64x512xf32, #tpu.memory_space<vmem>>, vector<1x1x16xf32>,
        %get3A_793 = vector.shape_cast %get3A_792 : vector<1x1x16xf32> to vector<16xf32>
        %mul3A_794 = arith.mulf %get3A_793, %mul3A_579 : vector<16xf32>
        %add3A_795 = arith.addf %mul3A_788, %mul3A_794 : vector<16xf32>
        %mul3A_796 = arith.mulf %scan3A_536, %broadcast_in_dim3A_567 : vector<16xf32>
        %get3A_797 = arith.index_cast %rem3A_444 : i32 to index
        %get3A_798 = arith.index_cast %scan3A_506 : i32 to index
        %get3A_799 = arith.constant 432 : index
        %get3A_800 = tpu.vector_load %arg7[%get3A_797, %get3A_798, %get3A_799] {strides = array<i32>} : memref<2x64x512xf32, #tpu.memory_space<vmem>>, vector<1x1x16xf32>,
        %get3A_801 = vector.shape_cast %get3A_800 : vector<1x1x16xf32> to vector<16xf32>
        %mul3A_802 = arith.mulf %get3A_801, %mul3A_579 : vector<16xf32>
        %add3A_803 = arith.addf %mul3A_796, %mul3A_802 : vector<16xf32>
        %mul3A_804 = arith.mulf %scan3A_537, %broadcast_in_dim3A_567 : vector<16xf32>
        %get3A_805 = arith.index_cast %rem3A_444 : i32 to index
        %get3A_806 = arith.index_cast %scan3A_506 : i32 to index
        %get3A_807 = arith.constant 448 : index
        %get3A_808 = tpu.vector_load %arg7[%get3A_805, %get3A_806, %get3A_807] {strides = array<i32>} : memref<2x64x512xf32, #tpu.memory_space<vmem>>, vector<1x1x16xf32>,
        %get3A_809 = vector.shape_cast %get3A_808 : vector<1x1x16xf32> to vector<16xf32>
        %mul3A_810 = arith.mulf %get3A_809, %mul3A_579 : vector<16xf32>
        %add3A_811 = arith.addf %mul3A_804, %mul3A_810 : vector<16xf32>
        %mul3A_812 = arith.mulf %scan3A_538, %broadcast_in_dim3A_567 : vector<16xf32>
        %get3A_813 = arith.index_cast %rem3A_444 : i32 to index
        %get3A_814 = arith.index_cast %scan3A_506 : i32 to index
        %get3A_815 = arith.constant 464 : index
        %get3A_816 = tpu.vector_load %arg7[%get3A_813, %get3A_814, %get3A_815] {strides = array<i32>} : memref<2x64x512xf32, #tpu.memory_space<vmem>>, vector<1x1x16xf32>,
        %get3A_817 = vector.shape_cast %get3A_816 : vector<1x1x16xf32> to vector<16xf32>
        %mul3A_818 = arith.mulf %get3A_817, %mul3A_579 : vector<16xf32>
        %add3A_819 = arith.addf %mul3A_812, %mul3A_818 : vector<16xf32>
        %mul3A_820 = arith.mulf %scan3A_539, %broadcast_in_dim3A_567 : vector<16xf32>
        %get3A_821 = arith.index_cast %rem3A_444 : i32 to index
        %get3A_822 = arith.index_cast %scan3A_506 : i32 to index
        %get3A_823 = arith.constant 480 : index
        %get3A_824 = tpu.vector_load %arg7[%get3A_821, %get3A_822, %get3A_823] {strides = array<i32>} : memref<2x64x512xf32, #tpu.memory_space<vmem>>, vector<1x1x16xf32>,
        %get3A_825 = vector.shape_cast %get3A_824 : vector<1x1x16xf32> to vector<16xf32>
        %mul3A_826 = arith.mulf %get3A_825, %mul3A_579 : vector<16xf32>
        %add3A_827 = arith.addf %mul3A_820, %mul3A_826 : vector<16xf32>
        %mul3A_828 = arith.mulf %scan3A_540, %broadcast_in_dim3A_567 : vector<16xf32>
        %get3A_829 = arith.index_cast %rem3A_444 : i32 to index
        %get3A_830 = arith.index_cast %scan3A_506 : i32 to index
        %get3A_831 = arith.constant 496 : index
        %get3A_832 = tpu.vector_load %arg7[%get3A_829, %get3A_830, %get3A_831] {strides = array<i32>} : memref<2x64x512xf32, #tpu.memory_space<vmem>>, vector<1x1x16xf32>,
        %get3A_833 = vector.shape_cast %get3A_832 : vector<1x1x16xf32> to vector<16xf32>
        %mul3A_834 = arith.mulf %get3A_833, %mul3A_579 : vector<16xf32>
        %add3A_835 = arith.addf %mul3A_828, %mul3A_834 : vector<16xf32>
        %eq3A = arith.constant 0 : i32
        %eq3A_836 = vector.broadcast %eq3A : i32 to vector<16xi32>
        %eq3A_837 = arith.cmpi eq, %iota3A, %eq3A_836 : vector<16xi32>
        %eq3A_838 = arith.constant 1 : i32
        %eq3A_839 = vector.broadcast %eq3A_838 : i32 to vector<16xi32>
        %eq3A_840 = arith.cmpi eq, %iota3A, %eq3A_839 : vector<16xi32>
        %jit3A_841 = arith.constant 0.000000e+00 : f32
        %broadcast_in_dim3A_842 = vector.broadcast %jit3A_841 : f32 to vector<16xf32>
        %select_n3A_843 = arith.select %eq3A_840, %broadcast_in_dim3A_571, %broadcast_in_dim3A_842 : vector<16xi1>, vector<16xf32>
        %select_n3A_844 = arith.select %eq3A_837, %mul3A_579, %select_n3A_843 : vector<16xi1>, vector<16xf32>
        %mul3A_845 = arith.mulf %scan3A_508, %broadcast_in_dim3A_567 : vector<16xf32>
        %add3A_846 = arith.addf %mul3A_845, %select_n3A_844 : vector<16xf32>
        scf.yield %min3A_559, %add3A_846, %add3A_587, %add3A_595, %add3A_603, %add3A_611, %add3A_619, %add3A_627, %add3A_635, %add3A_643, %add3A_651, %add3A_659, %add3A_667, %add3A_675, %add3A_683, %add3A_691, %add3A_699, %add3A_707, %add3A_715, %add3A_723, %add3A_731, %add3A_739, %add3A_747, %add3A_755, %add3A_763, %add3A_771, %add3A_779, %add3A_787, %add3A_795, %add3A_803, %add3A_811, %add3A_819, %add3A_827, %add3A_835 : i32, vector<16xf32>, vector<16xf32>, vector<16xf32>, vector<16xf32>, vector<16xf32>, vector<16xf32>, vector<16xf32>, vector<16xf32>, vector<16xf32>, vector<16xf32>, vector<16xf32>, vector<16xf32>, vector<16xf32>, vector<16xf32>, vector<16xf32>, vector<16xf32>, vector<16xf32>, vector<16xf32>, vector<16xf32>, vector<16xf32>, vector<16xf32>, vector<16xf32>, vector<16xf32>, vector<16xf32>, vector<16xf32>, vector<16xf32>, vector<16xf32>, vector<16xf32>, vector<16xf32>, vector<16xf32>, vector<16xf32>, vector<16xf32>, vector<16xf32>
      }
      %scan3A_505 = arith.constant 64 : i32
      scf.yield %scan3A_504#0, %scan3A_504#1, %scan3A_504#2, %scan3A_504#3, %scan3A_504#4, %scan3A_504#5, %scan3A_504#6, %scan3A_504#7, %scan3A_504#8, %scan3A_504#9, %scan3A_504#10, %scan3A_504#11, %scan3A_504#12, %scan3A_504#13, %scan3A_504#14, %scan3A_504#15, %scan3A_504#16, %scan3A_504#17, %scan3A_504#18, %scan3A_504#19, %scan3A_504#20, %scan3A_504#21, %scan3A_504#22, %scan3A_504#23, %scan3A_504#24, %scan3A_504#25, %scan3A_504#26, %scan3A_504#27, %scan3A_504#28, %scan3A_504#29, %scan3A_504#30, %scan3A_504#31, %scan3A_504#32, %scan3A_504#33 : i32, vector<16xf32>, vector<16xf32>, vector<16xf32>, vector<16xf32>, vector<16xf32>, vector<16xf32>, vector<16xf32>, vector<16xf32>, vector<16xf32>, vector<16xf32>, vector<16xf32>, vector<16xf32>, vector<16xf32>, vector<16xf32>, vector<16xf32>, vector<16xf32>, vector<16xf32>, vector<16xf32>, vector<16xf32>, vector<16xf32>, vector<16xf32>, vector<16xf32>, vector<16xf32>, vector<16xf32>, vector<16xf32>, vector<16xf32>, vector<16xf32>, vector<16xf32>, vector<16xf32>, vector<16xf32>, vector<16xf32>, vector<16xf32>, vector<16xf32>
    }
    %while3A_71 = arith.constant 1 : i32
    %while3A_72:34 = scf.for %while3A_408 = %while3A_68 to %while3A_64 step %while3A_71 iter_args(%while3A_409 = %while3A_70#0, %while3A_410 = %while3A_70#1, %while3A_411 = %while3A_70#2, %while3A_412 = %while3A_70#3, %while3A_413 = %while3A_70#4, %while3A_414 = %while3A_70#5, %while3A_415 = %while3A_70#6, %while3A_416 = %while3A_70#7, %while3A_417 = %while3A_70#8, %while3A_418 = %while3A_70#9, %while3A_419 = %while3A_70#10, %while3A_420 = %while3A_70#11, %while3A_421 = %while3A_70#12, %while3A_422 = %while3A_70#13, %while3A_423 = %while3A_70#14, %while3A_424 = %while3A_70#15, %while3A_425 = %while3A_70#16, %while3A_426 = %while3A_70#17, %while3A_427 = %while3A_70#18, %while3A_428 = %while3A_70#19, %while3A_429 = %while3A_70#20, %while3A_430 = %while3A_70#21, %while3A_431 = %while3A_70#22, %while3A_432 = %while3A_70#23, %while3A_433 = %while3A_70#24, %while3A_434 = %while3A_70#25, %while3A_435 = %while3A_70#26, %while3A_436 = %while3A_70#27, %while3A_437 = %while3A_70#28, %while3A_438 = %while3A_70#29, %while3A_439 = %while3A_70#30, %while3A_440 = %while3A_70#31, %while3A_441 = %while3A_70#32, %while3A_442 = %while3A_70#33) -> (i32, vector<16xf32>, vector<16xf32>, vector<16xf32>, vector<16xf32>, vector<16xf32>, vector<16xf32>, vector<16xf32>, vector<16xf32>, vector<16xf32>, vector<16xf32>, vector<16xf32>, vector<16xf32>, vector<16xf32>, vector<16xf32>, vector<16xf32>, vector<16xf32>, vector<16xf32>, vector<16xf32>, vector<16xf32>, vector<16xf32>, vector<16xf32>, vector<16xf32>, vector<16xf32>, vector<16xf32>, vector<16xf32>, vector<16xf32>, vector<16xf32>, vector<16xf32>, vector<16xf32>, vector<16xf32>, vector<16xf32>, vector<16xf32>, vector<16xf32>)  : i32 {
      %rem3A_443 = arith.constant 2 : i32
      %rem3A_444 = arith.remsi %while3A_408, %rem3A_443 : i32
      %mul3A_445 = arith.constant 64 : i32
      %mul3A_446 = arith.muli %while3A_408, %mul3A_445 : i32
      %add3A_447 = arith.addi %mul3A_30, %mul3A_446 : i32
      %min3A = arith.constant 99936 : i32
      %min3A_448 = arith.minsi %add3A_447, %min3A : i32
      %mul3A_449 = arith.constant 64 : i32
      %mul3A_450 = arith.muli %while3A_408, %mul3A_449 : i32
      %add3A_451 = arith.addi %mul3A_30, %mul3A_450 : i32
      %min3A_452 = arith.constant 99936 : i32
      %min3A_453 = arith.minsi %add3A_451, %min3A_452 : i32
      %dma_wait3A = arith.constant 0 : i32
      %dma_wait3A_454 = arith.constant 0 : i32
      %dma_wait3A_455 = tpu.memref_slice %arg7[%rem3A_444, %dma_wait3A, %dma_wait3A_454] : memref<2x64x512xf32, #tpu.memory_space<vmem>> -> memref<1x64x512xf32, #tpu.memory_space<vmem>>
      %dma_wait3A_456 = tpu.memref_squeeze %dma_wait3A_455 : memref<1x64x512xf32, #tpu.memory_space<vmem>> -> memref<64x512xf32, #tpu.memory_space<vmem>>
      %dma_wait3A_457 = arith.constant 0 : i32
      %dma_wait3A_458 = tpu.memref_slice %arg2[%min3A_453, %dma_wait3A_457] : memref<100000x512xf32, #tpu.memory_space<hbm>> -> memref<64x512xf32, #tpu.memory_space<hbm>>
      %dma_wait3A_459 = tpu.memref_slice %arg13[%rem3A_444] : memref<2x!tpu.dma_semaphore, #tpu.memory_space<semaphore_mem>> -> memref<1x!tpu.dma_semaphore, #tpu.memory_space<semaphore_mem>>
      %dma_wait3A_460 = tpu.memref_squeeze %dma_wait3A_459 : memref<1x!tpu.dma_semaphore, #tpu.memory_space<semaphore_mem>> -> memref<!tpu.dma_semaphore, #tpu.memory_space<semaphore_mem>>
      %dma_wait3A_461 = arith.constant 0 : i32
      %dma_wait3A_462 = arith.constant 0 : i32
      %dma_wait3A_463 = tpu.memref_slice %arg7[%rem3A_444, %dma_wait3A_461, %dma_wait3A_462] : memref<2x64x512xf32, #tpu.memory_space<vmem>> -> memref<1x64x512xf32, #tpu.memory_space<vmem>>
      %dma_wait3A_464 = tpu.memref_squeeze %dma_wait3A_463 : memref<1x64x512xf32, #tpu.memory_space<vmem>> -> memref<64x512xf32, #tpu.memory_space<vmem>>
      %dma_wait3A_465 = arith.constant 0 : i32
      %dma_wait3A_466 = tpu.memref_slice %arg2[%min3A_453, %dma_wait3A_465] : memref<100000x512xf32, #tpu.memory_space<hbm>> -> memref<64x512xf32, #tpu.memory_space<hbm>>
      tpu.wait_dma2 semaphore(%dma_wait3A_460 : memref<!tpu.dma_semaphore, #tpu.memory_space<semaphore_mem>>) src(%dma_wait3A_466 : memref<64x512xf32, #tpu.memory_space<hbm>>) dst(%dma_wait3A_464 : memref<64x512xf32, #tpu.memory_space<vmem>>)
      %dma_wait3A_467 = arith.constant 0 : i32
      %dma_wait3A_468 = tpu.memref_slice %arg8[%rem3A_444, %dma_wait3A_467] : memref<2x80xf32, #tpu.memory_space<vmem>> -> memref<1x80xf32, #tpu.memory_space<vmem>>
      %dma_wait3A_469 = tpu.memref_squeeze %dma_wait3A_468 : memref<1x80xf32, #tpu.memory_space<vmem>> -> memref<80xf32, #tpu.memory_space<vmem>>
      %dma_wait3A_470 = arith.constant 0 : i32
      %dma_wait3A_471 = tpu.memref_slice %dma_wait3A_469[%dma_wait3A_470] : memref<80xf32, #tpu.memory_space<vmem>> -> memref<64xf32, #tpu.memory_space<vmem>>
      %dma_wait3A_472 = tpu.memref_slice %arg3[%min3A_453] : memref<100000xf32, #tpu.memory_space<hbm>> -> memref<64xf32, #tpu.memory_space<hbm>>
      %dma_wait3A_473 = tpu.memref_slice %arg13[%rem3A_444] : memref<2x!tpu.dma_semaphore, #tpu.memory_space<semaphore_mem>> -> memref<1x!tpu.dma_semaphore, #tpu.memory_space<semaphore_mem>>
      %dma_wait3A_474 = tpu.memref_squeeze %dma_wait3A_473 : memref<1x!tpu.dma_semaphore, #tpu.memory_space<semaphore_mem>> -> memref<!tpu.dma_semaphore, #tpu.memory_space<semaphore_mem>>
      %dma_wait3A_475 = arith.constant 0 : i32
      %dma_wait3A_476 = tpu.memref_slice %arg8[%rem3A_444, %dma_wait3A_475] : memref<2x80xf32, #tpu.memory_space<vmem>> -> memref<1x80xf32, #tpu.memory_space<vmem>>
      %dma_wait3A_477 = tpu.memref_squeeze %dma_wait3A_476 : memref<1x80xf32, #tpu.memory_space<vmem>> -> memref<80xf32, #tpu.memory_space<vmem>>
      %dma_wait3A_478 = arith.constant 0 : i32
      %dma_wait3A_479 = tpu.memref_slice %dma_wait3A_477[%dma_wait3A_478] : memref<80xf32, #tpu.memory_space<vmem>> -> memref<64xf32, #tpu.memory_space<vmem>>
      %dma_wait3A_480 = tpu.memref_slice %arg3[%min3A_453] : memref<100000xf32, #tpu.memory_space<hbm>> -> memref<64xf32, #tpu.memory_space<hbm>>
      tpu.wait_dma2 semaphore(%dma_wait3A_474 : memref<!tpu.dma_semaphore, #tpu.memory_space<semaphore_mem>>) src(%dma_wait3A_480 : memref<64xf32, #tpu.memory_space<hbm>>) dst(%dma_wait3A_479 : memref<64xf32, #tpu.memory_space<vmem>>)
      %dma_wait3A_481 = arith.constant 0 : i32
      %dma_wait3A_482 = tpu.memref_slice %arg9[%rem3A_444, %dma_wait3A_481] : memref<2x80xi32, #tpu.memory_space<vmem>> -> memref<1x80xi32, #tpu.memory_space<vmem>>
      %dma_wait3A_483 = tpu.memref_squeeze %dma_wait3A_482 : memref<1x80xi32, #tpu.memory_space<vmem>> -> memref<80xi32, #tpu.memory_space<vmem>>
      %dma_wait3A_484 = arith.constant 0 : i32
      %dma_wait3A_485 = tpu.memref_slice %dma_wait3A_483[%dma_wait3A_484] : memref<80xi32, #tpu.memory_space<vmem>> -> memref<64xi32, #tpu.memory_space<vmem>>
      %dma_wait3A_486 = tpu.memref_slice %arg4[%min3A_453] : memref<100000xi32, #tpu.memory_space<hbm>> -> memref<64xi32, #tpu.memory_space<hbm>>
      %dma_wait3A_487 = tpu.memref_slice %arg13[%rem3A_444] : memref<2x!tpu.dma_semaphore, #tpu.memory_space<semaphore_mem>> -> memref<1x!tpu.dma_semaphore, #tpu.memory_space<semaphore_mem>>
      %dma_wait3A_488 = tpu.memref_squeeze %dma_wait3A_487 : memref<1x!tpu.dma_semaphore, #tpu.memory_space<semaphore_mem>> -> memref<!tpu.dma_semaphore, #tpu.memory_space<semaphore_mem>>
      %dma_wait3A_489 = arith.constant 0 : i32
      %dma_wait3A_490 = tpu.memref_slice %arg9[%rem3A_444, %dma_wait3A_489] : memref<2x80xi32, #tpu.memory_space<vmem>> -> memref<1x80xi32, #tpu.memory_space<vmem>>
      %dma_wait3A_491 = tpu.memref_squeeze %dma_wait3A_490 : memref<1x80xi32, #tpu.memory_space<vmem>> -> memref<80xi32, #tpu.memory_space<vmem>>
      %dma_wait3A_492 = arith.constant 0 : i32
      %dma_wait3A_493 = tpu.memref_slice %dma_wait3A_491[%dma_wait3A_492] : memref<80xi32, #tpu.memory_space<vmem>> -> memref<64xi32, #tpu.memory_space<vmem>>
      %dma_wait3A_494 = tpu.memref_slice %arg4[%min3A_453] : memref<100000xi32, #tpu.memory_space<hbm>> -> memref<64xi32, #tpu.memory_space<hbm>>
      tpu.wait_dma2 semaphore(%dma_wait3A_488 : memref<!tpu.dma_semaphore, #tpu.memory_space<semaphore_mem>>) src(%dma_wait3A_494 : memref<64xi32, #tpu.memory_space<hbm>>) dst(%dma_wait3A_493 : memref<64xi32, #tpu.memory_space<vmem>>)
      %add3A_495 = arith.constant 1 : i32
      %add3A_496 = arith.addi %while3A_408, %add3A_495 : i32
      %lt3A = arith.cmpi slt, %add3A_496, %select_n3A_59 : i32
      %convert_element_type3A_497 = arith.extui %lt3A : i1 to i32
      %cond3A_498 = arith.constant 0 : i32
      %cond3A_499 = arith.cmpi ne, %convert_element_type3A_497, %cond3A_498 : i32
      scf.if %cond3A_499 {
        %add3A_506 = arith.constant 1 : i32
        %add3A_507 = arith.addi %while3A_408, %add3A_506 : i32
        %sub3A_508 = arith.constant 1 : i32
        %sub3A_509 = arith.subi %sub3A_508, %rem3A_444 : i32
        %mul3A_510 = arith.constant 64 : i32
        %mul3A_511 = arith.muli %add3A_507, %mul3A_510 : i32
        %add3A_512 = arith.addi %mul3A_30, %mul3A_511 : i32
        %min3A_513 = arith.constant 99936 : i32
        %min3A_514 = arith.minsi %add3A_512, %min3A_513 : i32
        %dma_start3A = arith.constant 0 : i32
        %dma_start3A_515 = arith.constant 0 : i32
        %dma_start3A_516 = tpu.memref_slice %arg7[%sub3A_509, %dma_start3A, %dma_start3A_515] : memref<2x64x512xf32, #tpu.memory_space<vmem>> -> memref<1x64x512xf32, #tpu.memory_space<vmem>>
        %dma_start3A_517 = tpu.memref_squeeze %dma_start3A_516 : memref<1x64x512xf32, #tpu.memory_space<vmem>> -> memref<64x512xf32, #tpu.memory_space<vmem>>
        %dma_start3A_518 = arith.constant 0 : i32
        %dma_start3A_519 = tpu.memref_slice %arg2[%min3A_514, %dma_start3A_518] : memref<100000x512xf32, #tpu.memory_space<hbm>> -> memref<64x512xf32, #tpu.memory_space<hbm>>
        %dma_start3A_520 = tpu.memref_slice %arg13[%sub3A_509] : memref<2x!tpu.dma_semaphore, #tpu.memory_space<semaphore_mem>> -> memref<1x!tpu.dma_semaphore, #tpu.memory_space<semaphore_mem>>
        %dma_start3A_521 = tpu.memref_squeeze %dma_start3A_520 : memref<1x!tpu.dma_semaphore, #tpu.memory_space<semaphore_mem>> -> memref<!tpu.dma_semaphore, #tpu.memory_space<semaphore_mem>>
        %dma_start3A_522 = arith.constant 0 : i32
        %dma_start3A_523 = arith.constant 0 : i32
        %dma_start3A_524 = tpu.memref_slice %arg7[%sub3A_509, %dma_start3A_522, %dma_start3A_523] : memref<2x64x512xf32, #tpu.memory_space<vmem>> -> memref<1x64x512xf32, #tpu.memory_space<vmem>>
        %dma_start3A_525 = tpu.memref_squeeze %dma_start3A_524 : memref<1x64x512xf32, #tpu.memory_space<vmem>> -> memref<64x512xf32, #tpu.memory_space<vmem>>
        %dma_start3A_526 = arith.constant 0 : i32
        %dma_start3A_527 = tpu.memref_slice %arg2[%min3A_514, %dma_start3A_526] : memref<100000x512xf32, #tpu.memory_space<hbm>> -> memref<64x512xf32, #tpu.memory_space<hbm>>
        tpu.enqueue_dma source(%dma_start3A_527 : memref<64x512xf32, #tpu.memory_space<hbm>>) target(%dma_start3A_525 : memref<64x512xf32, #tpu.memory_space<vmem>>) target_semaphore(%dma_start3A_521 : memref<!tpu.dma_semaphore, #tpu.memory_space<semaphore_mem>>)
        %dma_start3A_528 = arith.constant 0 : i32
        %dma_start3A_529 = tpu.memref_slice %arg8[%sub3A_509, %dma_start3A_528] : memref<2x80xf32, #tpu.memory_space<vmem>> -> memref<1x80xf32, #tpu.memory_space<vmem>>
        %dma_start3A_530 = tpu.memref_squeeze %dma_start3A_529 : memref<1x80xf32, #tpu.memory_space<vmem>> -> memref<80xf32, #tpu.memory_space<vmem>>
        %dma_start3A_531 = arith.constant 0 : i32
        %dma_start3A_532 = tpu.memref_slice %dma_start3A_530[%dma_start3A_531] : memref<80xf32, #tpu.memory_space<vmem>> -> memref<64xf32, #tpu.memory_space<vmem>>
        %dma_start3A_533 = tpu.memref_slice %arg3[%min3A_514] : memref<100000xf32, #tpu.memory_space<hbm>> -> memref<64xf32, #tpu.memory_space<hbm>>
        %dma_start3A_534 = tpu.memref_slice %arg13[%sub3A_509] : memref<2x!tpu.dma_semaphore, #tpu.memory_space<semaphore_mem>> -> memref<1x!tpu.dma_semaphore, #tpu.memory_space<semaphore_mem>>
        %dma_start3A_535 = tpu.memref_squeeze %dma_start3A_534 : memref<1x!tpu.dma_semaphore, #tpu.memory_space<semaphore_mem>> -> memref<!tpu.dma_semaphore, #tpu.memory_space<semaphore_mem>>
        %dma_start3A_536 = arith.constant 0 : i32
        %dma_start3A_537 = tpu.memref_slice %arg8[%sub3A_509, %dma_start3A_536] : memref<2x80xf32, #tpu.memory_space<vmem>> -> memref<1x80xf32, #tpu.memory_space<vmem>>
        %dma_start3A_538 = tpu.memref_squeeze %dma_start3A_537 : memref<1x80xf32, #tpu.memory_space<vmem>> -> memref<80xf32, #tpu.memory_space<vmem>>
        %dma_start3A_539 = arith.constant 0 : i32
        %dma_start3A_540 = tpu.memref_slice %dma_start3A_538[%dma_start3A_539] : memref<80xf32, #tpu.memory_space<vmem>> -> memref<64xf32, #tpu.memory_space<vmem>>
        %dma_start3A_541 = tpu.memref_slice %arg3[%min3A_514] : memref<100000xf32, #tpu.memory_space<hbm>> -> memref<64xf32, #tpu.memory_space<hbm>>
        tpu.enqueue_dma source(%dma_start3A_541 : memref<64xf32, #tpu.memory_space<hbm>>) target(%dma_start3A_540 : memref<64xf32, #tpu.memory_space<vmem>>) target_semaphore(%dma_start3A_535 : memref<!tpu.dma_semaphore, #tpu.memory_space<semaphore_mem>>)
        %dma_start3A_542 = arith.constant 0 : i32
        %dma_start3A_543 = tpu.memref_slice %arg9[%sub3A_509, %dma_start3A_542] : memref<2x80xi32, #tpu.memory_space<vmem>> -> memref<1x80xi32, #tpu.memory_space<vmem>>
        %dma_start3A_544 = tpu.memref_squeeze %dma_start3A_543 : memref<1x80xi32, #tpu.memory_space<vmem>> -> memref<80xi32, #tpu.memory_space<vmem>>
        %dma_start3A_545 = arith.constant 0 : i32
        %dma_start3A_546 = tpu.memref_slice %dma_start3A_544[%dma_start3A_545] : memref<80xi32, #tpu.memory_space<vmem>> -> memref<64xi32, #tpu.memory_space<vmem>>
        %dma_start3A_547 = tpu.memref_slice %arg4[%min3A_514] : memref<100000xi32, #tpu.memory_space<hbm>> -> memref<64xi32, #tpu.memory_space<hbm>>
        %dma_start3A_548 = tpu.memref_slice %arg13[%sub3A_509] : memref<2x!tpu.dma_semaphore, #tpu.memory_space<semaphore_mem>> -> memref<1x!tpu.dma_semaphore, #tpu.memory_space<semaphore_mem>>
        %dma_start3A_549 = tpu.memref_squeeze %dma_start3A_548 : memref<1x!tpu.dma_semaphore, #tpu.memory_space<semaphore_mem>> -> memref<!tpu.dma_semaphore, #tpu.memory_space<semaphore_mem>>
        %dma_start3A_550 = arith.constant 0 : i32
        %dma_start3A_551 = tpu.memref_slice %arg9[%sub3A_509, %dma_start3A_550] : memref<2x80xi32, #tpu.memory_space<vmem>> -> memref<1x80xi32, #tpu.memory_space<vmem>>
        %dma_start3A_552 = tpu.memref_squeeze %dma_start3A_551 : memref<1x80xi32, #tpu.memory_space<vmem>> -> memref<80xi32, #tpu.memory_space<vmem>>
        %dma_start3A_553 = arith.constant 0 : i32
        %dma_start3A_554 = tpu.memref_slice %dma_start3A_552[%dma_start3A_553] : memref<80xi32, #tpu.memory_space<vmem>> -> memref<64xi32, #tpu.memory_space<vmem>>
        %dma_start3A_555 = tpu.memref_slice %arg4[%min3A_514] : memref<100000xi32, #tpu.memory_space<hbm>> -> memref<64xi32, #tpu.memory_space<hbm>>
        tpu.enqueue_dma source(%dma_start3A_555 : memref<64xi32, #tpu.memory_space<hbm>>) target(%dma_start3A_554 : memref<64xi32, #tpu.memory_space<vmem>>) target_semaphore(%dma_start3A_549 : memref<!tpu.dma_semaphore, #tpu.memory_space<semaphore_mem>>)
      } else {
      }
      %scan3A_500 = arith.constant 0 : i32
      %scan3A_501 = arith.constant 64 : i32
      %scan3A_502 = arith.addi %scan3A_500, %scan3A_501 : i32
      %scan3A_503 = arith.constant 1 : i32
      %scan3A_504:34 = scf.for %scan3A_506 = %scan3A_500 to %scan3A_502 step %scan3A_503 iter_args(%scan3A_507 = %while3A_409, %scan3A_508 = %while3A_410, %scan3A_509 = %while3A_411, %scan3A_510 = %while3A_412, %scan3A_511 = %while3A_413, %scan3A_512 = %while3A_414, %scan3A_513 = %while3A_415, %scan3A_514 = %while3A_416, %scan3A_515 = %while3A_417, %scan3A_516 = %while3A_418, %scan3A_517 = %while3A_419, %scan3A_518 = %while3A_420, %scan3A_519 = %while3A_421, %scan3A_520 = %while3A_422, %scan3A_521 = %while3A_423, %scan3A_522 = %while3A_424, %scan3A_523 = %while3A_425, %scan3A_524 = %while3A_426, %scan3A_525 = %while3A_427, %scan3A_526 = %while3A_428, %scan3A_527 = %while3A_429, %scan3A_528 = %while3A_430, %scan3A_529 = %while3A_431, %scan3A_530 = %while3A_432, %scan3A_531 = %while3A_433, %scan3A_532 = %while3A_434, %scan3A_533 = %while3A_435, %scan3A_534 = %while3A_436, %scan3A_535 = %while3A_437, %scan3A_536 = %while3A_438, %scan3A_537 = %while3A_439, %scan3A_538 = %while3A_440, %scan3A_539 = %while3A_441, %scan3A_540 = %while3A_442) -> (i32, vector<16xf32>, vector<16xf32>, vector<16xf32>, vector<16xf32>, vector<16xf32>, vector<16xf32>, vector<16xf32>, vector<16xf32>, vector<16xf32>, vector<16xf32>, vector<16xf32>, vector<16xf32>, vector<16xf32>, vector<16xf32>, vector<16xf32>, vector<16xf32>, vector<16xf32>, vector<16xf32>, vector<16xf32>, vector<16xf32>, vector<16xf32>, vector<16xf32>, vector<16xf32>, vector<16xf32>, vector<16xf32>, vector<16xf32>, vector<16xf32>, vector<16xf32>, vector<16xf32>, vector<16xf32>, vector<16xf32>, vector<16xf32>, vector<16xf32>)  : i32 {
        %add3A_541 = arith.addi %min3A_448, %scan3A_506 : i32
        %ge3A = arith.cmpi sge, %add3A_541, %squeeze3A : i32
        %ge3A_542 = arith.cmpi sge, %add3A_541, %add3A_447 : i32
        %and3A_543 = arith.andi %ge3A, %ge3A_542 : i1
        %lt3A_544 = arith.cmpi slt, %add3A_541, %squeeze3A_7 : i32
        %and3A_545 = arith.andi %and3A_543, %lt3A_544 : i1
        %add3A_546 = arith.constant 64 : i32
        %add3A_547 = arith.addi %add3A_447, %add3A_546 : i32
        %lt3A_548 = arith.cmpi slt, %add3A_541, %add3A_547 : i32
        %and3A_549 = arith.andi %and3A_545, %lt3A_548 : i1
        %get3A_550 = arith.index_cast %rem3A_444 : i32 to index
        %get3A_551 = arith.index_cast %scan3A_506 : i32 to index
        %get3A_552 = tpu.vector_load %arg9[%get3A_550, %get3A_551] {strides = array<i32>} : memref<2x80xi32, #tpu.memory_space<vmem>>, vector<1x16xi32>,
        %get3A_553 = vector.shape_cast %get3A_552 : vector<1x16xi32> to vector<16xi32>
        %slice3A_554 = vector.extract_strided_slice %get3A_553 {offsets = [0], sizes = [1], strides = [1]} : vector<16xi32> to vector<1xi32>
        %squeeze3A_555 = vector.extract %slice3A_554[0] : i32 from vector<1xi32>
        %sub3A_556 = arith.subi %squeeze3A_555, %mul3A_2 : i32
        %jit3A_557 = arith.constant 0 : i32
        %jit3A_558 = arith.constant 31 : i32
        %max3A = arith.maxsi %jit3A_557, %sub3A_556 : i32
        %min3A_559 = arith.minsi %jit3A_558, %max3A : i32
        %ne3A_560 = arith.cmpi ne, %min3A_559, %scan3A_507 : i32
        %convert_element_type3A_561 = arith.extui %ne3A_560 : i1 to i32
        %cond3A_562 = arith.constant 0 : i32
        %cond3A_563 = arith.cmpi ne, %convert_element_type3A_561, %cond3A_562 : i32
        scf.if %cond3A_563 {
          %get3A_847 = arith.index_cast %scan3A_507 : i32 to index
          %get3A_848 = arith.constant 0 : index
          %get3A_849 = tpu.vector_load %arg11[%get3A_847, %get3A_848] {strides = array<i32>} : memref<32x512xf32, #tpu.memory_space<vmem>>, vector<1x16xf32>,
          %get3A_850 = vector.shape_cast %get3A_849 : vector<1x16xf32> to vector<16xf32>
          %add3A_851 = arith.addf %get3A_850, %scan3A_509 : vector<16xf32>
          %swap3A_852 = arith.index_cast %scan3A_507 : i32 to index
          %swap3A_853 = arith.constant 0 : index
          %swap3A_854 = tpu.vector_load %arg11[%swap3A_852, %swap3A_853] {strides = array<i32>} : memref<32x512xf32, #tpu.memory_space<vmem>>, vector<1x16xf32>,
          %swap3A_855 = vector.shape_cast %swap3A_854 : vector<1x16xf32> to vector<16xf32>
          %swap3A_856 = vector.shape_cast %add3A_851 : vector<16xf32> to vector<1x16xf32>
          tpu.vector_store %arg11[%swap3A_852, %swap3A_853], %swap3A_856 {strides = array<i32>} : memref<32x512xf32, #tpu.memory_space<vmem>>, vector<1x16xf32>,
          %get3A_857 = arith.index_cast %scan3A_507 : i32 to index
          %get3A_858 = arith.constant 16 : index
          %get3A_859 = tpu.vector_load %arg11[%get3A_857, %get3A_858] {strides = array<i32>} : memref<32x512xf32, #tpu.memory_space<vmem>>, vector<1x16xf32>,
          %get3A_860 = vector.shape_cast %get3A_859 : vector<1x16xf32> to vector<16xf32>
          %add3A_861 = arith.addf %get3A_860, %scan3A_510 : vector<16xf32>
          %swap3A_862 = arith.index_cast %scan3A_507 : i32 to index
          %swap3A_863 = arith.constant 16 : index
          %swap3A_864 = tpu.vector_load %arg11[%swap3A_862, %swap3A_863] {strides = array<i32>} : memref<32x512xf32, #tpu.memory_space<vmem>>, vector<1x16xf32>,
          %swap3A_865 = vector.shape_cast %swap3A_864 : vector<1x16xf32> to vector<16xf32>
          %swap3A_866 = vector.shape_cast %add3A_861 : vector<16xf32> to vector<1x16xf32>
          tpu.vector_store %arg11[%swap3A_862, %swap3A_863], %swap3A_866 {strides = array<i32>} : memref<32x512xf32, #tpu.memory_space<vmem>>, vector<1x16xf32>,
          %get3A_867 = arith.index_cast %scan3A_507 : i32 to index
          %get3A_868 = arith.constant 32 : index
          %get3A_869 = tpu.vector_load %arg11[%get3A_867, %get3A_868] {strides = array<i32>} : memref<32x512xf32, #tpu.memory_space<vmem>>, vector<1x16xf32>,
          %get3A_870 = vector.shape_cast %get3A_869 : vector<1x16xf32> to vector<16xf32>
          %add3A_871 = arith.addf %get3A_870, %scan3A_511 : vector<16xf32>
          %swap3A_872 = arith.index_cast %scan3A_507 : i32 to index
          %swap3A_873 = arith.constant 32 : index
          %swap3A_874 = tpu.vector_load %arg11[%swap3A_872, %swap3A_873] {strides = array<i32>} : memref<32x512xf32, #tpu.memory_space<vmem>>, vector<1x16xf32>,
          %swap3A_875 = vector.shape_cast %swap3A_874 : vector<1x16xf32> to vector<16xf32>
          %swap3A_876 = vector.shape_cast %add3A_871 : vector<16xf32> to vector<1x16xf32>
          tpu.vector_store %arg11[%swap3A_872, %swap3A_873], %swap3A_876 {strides = array<i32>} : memref<32x512xf32, #tpu.memory_space<vmem>>, vector<1x16xf32>,
          %get3A_877 = arith.index_cast %scan3A_507 : i32 to index
          %get3A_878 = arith.constant 48 : index
          %get3A_879 = tpu.vector_load %arg11[%get3A_877, %get3A_878] {strides = array<i32>} : memref<32x512xf32, #tpu.memory_space<vmem>>, vector<1x16xf32>,
          %get3A_880 = vector.shape_cast %get3A_879 : vector<1x16xf32> to vector<16xf32>
          %add3A_881 = arith.addf %get3A_880, %scan3A_512 : vector<16xf32>
          %swap3A_882 = arith.index_cast %scan3A_507 : i32 to index
          %swap3A_883 = arith.constant 48 : index
          %swap3A_884 = tpu.vector_load %arg11[%swap3A_882, %swap3A_883] {strides = array<i32>} : memref<32x512xf32, #tpu.memory_space<vmem>>, vector<1x16xf32>,
          %swap3A_885 = vector.shape_cast %swap3A_884 : vector<1x16xf32> to vector<16xf32>
          %swap3A_886 = vector.shape_cast %add3A_881 : vector<16xf32> to vector<1x16xf32>
          tpu.vector_store %arg11[%swap3A_882, %swap3A_883], %swap3A_886 {strides = array<i32>} : memref<32x512xf32, #tpu.memory_space<vmem>>, vector<1x16xf32>,
          %get3A_887 = arith.index_cast %scan3A_507 : i32 to index
          %get3A_888 = arith.constant 64 : index
          %get3A_889 = tpu.vector_load %arg11[%get3A_887, %get3A_888] {strides = array<i32>} : memref<32x512xf32, #tpu.memory_space<vmem>>, vector<1x16xf32>,
          %get3A_890 = vector.shape_cast %get3A_889 : vector<1x16xf32> to vector<16xf32>
          %add3A_891 = arith.addf %get3A_890, %scan3A_513 : vector<16xf32>
          %swap3A_892 = arith.index_cast %scan3A_507 : i32 to index
          %swap3A_893 = arith.constant 64 : index
          %swap3A_894 = tpu.vector_load %arg11[%swap3A_892, %swap3A_893] {strides = array<i32>} : memref<32x512xf32, #tpu.memory_space<vmem>>, vector<1x16xf32>,
          %swap3A_895 = vector.shape_cast %swap3A_894 : vector<1x16xf32> to vector<16xf32>
          %swap3A_896 = vector.shape_cast %add3A_891 : vector<16xf32> to vector<1x16xf32>
          tpu.vector_store %arg11[%swap3A_892, %swap3A_893], %swap3A_896 {strides = array<i32>} : memref<32x512xf32, #tpu.memory_space<vmem>>, vector<1x16xf32>,
          %get3A_897 = arith.index_cast %scan3A_507 : i32 to index
          %get3A_898 = arith.constant 80 : index
          %get3A_899 = tpu.vector_load %arg11[%get3A_897, %get3A_898] {strides = array<i32>} : memref<32x512xf32, #tpu.memory_space<vmem>>, vector<1x16xf32>,
          %get3A_900 = vector.shape_cast %get3A_899 : vector<1x16xf32> to vector<16xf32>
          %add3A_901 = arith.addf %get3A_900, %scan3A_514 : vector<16xf32>
          %swap3A_902 = arith.index_cast %scan3A_507 : i32 to index
          %swap3A_903 = arith.constant 80 : index
          %swap3A_904 = tpu.vector_load %arg11[%swap3A_902, %swap3A_903] {strides = array<i32>} : memref<32x512xf32, #tpu.memory_space<vmem>>, vector<1x16xf32>,
          %swap3A_905 = vector.shape_cast %swap3A_904 : vector<1x16xf32> to vector<16xf32>
          %swap3A_906 = vector.shape_cast %add3A_901 : vector<16xf32> to vector<1x16xf32>
          tpu.vector_store %arg11[%swap3A_902, %swap3A_903], %swap3A_906 {strides = array<i32>} : memref<32x512xf32, #tpu.memory_space<vmem>>, vector<1x16xf32>,
          %get3A_907 = arith.index_cast %scan3A_507 : i32 to index
          %get3A_908 = arith.constant 96 : index
          %get3A_909 = tpu.vector_load %arg11[%get3A_907, %get3A_908] {strides = array<i32>} : memref<32x512xf32, #tpu.memory_space<vmem>>, vector<1x16xf32>,
          %get3A_910 = vector.shape_cast %get3A_909 : vector<1x16xf32> to vector<16xf32>
          %add3A_911 = arith.addf %get3A_910, %scan3A_515 : vector<16xf32>
          %swap3A_912 = arith.index_cast %scan3A_507 : i32 to index
          %swap3A_913 = arith.constant 96 : index
          %swap3A_914 = tpu.vector_load %arg11[%swap3A_912, %swap3A_913] {strides = array<i32>} : memref<32x512xf32, #tpu.memory_space<vmem>>, vector<1x16xf32>,
          %swap3A_915 = vector.shape_cast %swap3A_914 : vector<1x16xf32> to vector<16xf32>
          %swap3A_916 = vector.shape_cast %add3A_911 : vector<16xf32> to vector<1x16xf32>
          tpu.vector_store %arg11[%swap3A_912, %swap3A_913], %swap3A_916 {strides = array<i32>} : memref<32x512xf32, #tpu.memory_space<vmem>>, vector<1x16xf32>,
          %get3A_917 = arith.index_cast %scan3A_507 : i32 to index
          %get3A_918 = arith.constant 112 : index
          %get3A_919 = tpu.vector_load %arg11[%get3A_917, %get3A_918] {strides = array<i32>} : memref<32x512xf32, #tpu.memory_space<vmem>>, vector<1x16xf32>,
          %get3A_920 = vector.shape_cast %get3A_919 : vector<1x16xf32> to vector<16xf32>
          %add3A_921 = arith.addf %get3A_920, %scan3A_516 : vector<16xf32>
          %swap3A_922 = arith.index_cast %scan3A_507 : i32 to index
          %swap3A_923 = arith.constant 112 : index
          %swap3A_924 = tpu.vector_load %arg11[%swap3A_922, %swap3A_923] {strides = array<i32>} : memref<32x512xf32, #tpu.memory_space<vmem>>, vector<1x16xf32>,
          %swap3A_925 = vector.shape_cast %swap3A_924 : vector<1x16xf32> to vector<16xf32>
          %swap3A_926 = vector.shape_cast %add3A_921 : vector<16xf32> to vector<1x16xf32>
          tpu.vector_store %arg11[%swap3A_922, %swap3A_923], %swap3A_926 {strides = array<i32>} : memref<32x512xf32, #tpu.memory_space<vmem>>, vector<1x16xf32>,
          %get3A_927 = arith.index_cast %scan3A_507 : i32 to index
          %get3A_928 = arith.constant 128 : index
          %get3A_929 = tpu.vector_load %arg11[%get3A_927, %get3A_928] {strides = array<i32>} : memref<32x512xf32, #tpu.memory_space<vmem>>, vector<1x16xf32>,
          %get3A_930 = vector.shape_cast %get3A_929 : vector<1x16xf32> to vector<16xf32>
          %add3A_931 = arith.addf %get3A_930, %scan3A_517 : vector<16xf32>
          %swap3A_932 = arith.index_cast %scan3A_507 : i32 to index
          %swap3A_933 = arith.constant 128 : index
          %swap3A_934 = tpu.vector_load %arg11[%swap3A_932, %swap3A_933] {strides = array<i32>} : memref<32x512xf32, #tpu.memory_space<vmem>>, vector<1x16xf32>,
          %swap3A_935 = vector.shape_cast %swap3A_934 : vector<1x16xf32> to vector<16xf32>
          %swap3A_936 = vector.shape_cast %add3A_931 : vector<16xf32> to vector<1x16xf32>
          tpu.vector_store %arg11[%swap3A_932, %swap3A_933], %swap3A_936 {strides = array<i32>} : memref<32x512xf32, #tpu.memory_space<vmem>>, vector<1x16xf32>,
          %get3A_937 = arith.index_cast %scan3A_507 : i32 to index
          %get3A_938 = arith.constant 144 : index
          %get3A_939 = tpu.vector_load %arg11[%get3A_937, %get3A_938] {strides = array<i32>} : memref<32x512xf32, #tpu.memory_space<vmem>>, vector<1x16xf32>,
          %get3A_940 = vector.shape_cast %get3A_939 : vector<1x16xf32> to vector<16xf32>
          %add3A_941 = arith.addf %get3A_940, %scan3A_518 : vector<16xf32>
          %swap3A_942 = arith.index_cast %scan3A_507 : i32 to index
          %swap3A_943 = arith.constant 144 : index
          %swap3A_944 = tpu.vector_load %arg11[%swap3A_942, %swap3A_943] {strides = array<i32>} : memref<32x512xf32, #tpu.memory_space<vmem>>, vector<1x16xf32>,
          %swap3A_945 = vector.shape_cast %swap3A_944 : vector<1x16xf32> to vector<16xf32>
          %swap3A_946 = vector.shape_cast %add3A_941 : vector<16xf32> to vector<1x16xf32>
          tpu.vector_store %arg11[%swap3A_942, %swap3A_943], %swap3A_946 {strides = array<i32>} : memref<32x512xf32, #tpu.memory_space<vmem>>, vector<1x16xf32>,
          %get3A_947 = arith.index_cast %scan3A_507 : i32 to index
          %get3A_948 = arith.constant 160 : index
          %get3A_949 = tpu.vector_load %arg11[%get3A_947, %get3A_948] {strides = array<i32>} : memref<32x512xf32, #tpu.memory_space<vmem>>, vector<1x16xf32>,
          %get3A_950 = vector.shape_cast %get3A_949 : vector<1x16xf32> to vector<16xf32>
          %add3A_951 = arith.addf %get3A_950, %scan3A_519 : vector<16xf32>
          %swap3A_952 = arith.index_cast %scan3A_507 : i32 to index
          %swap3A_953 = arith.constant 160 : index
          %swap3A_954 = tpu.vector_load %arg11[%swap3A_952, %swap3A_953] {strides = array<i32>} : memref<32x512xf32, #tpu.memory_space<vmem>>, vector<1x16xf32>,
          %swap3A_955 = vector.shape_cast %swap3A_954 : vector<1x16xf32> to vector<16xf32>
          %swap3A_956 = vector.shape_cast %add3A_951 : vector<16xf32> to vector<1x16xf32>
          tpu.vector_store %arg11[%swap3A_952, %swap3A_953], %swap3A_956 {strides = array<i32>} : memref<32x512xf32, #tpu.memory_space<vmem>>, vector<1x16xf32>,
          %get3A_957 = arith.index_cast %scan3A_507 : i32 to index
          %get3A_958 = arith.constant 176 : index
          %get3A_959 = tpu.vector_load %arg11[%get3A_957, %get3A_958] {strides = array<i32>} : memref<32x512xf32, #tpu.memory_space<vmem>>, vector<1x16xf32>,
          %get3A_960 = vector.shape_cast %get3A_959 : vector<1x16xf32> to vector<16xf32>
          %add3A_961 = arith.addf %get3A_960, %scan3A_520 : vector<16xf32>
          %swap3A_962 = arith.index_cast %scan3A_507 : i32 to index
          %swap3A_963 = arith.constant 176 : index
          %swap3A_964 = tpu.vector_load %arg11[%swap3A_962, %swap3A_963] {strides = array<i32>} : memref<32x512xf32, #tpu.memory_space<vmem>>, vector<1x16xf32>,
          %swap3A_965 = vector.shape_cast %swap3A_964 : vector<1x16xf32> to vector<16xf32>
          %swap3A_966 = vector.shape_cast %add3A_961 : vector<16xf32> to vector<1x16xf32>
          tpu.vector_store %arg11[%swap3A_962, %swap3A_963], %swap3A_966 {strides = array<i32>} : memref<32x512xf32, #tpu.memory_space<vmem>>, vector<1x16xf32>,
          %get3A_967 = arith.index_cast %scan3A_507 : i32 to index
          %get3A_968 = arith.constant 192 : index
          %get3A_969 = tpu.vector_load %arg11[%get3A_967, %get3A_968] {strides = array<i32>} : memref<32x512xf32, #tpu.memory_space<vmem>>, vector<1x16xf32>,
          %get3A_970 = vector.shape_cast %get3A_969 : vector<1x16xf32> to vector<16xf32>
          %add3A_971 = arith.addf %get3A_970, %scan3A_521 : vector<16xf32>
          %swap3A_972 = arith.index_cast %scan3A_507 : i32 to index
          %swap3A_973 = arith.constant 192 : index
          %swap3A_974 = tpu.vector_load %arg11[%swap3A_972, %swap3A_973] {strides = array<i32>} : memref<32x512xf32, #tpu.memory_space<vmem>>, vector<1x16xf32>,
          %swap3A_975 = vector.shape_cast %swap3A_974 : vector<1x16xf32> to vector<16xf32>
          %swap3A_976 = vector.shape_cast %add3A_971 : vector<16xf32> to vector<1x16xf32>
          tpu.vector_store %arg11[%swap3A_972, %swap3A_973], %swap3A_976 {strides = array<i32>} : memref<32x512xf32, #tpu.memory_space<vmem>>, vector<1x16xf32>,
          %get3A_977 = arith.index_cast %scan3A_507 : i32 to index
          %get3A_978 = arith.constant 208 : index
          %get3A_979 = tpu.vector_load %arg11[%get3A_977, %get3A_978] {strides = array<i32>} : memref<32x512xf32, #tpu.memory_space<vmem>>, vector<1x16xf32>,
          %get3A_980 = vector.shape_cast %get3A_979 : vector<1x16xf32> to vector<16xf32>
          %add3A_981 = arith.addf %get3A_980, %scan3A_522 : vector<16xf32>
          %swap3A_982 = arith.index_cast %scan3A_507 : i32 to index
          %swap3A_983 = arith.constant 208 : index
          %swap3A_984 = tpu.vector_load %arg11[%swap3A_982, %swap3A_983] {strides = array<i32>} : memref<32x512xf32, #tpu.memory_space<vmem>>, vector<1x16xf32>,
          %swap3A_985 = vector.shape_cast %swap3A_984 : vector<1x16xf32> to vector<16xf32>
          %swap3A_986 = vector.shape_cast %add3A_981 : vector<16xf32> to vector<1x16xf32>
          tpu.vector_store %arg11[%swap3A_982, %swap3A_983], %swap3A_986 {strides = array<i32>} : memref<32x512xf32, #tpu.memory_space<vmem>>, vector<1x16xf32>,
          %get3A_987 = arith.index_cast %scan3A_507 : i32 to index
          %get3A_988 = arith.constant 224 : index
          %get3A_989 = tpu.vector_load %arg11[%get3A_987, %get3A_988] {strides = array<i32>} : memref<32x512xf32, #tpu.memory_space<vmem>>, vector<1x16xf32>,
          %get3A_990 = vector.shape_cast %get3A_989 : vector<1x16xf32> to vector<16xf32>
          %add3A_991 = arith.addf %get3A_990, %scan3A_523 : vector<16xf32>
          %swap3A_992 = arith.index_cast %scan3A_507 : i32 to index
          %swap3A_993 = arith.constant 224 : index
          %swap3A_994 = tpu.vector_load %arg11[%swap3A_992, %swap3A_993] {strides = array<i32>} : memref<32x512xf32, #tpu.memory_space<vmem>>, vector<1x16xf32>,
          %swap3A_995 = vector.shape_cast %swap3A_994 : vector<1x16xf32> to vector<16xf32>
          %swap3A_996 = vector.shape_cast %add3A_991 : vector<16xf32> to vector<1x16xf32>
          tpu.vector_store %arg11[%swap3A_992, %swap3A_993], %swap3A_996 {strides = array<i32>} : memref<32x512xf32, #tpu.memory_space<vmem>>, vector<1x16xf32>,
          %get3A_997 = arith.index_cast %scan3A_507 : i32 to index
          %get3A_998 = arith.constant 240 : index
          %get3A_999 = tpu.vector_load %arg11[%get3A_997, %get3A_998] {strides = array<i32>} : memref<32x512xf32, #tpu.memory_space<vmem>>, vector<1x16xf32>,
          %get3A_1000 = vector.shape_cast %get3A_999 : vector<1x16xf32> to vector<16xf32>
          %add3A_1001 = arith.addf %get3A_1000, %scan3A_524 : vector<16xf32>
          %swap3A_1002 = arith.index_cast %scan3A_507 : i32 to index
          %swap3A_1003 = arith.constant 240 : index
          %swap3A_1004 = tpu.vector_load %arg11[%swap3A_1002, %swap3A_1003] {strides = array<i32>} : memref<32x512xf32, #tpu.memory_space<vmem>>, vector<1x16xf32>,
          %swap3A_1005 = vector.shape_cast %swap3A_1004 : vector<1x16xf32> to vector<16xf32>
          %swap3A_1006 = vector.shape_cast %add3A_1001 : vector<16xf32> to vector<1x16xf32>
          tpu.vector_store %arg11[%swap3A_1002, %swap3A_1003], %swap3A_1006 {strides = array<i32>} : memref<32x512xf32, #tpu.memory_space<vmem>>, vector<1x16xf32>,
          %get3A_1007 = arith.index_cast %scan3A_507 : i32 to index
          %get3A_1008 = arith.constant 256 : index
          %get3A_1009 = tpu.vector_load %arg11[%get3A_1007, %get3A_1008] {strides = array<i32>} : memref<32x512xf32, #tpu.memory_space<vmem>>, vector<1x16xf32>,
          %get3A_1010 = vector.shape_cast %get3A_1009 : vector<1x16xf32> to vector<16xf32>
          %add3A_1011 = arith.addf %get3A_1010, %scan3A_525 : vector<16xf32>
          %swap3A_1012 = arith.index_cast %scan3A_507 : i32 to index
          %swap3A_1013 = arith.constant 256 : index
          %swap3A_1014 = tpu.vector_load %arg11[%swap3A_1012, %swap3A_1013] {strides = array<i32>} : memref<32x512xf32, #tpu.memory_space<vmem>>, vector<1x16xf32>,
          %swap3A_1015 = vector.shape_cast %swap3A_1014 : vector<1x16xf32> to vector<16xf32>
          %swap3A_1016 = vector.shape_cast %add3A_1011 : vector<16xf32> to vector<1x16xf32>
          tpu.vector_store %arg11[%swap3A_1012, %swap3A_1013], %swap3A_1016 {strides = array<i32>} : memref<32x512xf32, #tpu.memory_space<vmem>>, vector<1x16xf32>,
          %get3A_1017 = arith.index_cast %scan3A_507 : i32 to index
          %get3A_1018 = arith.constant 272 : index
          %get3A_1019 = tpu.vector_load %arg11[%get3A_1017, %get3A_1018] {strides = array<i32>} : memref<32x512xf32, #tpu.memory_space<vmem>>, vector<1x16xf32>,
          %get3A_1020 = vector.shape_cast %get3A_1019 : vector<1x16xf32> to vector<16xf32>
          %add3A_1021 = arith.addf %get3A_1020, %scan3A_526 : vector<16xf32>
          %swap3A_1022 = arith.index_cast %scan3A_507 : i32 to index
          %swap3A_1023 = arith.constant 272 : index
          %swap3A_1024 = tpu.vector_load %arg11[%swap3A_1022, %swap3A_1023] {strides = array<i32>} : memref<32x512xf32, #tpu.memory_space<vmem>>, vector<1x16xf32>,
          %swap3A_1025 = vector.shape_cast %swap3A_1024 : vector<1x16xf32> to vector<16xf32>
          %swap3A_1026 = vector.shape_cast %add3A_1021 : vector<16xf32> to vector<1x16xf32>
          tpu.vector_store %arg11[%swap3A_1022, %swap3A_1023], %swap3A_1026 {strides = array<i32>} : memref<32x512xf32, #tpu.memory_space<vmem>>, vector<1x16xf32>,
          %get3A_1027 = arith.index_cast %scan3A_507 : i32 to index
          %get3A_1028 = arith.constant 288 : index
          %get3A_1029 = tpu.vector_load %arg11[%get3A_1027, %get3A_1028] {strides = array<i32>} : memref<32x512xf32, #tpu.memory_space<vmem>>, vector<1x16xf32>,
          %get3A_1030 = vector.shape_cast %get3A_1029 : vector<1x16xf32> to vector<16xf32>
          %add3A_1031 = arith.addf %get3A_1030, %scan3A_527 : vector<16xf32>
          %swap3A_1032 = arith.index_cast %scan3A_507 : i32 to index
          %swap3A_1033 = arith.constant 288 : index
          %swap3A_1034 = tpu.vector_load %arg11[%swap3A_1032, %swap3A_1033] {strides = array<i32>} : memref<32x512xf32, #tpu.memory_space<vmem>>, vector<1x16xf32>,
          %swap3A_1035 = vector.shape_cast %swap3A_1034 : vector<1x16xf32> to vector<16xf32>
          %swap3A_1036 = vector.shape_cast %add3A_1031 : vector<16xf32> to vector<1x16xf32>
          tpu.vector_store %arg11[%swap3A_1032, %swap3A_1033], %swap3A_1036 {strides = array<i32>} : memref<32x512xf32, #tpu.memory_space<vmem>>, vector<1x16xf32>,
          %get3A_1037 = arith.index_cast %scan3A_507 : i32 to index
          %get3A_1038 = arith.constant 304 : index
          %get3A_1039 = tpu.vector_load %arg11[%get3A_1037, %get3A_1038] {strides = array<i32>} : memref<32x512xf32, #tpu.memory_space<vmem>>, vector<1x16xf32>,
          %get3A_1040 = vector.shape_cast %get3A_1039 : vector<1x16xf32> to vector<16xf32>
          %add3A_1041 = arith.addf %get3A_1040, %scan3A_528 : vector<16xf32>
          %swap3A_1042 = arith.index_cast %scan3A_507 : i32 to index
          %swap3A_1043 = arith.constant 304 : index
          %swap3A_1044 = tpu.vector_load %arg11[%swap3A_1042, %swap3A_1043] {strides = array<i32>} : memref<32x512xf32, #tpu.memory_space<vmem>>, vector<1x16xf32>,
          %swap3A_1045 = vector.shape_cast %swap3A_1044 : vector<1x16xf32> to vector<16xf32>
          %swap3A_1046 = vector.shape_cast %add3A_1041 : vector<16xf32> to vector<1x16xf32>
          tpu.vector_store %arg11[%swap3A_1042, %swap3A_1043], %swap3A_1046 {strides = array<i32>} : memref<32x512xf32, #tpu.memory_space<vmem>>, vector<1x16xf32>,
          %get3A_1047 = arith.index_cast %scan3A_507 : i32 to index
          %get3A_1048 = arith.constant 320 : index
          %get3A_1049 = tpu.vector_load %arg11[%get3A_1047, %get3A_1048] {strides = array<i32>} : memref<32x512xf32, #tpu.memory_space<vmem>>, vector<1x16xf32>,
          %get3A_1050 = vector.shape_cast %get3A_1049 : vector<1x16xf32> to vector<16xf32>
          %add3A_1051 = arith.addf %get3A_1050, %scan3A_529 : vector<16xf32>
          %swap3A_1052 = arith.index_cast %scan3A_507 : i32 to index
          %swap3A_1053 = arith.constant 320 : index
          %swap3A_1054 = tpu.vector_load %arg11[%swap3A_1052, %swap3A_1053] {strides = array<i32>} : memref<32x512xf32, #tpu.memory_space<vmem>>, vector<1x16xf32>,
          %swap3A_1055 = vector.shape_cast %swap3A_1054 : vector<1x16xf32> to vector<16xf32>
          %swap3A_1056 = vector.shape_cast %add3A_1051 : vector<16xf32> to vector<1x16xf32>
          tpu.vector_store %arg11[%swap3A_1052, %swap3A_1053], %swap3A_1056 {strides = array<i32>} : memref<32x512xf32, #tpu.memory_space<vmem>>, vector<1x16xf32>,
          %get3A_1057 = arith.index_cast %scan3A_507 : i32 to index
          %get3A_1058 = arith.constant 336 : index
          %get3A_1059 = tpu.vector_load %arg11[%get3A_1057, %get3A_1058] {strides = array<i32>} : memref<32x512xf32, #tpu.memory_space<vmem>>, vector<1x16xf32>,
          %get3A_1060 = vector.shape_cast %get3A_1059 : vector<1x16xf32> to vector<16xf32>
          %add3A_1061 = arith.addf %get3A_1060, %scan3A_530 : vector<16xf32>
          %swap3A_1062 = arith.index_cast %scan3A_507 : i32 to index
          %swap3A_1063 = arith.constant 336 : index
          %swap3A_1064 = tpu.vector_load %arg11[%swap3A_1062, %swap3A_1063] {strides = array<i32>} : memref<32x512xf32, #tpu.memory_space<vmem>>, vector<1x16xf32>,
          %swap3A_1065 = vector.shape_cast %swap3A_1064 : vector<1x16xf32> to vector<16xf32>
          %swap3A_1066 = vector.shape_cast %add3A_1061 : vector<16xf32> to vector<1x16xf32>
          tpu.vector_store %arg11[%swap3A_1062, %swap3A_1063], %swap3A_1066 {strides = array<i32>} : memref<32x512xf32, #tpu.memory_space<vmem>>, vector<1x16xf32>,
          %get3A_1067 = arith.index_cast %scan3A_507 : i32 to index
          %get3A_1068 = arith.constant 352 : index
          %get3A_1069 = tpu.vector_load %arg11[%get3A_1067, %get3A_1068] {strides = array<i32>} : memref<32x512xf32, #tpu.memory_space<vmem>>, vector<1x16xf32>,
          %get3A_1070 = vector.shape_cast %get3A_1069 : vector<1x16xf32> to vector<16xf32>
          %add3A_1071 = arith.addf %get3A_1070, %scan3A_531 : vector<16xf32>
          %swap3A_1072 = arith.index_cast %scan3A_507 : i32 to index
          %swap3A_1073 = arith.constant 352 : index
          %swap3A_1074 = tpu.vector_load %arg11[%swap3A_1072, %swap3A_1073] {strides = array<i32>} : memref<32x512xf32, #tpu.memory_space<vmem>>, vector<1x16xf32>,
          %swap3A_1075 = vector.shape_cast %swap3A_1074 : vector<1x16xf32> to vector<16xf32>
          %swap3A_1076 = vector.shape_cast %add3A_1071 : vector<16xf32> to vector<1x16xf32>
          tpu.vector_store %arg11[%swap3A_1072, %swap3A_1073], %swap3A_1076 {strides = array<i32>} : memref<32x512xf32, #tpu.memory_space<vmem>>, vector<1x16xf32>,
          %get3A_1077 = arith.index_cast %scan3A_507 : i32 to index
          %get3A_1078 = arith.constant 368 : index
          %get3A_1079 = tpu.vector_load %arg11[%get3A_1077, %get3A_1078] {strides = array<i32>} : memref<32x512xf32, #tpu.memory_space<vmem>>, vector<1x16xf32>,
          %get3A_1080 = vector.shape_cast %get3A_1079 : vector<1x16xf32> to vector<16xf32>
          %add3A_1081 = arith.addf %get3A_1080, %scan3A_532 : vector<16xf32>
          %swap3A_1082 = arith.index_cast %scan3A_507 : i32 to index
          %swap3A_1083 = arith.constant 368 : index
          %swap3A_1084 = tpu.vector_load %arg11[%swap3A_1082, %swap3A_1083] {strides = array<i32>} : memref<32x512xf32, #tpu.memory_space<vmem>>, vector<1x16xf32>,
          %swap3A_1085 = vector.shape_cast %swap3A_1084 : vector<1x16xf32> to vector<16xf32>
          %swap3A_1086 = vector.shape_cast %add3A_1081 : vector<16xf32> to vector<1x16xf32>
          tpu.vector_store %arg11[%swap3A_1082, %swap3A_1083], %swap3A_1086 {strides = array<i32>} : memref<32x512xf32, #tpu.memory_space<vmem>>, vector<1x16xf32>,
          %get3A_1087 = arith.index_cast %scan3A_507 : i32 to index
          %get3A_1088 = arith.constant 384 : index
          %get3A_1089 = tpu.vector_load %arg11[%get3A_1087, %get3A_1088] {strides = array<i32>} : memref<32x512xf32, #tpu.memory_space<vmem>>, vector<1x16xf32>,
          %get3A_1090 = vector.shape_cast %get3A_1089 : vector<1x16xf32> to vector<16xf32>
          %add3A_1091 = arith.addf %get3A_1090, %scan3A_533 : vector<16xf32>
          %swap3A_1092 = arith.index_cast %scan3A_507 : i32 to index
          %swap3A_1093 = arith.constant 384 : index
          %swap3A_1094 = tpu.vector_load %arg11[%swap3A_1092, %swap3A_1093] {strides = array<i32>} : memref<32x512xf32, #tpu.memory_space<vmem>>, vector<1x16xf32>,
          %swap3A_1095 = vector.shape_cast %swap3A_1094 : vector<1x16xf32> to vector<16xf32>
          %swap3A_1096 = vector.shape_cast %add3A_1091 : vector<16xf32> to vector<1x16xf32>
          tpu.vector_store %arg11[%swap3A_1092, %swap3A_1093], %swap3A_1096 {strides = array<i32>} : memref<32x512xf32, #tpu.memory_space<vmem>>, vector<1x16xf32>,
          %get3A_1097 = arith.index_cast %scan3A_507 : i32 to index
          %get3A_1098 = arith.constant 400 : index
          %get3A_1099 = tpu.vector_load %arg11[%get3A_1097, %get3A_1098] {strides = array<i32>} : memref<32x512xf32, #tpu.memory_space<vmem>>, vector<1x16xf32>,
          %get3A_1100 = vector.shape_cast %get3A_1099 : vector<1x16xf32> to vector<16xf32>
          %add3A_1101 = arith.addf %get3A_1100, %scan3A_534 : vector<16xf32>
          %swap3A_1102 = arith.index_cast %scan3A_507 : i32 to index
          %swap3A_1103 = arith.constant 400 : index
          %swap3A_1104 = tpu.vector_load %arg11[%swap3A_1102, %swap3A_1103] {strides = array<i32>} : memref<32x512xf32, #tpu.memory_space<vmem>>, vector<1x16xf32>,
          %swap3A_1105 = vector.shape_cast %swap3A_1104 : vector<1x16xf32> to vector<16xf32>
          %swap3A_1106 = vector.shape_cast %add3A_1101 : vector<16xf32> to vector<1x16xf32>
          tpu.vector_store %arg11[%swap3A_1102, %swap3A_1103], %swap3A_1106 {strides = array<i32>} : memref<32x512xf32, #tpu.memory_space<vmem>>, vector<1x16xf32>,
          %get3A_1107 = arith.index_cast %scan3A_507 : i32 to index
          %get3A_1108 = arith.constant 416 : index
          %get3A_1109 = tpu.vector_load %arg11[%get3A_1107, %get3A_1108] {strides = array<i32>} : memref<32x512xf32, #tpu.memory_space<vmem>>, vector<1x16xf32>,
          %get3A_1110 = vector.shape_cast %get3A_1109 : vector<1x16xf32> to vector<16xf32>
          %add3A_1111 = arith.addf %get3A_1110, %scan3A_535 : vector<16xf32>
          %swap3A_1112 = arith.index_cast %scan3A_507 : i32 to index
          %swap3A_1113 = arith.constant 416 : index
          %swap3A_1114 = tpu.vector_load %arg11[%swap3A_1112, %swap3A_1113] {strides = array<i32>} : memref<32x512xf32, #tpu.memory_space<vmem>>, vector<1x16xf32>,
          %swap3A_1115 = vector.shape_cast %swap3A_1114 : vector<1x16xf32> to vector<16xf32>
          %swap3A_1116 = vector.shape_cast %add3A_1111 : vector<16xf32> to vector<1x16xf32>
          tpu.vector_store %arg11[%swap3A_1112, %swap3A_1113], %swap3A_1116 {strides = array<i32>} : memref<32x512xf32, #tpu.memory_space<vmem>>, vector<1x16xf32>,
          %get3A_1117 = arith.index_cast %scan3A_507 : i32 to index
          %get3A_1118 = arith.constant 432 : index
          %get3A_1119 = tpu.vector_load %arg11[%get3A_1117, %get3A_1118] {strides = array<i32>} : memref<32x512xf32, #tpu.memory_space<vmem>>, vector<1x16xf32>,
          %get3A_1120 = vector.shape_cast %get3A_1119 : vector<1x16xf32> to vector<16xf32>
          %add3A_1121 = arith.addf %get3A_1120, %scan3A_536 : vector<16xf32>
          %swap3A_1122 = arith.index_cast %scan3A_507 : i32 to index
          %swap3A_1123 = arith.constant 432 : index
          %swap3A_1124 = tpu.vector_load %arg11[%swap3A_1122, %swap3A_1123] {strides = array<i32>} : memref<32x512xf32, #tpu.memory_space<vmem>>, vector<1x16xf32>,
          %swap3A_1125 = vector.shape_cast %swap3A_1124 : vector<1x16xf32> to vector<16xf32>
          %swap3A_1126 = vector.shape_cast %add3A_1121 : vector<16xf32> to vector<1x16xf32>
          tpu.vector_store %arg11[%swap3A_1122, %swap3A_1123], %swap3A_1126 {strides = array<i32>} : memref<32x512xf32, #tpu.memory_space<vmem>>, vector<1x16xf32>,
          %get3A_1127 = arith.index_cast %scan3A_507 : i32 to index
          %get3A_1128 = arith.constant 448 : index
          %get3A_1129 = tpu.vector_load %arg11[%get3A_1127, %get3A_1128] {strides = array<i32>} : memref<32x512xf32, #tpu.memory_space<vmem>>, vector<1x16xf32>,
          %get3A_1130 = vector.shape_cast %get3A_1129 : vector<1x16xf32> to vector<16xf32>
          %add3A_1131 = arith.addf %get3A_1130, %scan3A_537 : vector<16xf32>
          %swap3A_1132 = arith.index_cast %scan3A_507 : i32 to index
          %swap3A_1133 = arith.constant 448 : index
          %swap3A_1134 = tpu.vector_load %arg11[%swap3A_1132, %swap3A_1133] {strides = array<i32>} : memref<32x512xf32, #tpu.memory_space<vmem>>, vector<1x16xf32>,
          %swap3A_1135 = vector.shape_cast %swap3A_1134 : vector<1x16xf32> to vector<16xf32>
          %swap3A_1136 = vector.shape_cast %add3A_1131 : vector<16xf32> to vector<1x16xf32>
          tpu.vector_store %arg11[%swap3A_1132, %swap3A_1133], %swap3A_1136 {strides = array<i32>} : memref<32x512xf32, #tpu.memory_space<vmem>>, vector<1x16xf32>,
          %get3A_1137 = arith.index_cast %scan3A_507 : i32 to index
          %get3A_1138 = arith.constant 464 : index
          %get3A_1139 = tpu.vector_load %arg11[%get3A_1137, %get3A_1138] {strides = array<i32>} : memref<32x512xf32, #tpu.memory_space<vmem>>, vector<1x16xf32>,
          %get3A_1140 = vector.shape_cast %get3A_1139 : vector<1x16xf32> to vector<16xf32>
          %add3A_1141 = arith.addf %get3A_1140, %scan3A_538 : vector<16xf32>
          %swap3A_1142 = arith.index_cast %scan3A_507 : i32 to index
          %swap3A_1143 = arith.constant 464 : index
          %swap3A_1144 = tpu.vector_load %arg11[%swap3A_1142, %swap3A_1143] {strides = array<i32>} : memref<32x512xf32, #tpu.memory_space<vmem>>, vector<1x16xf32>,
          %swap3A_1145 = vector.shape_cast %swap3A_1144 : vector<1x16xf32> to vector<16xf32>
          %swap3A_1146 = vector.shape_cast %add3A_1141 : vector<16xf32> to vector<1x16xf32>
          tpu.vector_store %arg11[%swap3A_1142, %swap3A_1143], %swap3A_1146 {strides = array<i32>} : memref<32x512xf32, #tpu.memory_space<vmem>>, vector<1x16xf32>,
          %get3A_1147 = arith.index_cast %scan3A_507 : i32 to index
          %get3A_1148 = arith.constant 480 : index
          %get3A_1149 = tpu.vector_load %arg11[%get3A_1147, %get3A_1148] {strides = array<i32>} : memref<32x512xf32, #tpu.memory_space<vmem>>, vector<1x16xf32>,
          %get3A_1150 = vector.shape_cast %get3A_1149 : vector<1x16xf32> to vector<16xf32>
          %add3A_1151 = arith.addf %get3A_1150, %scan3A_539 : vector<16xf32>
          %swap3A_1152 = arith.index_cast %scan3A_507 : i32 to index
          %swap3A_1153 = arith.constant 480 : index
          %swap3A_1154 = tpu.vector_load %arg11[%swap3A_1152, %swap3A_1153] {strides = array<i32>} : memref<32x512xf32, #tpu.memory_space<vmem>>, vector<1x16xf32>,
          %swap3A_1155 = vector.shape_cast %swap3A_1154 : vector<1x16xf32> to vector<16xf32>
          %swap3A_1156 = vector.shape_cast %add3A_1151 : vector<16xf32> to vector<1x16xf32>
          tpu.vector_store %arg11[%swap3A_1152, %swap3A_1153], %swap3A_1156 {strides = array<i32>} : memref<32x512xf32, #tpu.memory_space<vmem>>, vector<1x16xf32>,
          %get3A_1157 = arith.index_cast %scan3A_507 : i32 to index
          %get3A_1158 = arith.constant 496 : index
          %get3A_1159 = tpu.vector_load %arg11[%get3A_1157, %get3A_1158] {strides = array<i32>} : memref<32x512xf32, #tpu.memory_space<vmem>>, vector<1x16xf32>,
          %get3A_1160 = vector.shape_cast %get3A_1159 : vector<1x16xf32> to vector<16xf32>
          %add3A_1161 = arith.addf %get3A_1160, %scan3A_540 : vector<16xf32>
          %swap3A_1162 = arith.index_cast %scan3A_507 : i32 to index
          %swap3A_1163 = arith.constant 496 : index
          %swap3A_1164 = tpu.vector_load %arg11[%swap3A_1162, %swap3A_1163] {strides = array<i32>} : memref<32x512xf32, #tpu.memory_space<vmem>>, vector<1x16xf32>,
          %swap3A_1165 = vector.shape_cast %swap3A_1164 : vector<1x16xf32> to vector<16xf32>
          %swap3A_1166 = vector.shape_cast %add3A_1161 : vector<16xf32> to vector<1x16xf32>
          tpu.vector_store %arg11[%swap3A_1162, %swap3A_1163], %swap3A_1166 {strides = array<i32>} : memref<32x512xf32, #tpu.memory_space<vmem>>, vector<1x16xf32>,
          %get3A_1167 = arith.index_cast %scan3A_507 : i32 to index
          %get3A_1168 = arith.constant 0 : index
          %get3A_1169 = tpu.vector_load %arg12[%get3A_1167, %get3A_1168] {strides = array<i32>} : memref<32x16xf32, #tpu.memory_space<vmem>>, vector<1x16xf32>,
          %get3A_1170 = vector.shape_cast %get3A_1169 : vector<1x16xf32> to vector<16xf32>
          %add3A_1171 = arith.addf %get3A_1170, %scan3A_508 : vector<16xf32>
          %swap3A_1172 = arith.index_cast %scan3A_507 : i32 to index
          %swap3A_1173 = arith.constant 0 : index
          %swap3A_1174 = tpu.vector_load %arg12[%swap3A_1172, %swap3A_1173] {strides = array<i32>} : memref<32x16xf32, #tpu.memory_space<vmem>>, vector<1x16xf32>,
          %swap3A_1175 = vector.shape_cast %swap3A_1174 : vector<1x16xf32> to vector<16xf32>
          %swap3A_1176 = vector.shape_cast %add3A_1171 : vector<16xf32> to vector<1x16xf32>
          tpu.vector_store %arg12[%swap3A_1172, %swap3A_1173], %swap3A_1176 {strides = array<i32>} : memref<32x16xf32, #tpu.memory_space<vmem>>, vector<1x16xf32>,
        } else {
        }
        %jit3A_564 = arith.constant 0.000000e+00 : f32
        %jit3A_565 = arith.constant 1.000000e+00 : f32
        %select_n3A_566 = arith.select %ne3A_560, %jit3A_564, %jit3A_565 : f32
        %broadcast_in_dim3A_567 = vector.broadcast %select_n3A_566 : f32 to vector<16xf32>
        %jit3A_568 = arith.constant 1.000000e+00 : f32
        %jit3A_569 = arith.constant 0.000000e+00 : f32
        %select_n3A_570 = arith.select %and3A_549, %jit3A_568, %jit3A_569 : f32
        %broadcast_in_dim3A_571 = vector.broadcast %select_n3A_570 : f32 to vector<16xf32>
        %get3A_572 = arith.index_cast %rem3A_444 : i32 to index
        %get3A_573 = arith.index_cast %scan3A_506 : i32 to index
        %get3A_574 = tpu.vector_load %arg8[%get3A_572, %get3A_573] {strides = array<i32>} : memref<2x80xf32, #tpu.memory_space<vmem>>, vector<1x16xf32>,
        %get3A_575 = vector.shape_cast %get3A_574 : vector<1x16xf32> to vector<16xf32>
        %slice3A_576 = vector.extract_strided_slice %get3A_575 {offsets = [0], sizes = [1], strides = [1]} : vector<16xf32> to vector<1xf32>
        %squeeze3A_577 = vector.extract %slice3A_576[0] : f32 from vector<1xf32>
        %broadcast_in_dim3A_578 = vector.broadcast %squeeze3A_577 : f32 to vector<16xf32>
        %exp3A = math.exp %broadcast_in_dim3A_578 : vector<16xf32>
        %mul3A_579 = arith.mulf %exp3A, %broadcast_in_dim3A_571 : vector<16xf32>
        %mul3A_580 = arith.mulf %scan3A_509, %broadcast_in_dim3A_567 : vector<16xf32>
        %get3A_581 = arith.index_cast %rem3A_444 : i32 to index
        %get3A_582 = arith.index_cast %scan3A_506 : i32 to index
        %get3A_583 = arith.constant 0 : index
        %get3A_584 = tpu.vector_load %arg7[%get3A_581, %get3A_582, %get3A_583] {strides = array<i32>} : memref<2x64x512xf32, #tpu.memory_space<vmem>>, vector<1x1x16xf32>,
        %get3A_585 = vector.shape_cast %get3A_584 : vector<1x1x16xf32> to vector<16xf32>
        %mul3A_586 = arith.mulf %get3A_585, %mul3A_579 : vector<16xf32>
        %add3A_587 = arith.addf %mul3A_580, %mul3A_586 : vector<16xf32>
        %mul3A_588 = arith.mulf %scan3A_510, %broadcast_in_dim3A_567 : vector<16xf32>
        %get3A_589 = arith.index_cast %rem3A_444 : i32 to index
        %get3A_590 = arith.index_cast %scan3A_506 : i32 to index
        %get3A_591 = arith.constant 16 : index
        %get3A_592 = tpu.vector_load %arg7[%get3A_589, %get3A_590, %get3A_591] {strides = array<i32>} : memref<2x64x512xf32, #tpu.memory_space<vmem>>, vector<1x1x16xf32>,
        %get3A_593 = vector.shape_cast %get3A_592 : vector<1x1x16xf32> to vector<16xf32>
        %mul3A_594 = arith.mulf %get3A_593, %mul3A_579 : vector<16xf32>
        %add3A_595 = arith.addf %mul3A_588, %mul3A_594 : vector<16xf32>
        %mul3A_596 = arith.mulf %scan3A_511, %broadcast_in_dim3A_567 : vector<16xf32>
        %get3A_597 = arith.index_cast %rem3A_444 : i32 to index
        %get3A_598 = arith.index_cast %scan3A_506 : i32 to index
        %get3A_599 = arith.constant 32 : index
        %get3A_600 = tpu.vector_load %arg7[%get3A_597, %get3A_598, %get3A_599] {strides = array<i32>} : memref<2x64x512xf32, #tpu.memory_space<vmem>>, vector<1x1x16xf32>,
        %get3A_601 = vector.shape_cast %get3A_600 : vector<1x1x16xf32> to vector<16xf32>
        %mul3A_602 = arith.mulf %get3A_601, %mul3A_579 : vector<16xf32>
        %add3A_603 = arith.addf %mul3A_596, %mul3A_602 : vector<16xf32>
        %mul3A_604 = arith.mulf %scan3A_512, %broadcast_in_dim3A_567 : vector<16xf32>
        %get3A_605 = arith.index_cast %rem3A_444 : i32 to index
        %get3A_606 = arith.index_cast %scan3A_506 : i32 to index
        %get3A_607 = arith.constant 48 : index
        %get3A_608 = tpu.vector_load %arg7[%get3A_605, %get3A_606, %get3A_607] {strides = array<i32>} : memref<2x64x512xf32, #tpu.memory_space<vmem>>, vector<1x1x16xf32>,
        %get3A_609 = vector.shape_cast %get3A_608 : vector<1x1x16xf32> to vector<16xf32>
        %mul3A_610 = arith.mulf %get3A_609, %mul3A_579 : vector<16xf32>
        %add3A_611 = arith.addf %mul3A_604, %mul3A_610 : vector<16xf32>
        %mul3A_612 = arith.mulf %scan3A_513, %broadcast_in_dim3A_567 : vector<16xf32>
        %get3A_613 = arith.index_cast %rem3A_444 : i32 to index
        %get3A_614 = arith.index_cast %scan3A_506 : i32 to index
        %get3A_615 = arith.constant 64 : index
        %get3A_616 = tpu.vector_load %arg7[%get3A_613, %get3A_614, %get3A_615] {strides = array<i32>} : memref<2x64x512xf32, #tpu.memory_space<vmem>>, vector<1x1x16xf32>,
        %get3A_617 = vector.shape_cast %get3A_616 : vector<1x1x16xf32> to vector<16xf32>
        %mul3A_618 = arith.mulf %get3A_617, %mul3A_579 : vector<16xf32>
        %add3A_619 = arith.addf %mul3A_612, %mul3A_618 : vector<16xf32>
        %mul3A_620 = arith.mulf %scan3A_514, %broadcast_in_dim3A_567 : vector<16xf32>
        %get3A_621 = arith.index_cast %rem3A_444 : i32 to index
        %get3A_622 = arith.index_cast %scan3A_506 : i32 to index
        %get3A_623 = arith.constant 80 : index
        %get3A_624 = tpu.vector_load %arg7[%get3A_621, %get3A_622, %get3A_623] {strides = array<i32>} : memref<2x64x512xf32, #tpu.memory_space<vmem>>, vector<1x1x16xf32>,
        %get3A_625 = vector.shape_cast %get3A_624 : vector<1x1x16xf32> to vector<16xf32>
        %mul3A_626 = arith.mulf %get3A_625, %mul3A_579 : vector<16xf32>
        %add3A_627 = arith.addf %mul3A_620, %mul3A_626 : vector<16xf32>
        %mul3A_628 = arith.mulf %scan3A_515, %broadcast_in_dim3A_567 : vector<16xf32>
        %get3A_629 = arith.index_cast %rem3A_444 : i32 to index
        %get3A_630 = arith.index_cast %scan3A_506 : i32 to index
        %get3A_631 = arith.constant 96 : index
        %get3A_632 = tpu.vector_load %arg7[%get3A_629, %get3A_630, %get3A_631] {strides = array<i32>} : memref<2x64x512xf32, #tpu.memory_space<vmem>>, vector<1x1x16xf32>,
        %get3A_633 = vector.shape_cast %get3A_632 : vector<1x1x16xf32> to vector<16xf32>
        %mul3A_634 = arith.mulf %get3A_633, %mul3A_579 : vector<16xf32>
        %add3A_635 = arith.addf %mul3A_628, %mul3A_634 : vector<16xf32>
        %mul3A_636 = arith.mulf %scan3A_516, %broadcast_in_dim3A_567 : vector<16xf32>
        %get3A_637 = arith.index_cast %rem3A_444 : i32 to index
        %get3A_638 = arith.index_cast %scan3A_506 : i32 to index
        %get3A_639 = arith.constant 112 : index
        %get3A_640 = tpu.vector_load %arg7[%get3A_637, %get3A_638, %get3A_639] {strides = array<i32>} : memref<2x64x512xf32, #tpu.memory_space<vmem>>, vector<1x1x16xf32>,
        %get3A_641 = vector.shape_cast %get3A_640 : vector<1x1x16xf32> to vector<16xf32>
        %mul3A_642 = arith.mulf %get3A_641, %mul3A_579 : vector<16xf32>
        %add3A_643 = arith.addf %mul3A_636, %mul3A_642 : vector<16xf32>
        %mul3A_644 = arith.mulf %scan3A_517, %broadcast_in_dim3A_567 : vector<16xf32>
        %get3A_645 = arith.index_cast %rem3A_444 : i32 to index
        %get3A_646 = arith.index_cast %scan3A_506 : i32 to index
        %get3A_647 = arith.constant 128 : index
        %get3A_648 = tpu.vector_load %arg7[%get3A_645, %get3A_646, %get3A_647] {strides = array<i32>} : memref<2x64x512xf32, #tpu.memory_space<vmem>>, vector<1x1x16xf32>,
        %get3A_649 = vector.shape_cast %get3A_648 : vector<1x1x16xf32> to vector<16xf32>
        %mul3A_650 = arith.mulf %get3A_649, %mul3A_579 : vector<16xf32>
        %add3A_651 = arith.addf %mul3A_644, %mul3A_650 : vector<16xf32>
        %mul3A_652 = arith.mulf %scan3A_518, %broadcast_in_dim3A_567 : vector<16xf32>
        %get3A_653 = arith.index_cast %rem3A_444 : i32 to index
        %get3A_654 = arith.index_cast %scan3A_506 : i32 to index
        %get3A_655 = arith.constant 144 : index
        %get3A_656 = tpu.vector_load %arg7[%get3A_653, %get3A_654, %get3A_655] {strides = array<i32>} : memref<2x64x512xf32, #tpu.memory_space<vmem>>, vector<1x1x16xf32>,
        %get3A_657 = vector.shape_cast %get3A_656 : vector<1x1x16xf32> to vector<16xf32>
        %mul3A_658 = arith.mulf %get3A_657, %mul3A_579 : vector<16xf32>
        %add3A_659 = arith.addf %mul3A_652, %mul3A_658 : vector<16xf32>
        %mul3A_660 = arith.mulf %scan3A_519, %broadcast_in_dim3A_567 : vector<16xf32>
        %get3A_661 = arith.index_cast %rem3A_444 : i32 to index
        %get3A_662 = arith.index_cast %scan3A_506 : i32 to index
        %get3A_663 = arith.constant 160 : index
        %get3A_664 = tpu.vector_load %arg7[%get3A_661, %get3A_662, %get3A_663] {strides = array<i32>} : memref<2x64x512xf32, #tpu.memory_space<vmem>>, vector<1x1x16xf32>,
        %get3A_665 = vector.shape_cast %get3A_664 : vector<1x1x16xf32> to vector<16xf32>
        %mul3A_666 = arith.mulf %get3A_665, %mul3A_579 : vector<16xf32>
        %add3A_667 = arith.addf %mul3A_660, %mul3A_666 : vector<16xf32>
        %mul3A_668 = arith.mulf %scan3A_520, %broadcast_in_dim3A_567 : vector<16xf32>
        %get3A_669 = arith.index_cast %rem3A_444 : i32 to index
        %get3A_670 = arith.index_cast %scan3A_506 : i32 to index
        %get3A_671 = arith.constant 176 : index
        %get3A_672 = tpu.vector_load %arg7[%get3A_669, %get3A_670, %get3A_671] {strides = array<i32>} : memref<2x64x512xf32, #tpu.memory_space<vmem>>, vector<1x1x16xf32>,
        %get3A_673 = vector.shape_cast %get3A_672 : vector<1x1x16xf32> to vector<16xf32>
        %mul3A_674 = arith.mulf %get3A_673, %mul3A_579 : vector<16xf32>
        %add3A_675 = arith.addf %mul3A_668, %mul3A_674 : vector<16xf32>
        %mul3A_676 = arith.mulf %scan3A_521, %broadcast_in_dim3A_567 : vector<16xf32>
        %get3A_677 = arith.index_cast %rem3A_444 : i32 to index
        %get3A_678 = arith.index_cast %scan3A_506 : i32 to index
        %get3A_679 = arith.constant 192 : index
        %get3A_680 = tpu.vector_load %arg7[%get3A_677, %get3A_678, %get3A_679] {strides = array<i32>} : memref<2x64x512xf32, #tpu.memory_space<vmem>>, vector<1x1x16xf32>,
        %get3A_681 = vector.shape_cast %get3A_680 : vector<1x1x16xf32> to vector<16xf32>
        %mul3A_682 = arith.mulf %get3A_681, %mul3A_579 : vector<16xf32>
        %add3A_683 = arith.addf %mul3A_676, %mul3A_682 : vector<16xf32>
        %mul3A_684 = arith.mulf %scan3A_522, %broadcast_in_dim3A_567 : vector<16xf32>
        %get3A_685 = arith.index_cast %rem3A_444 : i32 to index
        %get3A_686 = arith.index_cast %scan3A_506 : i32 to index
        %get3A_687 = arith.constant 208 : index
        %get3A_688 = tpu.vector_load %arg7[%get3A_685, %get3A_686, %get3A_687] {strides = array<i32>} : memref<2x64x512xf32, #tpu.memory_space<vmem>>, vector<1x1x16xf32>,
        %get3A_689 = vector.shape_cast %get3A_688 : vector<1x1x16xf32> to vector<16xf32>
        %mul3A_690 = arith.mulf %get3A_689, %mul3A_579 : vector<16xf32>
        %add3A_691 = arith.addf %mul3A_684, %mul3A_690 : vector<16xf32>
        %mul3A_692 = arith.mulf %scan3A_523, %broadcast_in_dim3A_567 : vector<16xf32>
        %get3A_693 = arith.index_cast %rem3A_444 : i32 to index
        %get3A_694 = arith.index_cast %scan3A_506 : i32 to index
        %get3A_695 = arith.constant 224 : index
        %get3A_696 = tpu.vector_load %arg7[%get3A_693, %get3A_694, %get3A_695] {strides = array<i32>} : memref<2x64x512xf32, #tpu.memory_space<vmem>>, vector<1x1x16xf32>,
        %get3A_697 = vector.shape_cast %get3A_696 : vector<1x1x16xf32> to vector<16xf32>
        %mul3A_698 = arith.mulf %get3A_697, %mul3A_579 : vector<16xf32>
        %add3A_699 = arith.addf %mul3A_692, %mul3A_698 : vector<16xf32>
        %mul3A_700 = arith.mulf %scan3A_524, %broadcast_in_dim3A_567 : vector<16xf32>
        %get3A_701 = arith.index_cast %rem3A_444 : i32 to index
        %get3A_702 = arith.index_cast %scan3A_506 : i32 to index
        %get3A_703 = arith.constant 240 : index
        %get3A_704 = tpu.vector_load %arg7[%get3A_701, %get3A_702, %get3A_703] {strides = array<i32>} : memref<2x64x512xf32, #tpu.memory_space<vmem>>, vector<1x1x16xf32>,
        %get3A_705 = vector.shape_cast %get3A_704 : vector<1x1x16xf32> to vector<16xf32>
        %mul3A_706 = arith.mulf %get3A_705, %mul3A_579 : vector<16xf32>
        %add3A_707 = arith.addf %mul3A_700, %mul3A_706 : vector<16xf32>
        %mul3A_708 = arith.mulf %scan3A_525, %broadcast_in_dim3A_567 : vector<16xf32>
        %get3A_709 = arith.index_cast %rem3A_444 : i32 to index
        %get3A_710 = arith.index_cast %scan3A_506 : i32 to index
        %get3A_711 = arith.constant 256 : index
        %get3A_712 = tpu.vector_load %arg7[%get3A_709, %get3A_710, %get3A_711] {strides = array<i32>} : memref<2x64x512xf32, #tpu.memory_space<vmem>>, vector<1x1x16xf32>,
        %get3A_713 = vector.shape_cast %get3A_712 : vector<1x1x16xf32> to vector<16xf32>
        %mul3A_714 = arith.mulf %get3A_713, %mul3A_579 : vector<16xf32>
        %add3A_715 = arith.addf %mul3A_708, %mul3A_714 : vector<16xf32>
        %mul3A_716 = arith.mulf %scan3A_526, %broadcast_in_dim3A_567 : vector<16xf32>
        %get3A_717 = arith.index_cast %rem3A_444 : i32 to index
        %get3A_718 = arith.index_cast %scan3A_506 : i32 to index
        %get3A_719 = arith.constant 272 : index
        %get3A_720 = tpu.vector_load %arg7[%get3A_717, %get3A_718, %get3A_719] {strides = array<i32>} : memref<2x64x512xf32, #tpu.memory_space<vmem>>, vector<1x1x16xf32>,
        %get3A_721 = vector.shape_cast %get3A_720 : vector<1x1x16xf32> to vector<16xf32>
        %mul3A_722 = arith.mulf %get3A_721, %mul3A_579 : vector<16xf32>
        %add3A_723 = arith.addf %mul3A_716, %mul3A_722 : vector<16xf32>
        %mul3A_724 = arith.mulf %scan3A_527, %broadcast_in_dim3A_567 : vector<16xf32>
        %get3A_725 = arith.index_cast %rem3A_444 : i32 to index
        %get3A_726 = arith.index_cast %scan3A_506 : i32 to index
        %get3A_727 = arith.constant 288 : index
        %get3A_728 = tpu.vector_load %arg7[%get3A_725, %get3A_726, %get3A_727] {strides = array<i32>} : memref<2x64x512xf32, #tpu.memory_space<vmem>>, vector<1x1x16xf32>,
        %get3A_729 = vector.shape_cast %get3A_728 : vector<1x1x16xf32> to vector<16xf32>
        %mul3A_730 = arith.mulf %get3A_729, %mul3A_579 : vector<16xf32>
        %add3A_731 = arith.addf %mul3A_724, %mul3A_730 : vector<16xf32>
        %mul3A_732 = arith.mulf %scan3A_528, %broadcast_in_dim3A_567 : vector<16xf32>
        %get3A_733 = arith.index_cast %rem3A_444 : i32 to index
        %get3A_734 = arith.index_cast %scan3A_506 : i32 to index
        %get3A_735 = arith.constant 304 : index
        %get3A_736 = tpu.vector_load %arg7[%get3A_733, %get3A_734, %get3A_735] {strides = array<i32>} : memref<2x64x512xf32, #tpu.memory_space<vmem>>, vector<1x1x16xf32>,
        %get3A_737 = vector.shape_cast %get3A_736 : vector<1x1x16xf32> to vector<16xf32>
        %mul3A_738 = arith.mulf %get3A_737, %mul3A_579 : vector<16xf32>
        %add3A_739 = arith.addf %mul3A_732, %mul3A_738 : vector<16xf32>
        %mul3A_740 = arith.mulf %scan3A_529, %broadcast_in_dim3A_567 : vector<16xf32>
        %get3A_741 = arith.index_cast %rem3A_444 : i32 to index
        %get3A_742 = arith.index_cast %scan3A_506 : i32 to index
        %get3A_743 = arith.constant 320 : index
        %get3A_744 = tpu.vector_load %arg7[%get3A_741, %get3A_742, %get3A_743] {strides = array<i32>} : memref<2x64x512xf32, #tpu.memory_space<vmem>>, vector<1x1x16xf32>,
        %get3A_745 = vector.shape_cast %get3A_744 : vector<1x1x16xf32> to vector<16xf32>
        %mul3A_746 = arith.mulf %get3A_745, %mul3A_579 : vector<16xf32>
        %add3A_747 = arith.addf %mul3A_740, %mul3A_746 : vector<16xf32>
        %mul3A_748 = arith.mulf %scan3A_530, %broadcast_in_dim3A_567 : vector<16xf32>
        %get3A_749 = arith.index_cast %rem3A_444 : i32 to index
        %get3A_750 = arith.index_cast %scan3A_506 : i32 to index
        %get3A_751 = arith.constant 336 : index
        %get3A_752 = tpu.vector_load %arg7[%get3A_749, %get3A_750, %get3A_751] {strides = array<i32>} : memref<2x64x512xf32, #tpu.memory_space<vmem>>, vector<1x1x16xf32>,
        %get3A_753 = vector.shape_cast %get3A_752 : vector<1x1x16xf32> to vector<16xf32>
        %mul3A_754 = arith.mulf %get3A_753, %mul3A_579 : vector<16xf32>
        %add3A_755 = arith.addf %mul3A_748, %mul3A_754 : vector<16xf32>
        %mul3A_756 = arith.mulf %scan3A_531, %broadcast_in_dim3A_567 : vector<16xf32>
        %get3A_757 = arith.index_cast %rem3A_444 : i32 to index
        %get3A_758 = arith.index_cast %scan3A_506 : i32 to index
        %get3A_759 = arith.constant 352 : index
        %get3A_760 = tpu.vector_load %arg7[%get3A_757, %get3A_758, %get3A_759] {strides = array<i32>} : memref<2x64x512xf32, #tpu.memory_space<vmem>>, vector<1x1x16xf32>,
        %get3A_761 = vector.shape_cast %get3A_760 : vector<1x1x16xf32> to vector<16xf32>
        %mul3A_762 = arith.mulf %get3A_761, %mul3A_579 : vector<16xf32>
        %add3A_763 = arith.addf %mul3A_756, %mul3A_762 : vector<16xf32>
        %mul3A_764 = arith.mulf %scan3A_532, %broadcast_in_dim3A_567 : vector<16xf32>
        %get3A_765 = arith.index_cast %rem3A_444 : i32 to index
        %get3A_766 = arith.index_cast %scan3A_506 : i32 to index
        %get3A_767 = arith.constant 368 : index
        %get3A_768 = tpu.vector_load %arg7[%get3A_765, %get3A_766, %get3A_767] {strides = array<i32>} : memref<2x64x512xf32, #tpu.memory_space<vmem>>, vector<1x1x16xf32>,
        %get3A_769 = vector.shape_cast %get3A_768 : vector<1x1x16xf32> to vector<16xf32>
        %mul3A_770 = arith.mulf %get3A_769, %mul3A_579 : vector<16xf32>
        %add3A_771 = arith.addf %mul3A_764, %mul3A_770 : vector<16xf32>
        %mul3A_772 = arith.mulf %scan3A_533, %broadcast_in_dim3A_567 : vector<16xf32>
        %get3A_773 = arith.index_cast %rem3A_444 : i32 to index
        %get3A_774 = arith.index_cast %scan3A_506 : i32 to index
        %get3A_775 = arith.constant 384 : index
        %get3A_776 = tpu.vector_load %arg7[%get3A_773, %get3A_774, %get3A_775] {strides = array<i32>} : memref<2x64x512xf32, #tpu.memory_space<vmem>>, vector<1x1x16xf32>,
        %get3A_777 = vector.shape_cast %get3A_776 : vector<1x1x16xf32> to vector<16xf32>
        %mul3A_778 = arith.mulf %get3A_777, %mul3A_579 : vector<16xf32>
        %add3A_779 = arith.addf %mul3A_772, %mul3A_778 : vector<16xf32>
        %mul3A_780 = arith.mulf %scan3A_534, %broadcast_in_dim3A_567 : vector<16xf32>
        %get3A_781 = arith.index_cast %rem3A_444 : i32 to index
        %get3A_782 = arith.index_cast %scan3A_506 : i32 to index
        %get3A_783 = arith.constant 400 : index
        %get3A_784 = tpu.vector_load %arg7[%get3A_781, %get3A_782, %get3A_783] {strides = array<i32>} : memref<2x64x512xf32, #tpu.memory_space<vmem>>, vector<1x1x16xf32>,
        %get3A_785 = vector.shape_cast %get3A_784 : vector<1x1x16xf32> to vector<16xf32>
        %mul3A_786 = arith.mulf %get3A_785, %mul3A_579 : vector<16xf32>
        %add3A_787 = arith.addf %mul3A_780, %mul3A_786 : vector<16xf32>
        %mul3A_788 = arith.mulf %scan3A_535, %broadcast_in_dim3A_567 : vector<16xf32>
        %get3A_789 = arith.index_cast %rem3A_444 : i32 to index
        %get3A_790 = arith.index_cast %scan3A_506 : i32 to index
        %get3A_791 = arith.constant 416 : index
        %get3A_792 = tpu.vector_load %arg7[%get3A_789, %get3A_790, %get3A_791] {strides = array<i32>} : memref<2x64x512xf32, #tpu.memory_space<vmem>>, vector<1x1x16xf32>,
        %get3A_793 = vector.shape_cast %get3A_792 : vector<1x1x16xf32> to vector<16xf32>
        %mul3A_794 = arith.mulf %get3A_793, %mul3A_579 : vector<16xf32>
        %add3A_795 = arith.addf %mul3A_788, %mul3A_794 : vector<16xf32>
        %mul3A_796 = arith.mulf %scan3A_536, %broadcast_in_dim3A_567 : vector<16xf32>
        %get3A_797 = arith.index_cast %rem3A_444 : i32 to index
        %get3A_798 = arith.index_cast %scan3A_506 : i32 to index
        %get3A_799 = arith.constant 432 : index
        %get3A_800 = tpu.vector_load %arg7[%get3A_797, %get3A_798, %get3A_799] {strides = array<i32>} : memref<2x64x512xf32, #tpu.memory_space<vmem>>, vector<1x1x16xf32>,
        %get3A_801 = vector.shape_cast %get3A_800 : vector<1x1x16xf32> to vector<16xf32>
        %mul3A_802 = arith.mulf %get3A_801, %mul3A_579 : vector<16xf32>
        %add3A_803 = arith.addf %mul3A_796, %mul3A_802 : vector<16xf32>
        %mul3A_804 = arith.mulf %scan3A_537, %broadcast_in_dim3A_567 : vector<16xf32>
        %get3A_805 = arith.index_cast %rem3A_444 : i32 to index
        %get3A_806 = arith.index_cast %scan3A_506 : i32 to index
        %get3A_807 = arith.constant 448 : index
        %get3A_808 = tpu.vector_load %arg7[%get3A_805, %get3A_806, %get3A_807] {strides = array<i32>} : memref<2x64x512xf32, #tpu.memory_space<vmem>>, vector<1x1x16xf32>,
        %get3A_809 = vector.shape_cast %get3A_808 : vector<1x1x16xf32> to vector<16xf32>
        %mul3A_810 = arith.mulf %get3A_809, %mul3A_579 : vector<16xf32>
        %add3A_811 = arith.addf %mul3A_804, %mul3A_810 : vector<16xf32>
        %mul3A_812 = arith.mulf %scan3A_538, %broadcast_in_dim3A_567 : vector<16xf32>
        %get3A_813 = arith.index_cast %rem3A_444 : i32 to index
        %get3A_814 = arith.index_cast %scan3A_506 : i32 to index
        %get3A_815 = arith.constant 464 : index
        %get3A_816 = tpu.vector_load %arg7[%get3A_813, %get3A_814, %get3A_815] {strides = array<i32>} : memref<2x64x512xf32, #tpu.memory_space<vmem>>, vector<1x1x16xf32>,
        %get3A_817 = vector.shape_cast %get3A_816 : vector<1x1x16xf32> to vector<16xf32>
        %mul3A_818 = arith.mulf %get3A_817, %mul3A_579 : vector<16xf32>
        %add3A_819 = arith.addf %mul3A_812, %mul3A_818 : vector<16xf32>
        %mul3A_820 = arith.mulf %scan3A_539, %broadcast_in_dim3A_567 : vector<16xf32>
        %get3A_821 = arith.index_cast %rem3A_444 : i32 to index
        %get3A_822 = arith.index_cast %scan3A_506 : i32 to index
        %get3A_823 = arith.constant 480 : index
        %get3A_824 = tpu.vector_load %arg7[%get3A_821, %get3A_822, %get3A_823] {strides = array<i32>} : memref<2x64x512xf32, #tpu.memory_space<vmem>>, vector<1x1x16xf32>,
        %get3A_825 = vector.shape_cast %get3A_824 : vector<1x1x16xf32> to vector<16xf32>
        %mul3A_826 = arith.mulf %get3A_825, %mul3A_579 : vector<16xf32>
        %add3A_827 = arith.addf %mul3A_820, %mul3A_826 : vector<16xf32>
        %mul3A_828 = arith.mulf %scan3A_540, %broadcast_in_dim3A_567 : vector<16xf32>
        %get3A_829 = arith.index_cast %rem3A_444 : i32 to index
        %get3A_830 = arith.index_cast %scan3A_506 : i32 to index
        %get3A_831 = arith.constant 496 : index
        %get3A_832 = tpu.vector_load %arg7[%get3A_829, %get3A_830, %get3A_831] {strides = array<i32>} : memref<2x64x512xf32, #tpu.memory_space<vmem>>, vector<1x1x16xf32>,
        %get3A_833 = vector.shape_cast %get3A_832 : vector<1x1x16xf32> to vector<16xf32>
        %mul3A_834 = arith.mulf %get3A_833, %mul3A_579 : vector<16xf32>
        %add3A_835 = arith.addf %mul3A_828, %mul3A_834 : vector<16xf32>
        %eq3A = arith.constant 0 : i32
        %eq3A_836 = vector.broadcast %eq3A : i32 to vector<16xi32>
        %eq3A_837 = arith.cmpi eq, %iota3A, %eq3A_836 : vector<16xi32>
        %eq3A_838 = arith.constant 1 : i32
        %eq3A_839 = vector.broadcast %eq3A_838 : i32 to vector<16xi32>
        %eq3A_840 = arith.cmpi eq, %iota3A, %eq3A_839 : vector<16xi32>
        %jit3A_841 = arith.constant 0.000000e+00 : f32
        %broadcast_in_dim3A_842 = vector.broadcast %jit3A_841 : f32 to vector<16xf32>
        %select_n3A_843 = arith.select %eq3A_840, %broadcast_in_dim3A_571, %broadcast_in_dim3A_842 : vector<16xi1>, vector<16xf32>
        %select_n3A_844 = arith.select %eq3A_837, %mul3A_579, %select_n3A_843 : vector<16xi1>, vector<16xf32>
        %mul3A_845 = arith.mulf %scan3A_508, %broadcast_in_dim3A_567 : vector<16xf32>
        %add3A_846 = arith.addf %mul3A_845, %select_n3A_844 : vector<16xf32>
        scf.yield %min3A_559, %add3A_846, %add3A_587, %add3A_595, %add3A_603, %add3A_611, %add3A_619, %add3A_627, %add3A_635, %add3A_643, %add3A_651, %add3A_659, %add3A_667, %add3A_675, %add3A_683, %add3A_691, %add3A_699, %add3A_707, %add3A_715, %add3A_723, %add3A_731, %add3A_739, %add3A_747, %add3A_755, %add3A_763, %add3A_771, %add3A_779, %add3A_787, %add3A_795, %add3A_803, %add3A_811, %add3A_819, %add3A_827, %add3A_835 : i32, vector<16xf32>, vector<16xf32>, vector<16xf32>, vector<16xf32>, vector<16xf32>, vector<16xf32>, vector<16xf32>, vector<16xf32>, vector<16xf32>, vector<16xf32>, vector<16xf32>, vector<16xf32>, vector<16xf32>, vector<16xf32>, vector<16xf32>, vector<16xf32>, vector<16xf32>, vector<16xf32>, vector<16xf32>, vector<16xf32>, vector<16xf32>, vector<16xf32>, vector<16xf32>, vector<16xf32>, vector<16xf32>, vector<16xf32>, vector<16xf32>, vector<16xf32>, vector<16xf32>, vector<16xf32>, vector<16xf32>, vector<16xf32>, vector<16xf32>
      }
      %scan3A_505 = arith.constant 64 : i32
      scf.yield %scan3A_504#0, %scan3A_504#1, %scan3A_504#2, %scan3A_504#3, %scan3A_504#4, %scan3A_504#5, %scan3A_504#6, %scan3A_504#7, %scan3A_504#8, %scan3A_504#9, %scan3A_504#10, %scan3A_504#11, %scan3A_504#12, %scan3A_504#13, %scan3A_504#14, %scan3A_504#15, %scan3A_504#16, %scan3A_504#17, %scan3A_504#18, %scan3A_504#19, %scan3A_504#20, %scan3A_504#21, %scan3A_504#22, %scan3A_504#23, %scan3A_504#24, %scan3A_504#25, %scan3A_504#26, %scan3A_504#27, %scan3A_504#28, %scan3A_504#29, %scan3A_504#30, %scan3A_504#31, %scan3A_504#32, %scan3A_504#33 : i32, vector<16xf32>, vector<16xf32>, vector<16xf32>, vector<16xf32>, vector<16xf32>, vector<16xf32>, vector<16xf32>, vector<16xf32>, vector<16xf32>, vector<16xf32>, vector<16xf32>, vector<16xf32>, vector<16xf32>, vector<16xf32>, vector<16xf32>, vector<16xf32>, vector<16xf32>, vector<16xf32>, vector<16xf32>, vector<16xf32>, vector<16xf32>, vector<16xf32>, vector<16xf32>, vector<16xf32>, vector<16xf32>, vector<16xf32>, vector<16xf32>, vector<16xf32>, vector<16xf32>, vector<16xf32>, vector<16xf32>, vector<16xf32>, vector<16xf32>
    }
    %get3A_73 = arith.index_cast %while3A_72#0 : i32 to index
    %get3A_74 = arith.constant 0 : index
    %get3A_75 = tpu.vector_load %arg11[%get3A_73, %get3A_74] {strides = array<i32>} : memref<32x512xf32, #tpu.memory_space<vmem>>, vector<1x16xf32>,
    %get3A_76 = vector.shape_cast %get3A_75 : vector<1x16xf32> to vector<16xf32>
    %add3A_77 = arith.addf %get3A_76, %while3A_72#2 : vector<16xf32>
    %swap3A = arith.index_cast %while3A_72#0 : i32 to index
    %swap3A_78 = arith.constant 0 : index
    %swap3A_79 = tpu.vector_load %arg11[%swap3A, %swap3A_78] {strides = array<i32>} : memref<32x512xf32, #tpu.memory_space<vmem>>, vector<1x16xf32>,
    %swap3A_80 = vector.shape_cast %swap3A_79 : vector<1x16xf32> to vector<16xf32>
    %swap3A_81 = vector.shape_cast %add3A_77 : vector<16xf32> to vector<1x16xf32>
    tpu.vector_store %arg11[%swap3A, %swap3A_78], %swap3A_81 {strides = array<i32>} : memref<32x512xf32, #tpu.memory_space<vmem>>, vector<1x16xf32>,
    %get3A_82 = arith.index_cast %while3A_72#0 : i32 to index
    %get3A_83 = arith.constant 16 : index
    %get3A_84 = tpu.vector_load %arg11[%get3A_82, %get3A_83] {strides = array<i32>} : memref<32x512xf32, #tpu.memory_space<vmem>>, vector<1x16xf32>,
    %get3A_85 = vector.shape_cast %get3A_84 : vector<1x16xf32> to vector<16xf32>
    %add3A_86 = arith.addf %get3A_85, %while3A_72#3 : vector<16xf32>
    %swap3A_87 = arith.index_cast %while3A_72#0 : i32 to index
    %swap3A_88 = arith.constant 16 : index
    %swap3A_89 = tpu.vector_load %arg11[%swap3A_87, %swap3A_88] {strides = array<i32>} : memref<32x512xf32, #tpu.memory_space<vmem>>, vector<1x16xf32>,
    %swap3A_90 = vector.shape_cast %swap3A_89 : vector<1x16xf32> to vector<16xf32>
    %swap3A_91 = vector.shape_cast %add3A_86 : vector<16xf32> to vector<1x16xf32>
    tpu.vector_store %arg11[%swap3A_87, %swap3A_88], %swap3A_91 {strides = array<i32>} : memref<32x512xf32, #tpu.memory_space<vmem>>, vector<1x16xf32>,
    %get3A_92 = arith.index_cast %while3A_72#0 : i32 to index
    %get3A_93 = arith.constant 32 : index
    %get3A_94 = tpu.vector_load %arg11[%get3A_92, %get3A_93] {strides = array<i32>} : memref<32x512xf32, #tpu.memory_space<vmem>>, vector<1x16xf32>,
    %get3A_95 = vector.shape_cast %get3A_94 : vector<1x16xf32> to vector<16xf32>
    %add3A_96 = arith.addf %get3A_95, %while3A_72#4 : vector<16xf32>
    %swap3A_97 = arith.index_cast %while3A_72#0 : i32 to index
    %swap3A_98 = arith.constant 32 : index
    %swap3A_99 = tpu.vector_load %arg11[%swap3A_97, %swap3A_98] {strides = array<i32>} : memref<32x512xf32, #tpu.memory_space<vmem>>, vector<1x16xf32>,
    %swap3A_100 = vector.shape_cast %swap3A_99 : vector<1x16xf32> to vector<16xf32>
    %swap3A_101 = vector.shape_cast %add3A_96 : vector<16xf32> to vector<1x16xf32>
    tpu.vector_store %arg11[%swap3A_97, %swap3A_98], %swap3A_101 {strides = array<i32>} : memref<32x512xf32, #tpu.memory_space<vmem>>, vector<1x16xf32>,
    %get3A_102 = arith.index_cast %while3A_72#0 : i32 to index
    %get3A_103 = arith.constant 48 : index
    %get3A_104 = tpu.vector_load %arg11[%get3A_102, %get3A_103] {strides = array<i32>} : memref<32x512xf32, #tpu.memory_space<vmem>>, vector<1x16xf32>,
    %get3A_105 = vector.shape_cast %get3A_104 : vector<1x16xf32> to vector<16xf32>
    %add3A_106 = arith.addf %get3A_105, %while3A_72#5 : vector<16xf32>
    %swap3A_107 = arith.index_cast %while3A_72#0 : i32 to index
    %swap3A_108 = arith.constant 48 : index
    %swap3A_109 = tpu.vector_load %arg11[%swap3A_107, %swap3A_108] {strides = array<i32>} : memref<32x512xf32, #tpu.memory_space<vmem>>, vector<1x16xf32>,
    %swap3A_110 = vector.shape_cast %swap3A_109 : vector<1x16xf32> to vector<16xf32>
    %swap3A_111 = vector.shape_cast %add3A_106 : vector<16xf32> to vector<1x16xf32>
    tpu.vector_store %arg11[%swap3A_107, %swap3A_108], %swap3A_111 {strides = array<i32>} : memref<32x512xf32, #tpu.memory_space<vmem>>, vector<1x16xf32>,
    %get3A_112 = arith.index_cast %while3A_72#0 : i32 to index
    %get3A_113 = arith.constant 64 : index
    %get3A_114 = tpu.vector_load %arg11[%get3A_112, %get3A_113] {strides = array<i32>} : memref<32x512xf32, #tpu.memory_space<vmem>>, vector<1x16xf32>,
    %get3A_115 = vector.shape_cast %get3A_114 : vector<1x16xf32> to vector<16xf32>
    %add3A_116 = arith.addf %get3A_115, %while3A_72#6 : vector<16xf32>
    %swap3A_117 = arith.index_cast %while3A_72#0 : i32 to index
    %swap3A_118 = arith.constant 64 : index
    %swap3A_119 = tpu.vector_load %arg11[%swap3A_117, %swap3A_118] {strides = array<i32>} : memref<32x512xf32, #tpu.memory_space<vmem>>, vector<1x16xf32>,
    %swap3A_120 = vector.shape_cast %swap3A_119 : vector<1x16xf32> to vector<16xf32>
    %swap3A_121 = vector.shape_cast %add3A_116 : vector<16xf32> to vector<1x16xf32>
    tpu.vector_store %arg11[%swap3A_117, %swap3A_118], %swap3A_121 {strides = array<i32>} : memref<32x512xf32, #tpu.memory_space<vmem>>, vector<1x16xf32>,
    %get3A_122 = arith.index_cast %while3A_72#0 : i32 to index
    %get3A_123 = arith.constant 80 : index
    %get3A_124 = tpu.vector_load %arg11[%get3A_122, %get3A_123] {strides = array<i32>} : memref<32x512xf32, #tpu.memory_space<vmem>>, vector<1x16xf32>,
    %get3A_125 = vector.shape_cast %get3A_124 : vector<1x16xf32> to vector<16xf32>
    %add3A_126 = arith.addf %get3A_125, %while3A_72#7 : vector<16xf32>
    %swap3A_127 = arith.index_cast %while3A_72#0 : i32 to index
    %swap3A_128 = arith.constant 80 : index
    %swap3A_129 = tpu.vector_load %arg11[%swap3A_127, %swap3A_128] {strides = array<i32>} : memref<32x512xf32, #tpu.memory_space<vmem>>, vector<1x16xf32>,
    %swap3A_130 = vector.shape_cast %swap3A_129 : vector<1x16xf32> to vector<16xf32>
    %swap3A_131 = vector.shape_cast %add3A_126 : vector<16xf32> to vector<1x16xf32>
    tpu.vector_store %arg11[%swap3A_127, %swap3A_128], %swap3A_131 {strides = array<i32>} : memref<32x512xf32, #tpu.memory_space<vmem>>, vector<1x16xf32>,
    %get3A_132 = arith.index_cast %while3A_72#0 : i32 to index
    %get3A_133 = arith.constant 96 : index
    %get3A_134 = tpu.vector_load %arg11[%get3A_132, %get3A_133] {strides = array<i32>} : memref<32x512xf32, #tpu.memory_space<vmem>>, vector<1x16xf32>,
    %get3A_135 = vector.shape_cast %get3A_134 : vector<1x16xf32> to vector<16xf32>
    %add3A_136 = arith.addf %get3A_135, %while3A_72#8 : vector<16xf32>
    %swap3A_137 = arith.index_cast %while3A_72#0 : i32 to index
    %swap3A_138 = arith.constant 96 : index
    %swap3A_139 = tpu.vector_load %arg11[%swap3A_137, %swap3A_138] {strides = array<i32>} : memref<32x512xf32, #tpu.memory_space<vmem>>, vector<1x16xf32>,
    %swap3A_140 = vector.shape_cast %swap3A_139 : vector<1x16xf32> to vector<16xf32>
    %swap3A_141 = vector.shape_cast %add3A_136 : vector<16xf32> to vector<1x16xf32>
    tpu.vector_store %arg11[%swap3A_137, %swap3A_138], %swap3A_141 {strides = array<i32>} : memref<32x512xf32, #tpu.memory_space<vmem>>, vector<1x16xf32>,
    %get3A_142 = arith.index_cast %while3A_72#0 : i32 to index
    %get3A_143 = arith.constant 112 : index
    %get3A_144 = tpu.vector_load %arg11[%get3A_142, %get3A_143] {strides = array<i32>} : memref<32x512xf32, #tpu.memory_space<vmem>>, vector<1x16xf32>,
    %get3A_145 = vector.shape_cast %get3A_144 : vector<1x16xf32> to vector<16xf32>
    %add3A_146 = arith.addf %get3A_145, %while3A_72#9 : vector<16xf32>
    %swap3A_147 = arith.index_cast %while3A_72#0 : i32 to index
    %swap3A_148 = arith.constant 112 : index
    %swap3A_149 = tpu.vector_load %arg11[%swap3A_147, %swap3A_148] {strides = array<i32>} : memref<32x512xf32, #tpu.memory_space<vmem>>, vector<1x16xf32>,
    %swap3A_150 = vector.shape_cast %swap3A_149 : vector<1x16xf32> to vector<16xf32>
    %swap3A_151 = vector.shape_cast %add3A_146 : vector<16xf32> to vector<1x16xf32>
    tpu.vector_store %arg11[%swap3A_147, %swap3A_148], %swap3A_151 {strides = array<i32>} : memref<32x512xf32, #tpu.memory_space<vmem>>, vector<1x16xf32>,
    %get3A_152 = arith.index_cast %while3A_72#0 : i32 to index
    %get3A_153 = arith.constant 128 : index
    %get3A_154 = tpu.vector_load %arg11[%get3A_152, %get3A_153] {strides = array<i32>} : memref<32x512xf32, #tpu.memory_space<vmem>>, vector<1x16xf32>,
    %get3A_155 = vector.shape_cast %get3A_154 : vector<1x16xf32> to vector<16xf32>
    %add3A_156 = arith.addf %get3A_155, %while3A_72#10 : vector<16xf32>
    %swap3A_157 = arith.index_cast %while3A_72#0 : i32 to index
    %swap3A_158 = arith.constant 128 : index
    %swap3A_159 = tpu.vector_load %arg11[%swap3A_157, %swap3A_158] {strides = array<i32>} : memref<32x512xf32, #tpu.memory_space<vmem>>, vector<1x16xf32>,
    %swap3A_160 = vector.shape_cast %swap3A_159 : vector<1x16xf32> to vector<16xf32>
    %swap3A_161 = vector.shape_cast %add3A_156 : vector<16xf32> to vector<1x16xf32>
    tpu.vector_store %arg11[%swap3A_157, %swap3A_158], %swap3A_161 {strides = array<i32>} : memref<32x512xf32, #tpu.memory_space<vmem>>, vector<1x16xf32>,
    %get3A_162 = arith.index_cast %while3A_72#0 : i32 to index
    %get3A_163 = arith.constant 144 : index
    %get3A_164 = tpu.vector_load %arg11[%get3A_162, %get3A_163] {strides = array<i32>} : memref<32x512xf32, #tpu.memory_space<vmem>>, vector<1x16xf32>,
    %get3A_165 = vector.shape_cast %get3A_164 : vector<1x16xf32> to vector<16xf32>
    %add3A_166 = arith.addf %get3A_165, %while3A_72#11 : vector<16xf32>
    %swap3A_167 = arith.index_cast %while3A_72#0 : i32 to index
    %swap3A_168 = arith.constant 144 : index
    %swap3A_169 = tpu.vector_load %arg11[%swap3A_167, %swap3A_168] {strides = array<i32>} : memref<32x512xf32, #tpu.memory_space<vmem>>, vector<1x16xf32>,
    %swap3A_170 = vector.shape_cast %swap3A_169 : vector<1x16xf32> to vector<16xf32>
    %swap3A_171 = vector.shape_cast %add3A_166 : vector<16xf32> to vector<1x16xf32>
    tpu.vector_store %arg11[%swap3A_167, %swap3A_168], %swap3A_171 {strides = array<i32>} : memref<32x512xf32, #tpu.memory_space<vmem>>, vector<1x16xf32>,
    %get3A_172 = arith.index_cast %while3A_72#0 : i32 to index
    %get3A_173 = arith.constant 160 : index
    %get3A_174 = tpu.vector_load %arg11[%get3A_172, %get3A_173] {strides = array<i32>} : memref<32x512xf32, #tpu.memory_space<vmem>>, vector<1x16xf32>,
    %get3A_175 = vector.shape_cast %get3A_174 : vector<1x16xf32> to vector<16xf32>
    %add3A_176 = arith.addf %get3A_175, %while3A_72#12 : vector<16xf32>
    %swap3A_177 = arith.index_cast %while3A_72#0 : i32 to index
    %swap3A_178 = arith.constant 160 : index
    %swap3A_179 = tpu.vector_load %arg11[%swap3A_177, %swap3A_178] {strides = array<i32>} : memref<32x512xf32, #tpu.memory_space<vmem>>, vector<1x16xf32>,
    %swap3A_180 = vector.shape_cast %swap3A_179 : vector<1x16xf32> to vector<16xf32>
    %swap3A_181 = vector.shape_cast %add3A_176 : vector<16xf32> to vector<1x16xf32>
    tpu.vector_store %arg11[%swap3A_177, %swap3A_178], %swap3A_181 {strides = array<i32>} : memref<32x512xf32, #tpu.memory_space<vmem>>, vector<1x16xf32>,
    %get3A_182 = arith.index_cast %while3A_72#0 : i32 to index
    %get3A_183 = arith.constant 176 : index
    %get3A_184 = tpu.vector_load %arg11[%get3A_182, %get3A_183] {strides = array<i32>} : memref<32x512xf32, #tpu.memory_space<vmem>>, vector<1x16xf32>,
    %get3A_185 = vector.shape_cast %get3A_184 : vector<1x16xf32> to vector<16xf32>
    %add3A_186 = arith.addf %get3A_185, %while3A_72#13 : vector<16xf32>
    %swap3A_187 = arith.index_cast %while3A_72#0 : i32 to index
    %swap3A_188 = arith.constant 176 : index
    %swap3A_189 = tpu.vector_load %arg11[%swap3A_187, %swap3A_188] {strides = array<i32>} : memref<32x512xf32, #tpu.memory_space<vmem>>, vector<1x16xf32>,
    %swap3A_190 = vector.shape_cast %swap3A_189 : vector<1x16xf32> to vector<16xf32>
    %swap3A_191 = vector.shape_cast %add3A_186 : vector<16xf32> to vector<1x16xf32>
    tpu.vector_store %arg11[%swap3A_187, %swap3A_188], %swap3A_191 {strides = array<i32>} : memref<32x512xf32, #tpu.memory_space<vmem>>, vector<1x16xf32>,
    %get3A_192 = arith.index_cast %while3A_72#0 : i32 to index
    %get3A_193 = arith.constant 192 : index
    %get3A_194 = tpu.vector_load %arg11[%get3A_192, %get3A_193] {strides = array<i32>} : memref<32x512xf32, #tpu.memory_space<vmem>>, vector<1x16xf32>,
    %get3A_195 = vector.shape_cast %get3A_194 : vector<1x16xf32> to vector<16xf32>
    %add3A_196 = arith.addf %get3A_195, %while3A_72#14 : vector<16xf32>
    %swap3A_197 = arith.index_cast %while3A_72#0 : i32 to index
    %swap3A_198 = arith.constant 192 : index
    %swap3A_199 = tpu.vector_load %arg11[%swap3A_197, %swap3A_198] {strides = array<i32>} : memref<32x512xf32, #tpu.memory_space<vmem>>, vector<1x16xf32>,
    %swap3A_200 = vector.shape_cast %swap3A_199 : vector<1x16xf32> to vector<16xf32>
    %swap3A_201 = vector.shape_cast %add3A_196 : vector<16xf32> to vector<1x16xf32>
    tpu.vector_store %arg11[%swap3A_197, %swap3A_198], %swap3A_201 {strides = array<i32>} : memref<32x512xf32, #tpu.memory_space<vmem>>, vector<1x16xf32>,
    %get3A_202 = arith.index_cast %while3A_72#0 : i32 to index
    %get3A_203 = arith.constant 208 : index
    %get3A_204 = tpu.vector_load %arg11[%get3A_202, %get3A_203] {strides = array<i32>} : memref<32x512xf32, #tpu.memory_space<vmem>>, vector<1x16xf32>,
    %get3A_205 = vector.shape_cast %get3A_204 : vector<1x16xf32> to vector<16xf32>
    %add3A_206 = arith.addf %get3A_205, %while3A_72#15 : vector<16xf32>
    %swap3A_207 = arith.index_cast %while3A_72#0 : i32 to index
    %swap3A_208 = arith.constant 208 : index
    %swap3A_209 = tpu.vector_load %arg11[%swap3A_207, %swap3A_208] {strides = array<i32>} : memref<32x512xf32, #tpu.memory_space<vmem>>, vector<1x16xf32>,
    %swap3A_210 = vector.shape_cast %swap3A_209 : vector<1x16xf32> to vector<16xf32>
    %swap3A_211 = vector.shape_cast %add3A_206 : vector<16xf32> to vector<1x16xf32>
    tpu.vector_store %arg11[%swap3A_207, %swap3A_208], %swap3A_211 {strides = array<i32>} : memref<32x512xf32, #tpu.memory_space<vmem>>, vector<1x16xf32>,
    %get3A_212 = arith.index_cast %while3A_72#0 : i32 to index
    %get3A_213 = arith.constant 224 : index
    %get3A_214 = tpu.vector_load %arg11[%get3A_212, %get3A_213] {strides = array<i32>} : memref<32x512xf32, #tpu.memory_space<vmem>>, vector<1x16xf32>,
    %get3A_215 = vector.shape_cast %get3A_214 : vector<1x16xf32> to vector<16xf32>
    %add3A_216 = arith.addf %get3A_215, %while3A_72#16 : vector<16xf32>
    %swap3A_217 = arith.index_cast %while3A_72#0 : i32 to index
    %swap3A_218 = arith.constant 224 : index
    %swap3A_219 = tpu.vector_load %arg11[%swap3A_217, %swap3A_218] {strides = array<i32>} : memref<32x512xf32, #tpu.memory_space<vmem>>, vector<1x16xf32>,
    %swap3A_220 = vector.shape_cast %swap3A_219 : vector<1x16xf32> to vector<16xf32>
    %swap3A_221 = vector.shape_cast %add3A_216 : vector<16xf32> to vector<1x16xf32>
    tpu.vector_store %arg11[%swap3A_217, %swap3A_218], %swap3A_221 {strides = array<i32>} : memref<32x512xf32, #tpu.memory_space<vmem>>, vector<1x16xf32>,
    %get3A_222 = arith.index_cast %while3A_72#0 : i32 to index
    %get3A_223 = arith.constant 240 : index
    %get3A_224 = tpu.vector_load %arg11[%get3A_222, %get3A_223] {strides = array<i32>} : memref<32x512xf32, #tpu.memory_space<vmem>>, vector<1x16xf32>,
    %get3A_225 = vector.shape_cast %get3A_224 : vector<1x16xf32> to vector<16xf32>
    %add3A_226 = arith.addf %get3A_225, %while3A_72#17 : vector<16xf32>
    %swap3A_227 = arith.index_cast %while3A_72#0 : i32 to index
    %swap3A_228 = arith.constant 240 : index
    %swap3A_229 = tpu.vector_load %arg11[%swap3A_227, %swap3A_228] {strides = array<i32>} : memref<32x512xf32, #tpu.memory_space<vmem>>, vector<1x16xf32>,
    %swap3A_230 = vector.shape_cast %swap3A_229 : vector<1x16xf32> to vector<16xf32>
    %swap3A_231 = vector.shape_cast %add3A_226 : vector<16xf32> to vector<1x16xf32>
    tpu.vector_store %arg11[%swap3A_227, %swap3A_228], %swap3A_231 {strides = array<i32>} : memref<32x512xf32, #tpu.memory_space<vmem>>, vector<1x16xf32>,
    %get3A_232 = arith.index_cast %while3A_72#0 : i32 to index
    %get3A_233 = arith.constant 256 : index
    %get3A_234 = tpu.vector_load %arg11[%get3A_232, %get3A_233] {strides = array<i32>} : memref<32x512xf32, #tpu.memory_space<vmem>>, vector<1x16xf32>,
    %get3A_235 = vector.shape_cast %get3A_234 : vector<1x16xf32> to vector<16xf32>
    %add3A_236 = arith.addf %get3A_235, %while3A_72#18 : vector<16xf32>
    %swap3A_237 = arith.index_cast %while3A_72#0 : i32 to index
    %swap3A_238 = arith.constant 256 : index
    %swap3A_239 = tpu.vector_load %arg11[%swap3A_237, %swap3A_238] {strides = array<i32>} : memref<32x512xf32, #tpu.memory_space<vmem>>, vector<1x16xf32>,
    %swap3A_240 = vector.shape_cast %swap3A_239 : vector<1x16xf32> to vector<16xf32>
    %swap3A_241 = vector.shape_cast %add3A_236 : vector<16xf32> to vector<1x16xf32>
    tpu.vector_store %arg11[%swap3A_237, %swap3A_238], %swap3A_241 {strides = array<i32>} : memref<32x512xf32, #tpu.memory_space<vmem>>, vector<1x16xf32>,
    %get3A_242 = arith.index_cast %while3A_72#0 : i32 to index
    %get3A_243 = arith.constant 272 : index
    %get3A_244 = tpu.vector_load %arg11[%get3A_242, %get3A_243] {strides = array<i32>} : memref<32x512xf32, #tpu.memory_space<vmem>>, vector<1x16xf32>,
    %get3A_245 = vector.shape_cast %get3A_244 : vector<1x16xf32> to vector<16xf32>
    %add3A_246 = arith.addf %get3A_245, %while3A_72#19 : vector<16xf32>
    %swap3A_247 = arith.index_cast %while3A_72#0 : i32 to index
    %swap3A_248 = arith.constant 272 : index
    %swap3A_249 = tpu.vector_load %arg11[%swap3A_247, %swap3A_248] {strides = array<i32>} : memref<32x512xf32, #tpu.memory_space<vmem>>, vector<1x16xf32>,
    %swap3A_250 = vector.shape_cast %swap3A_249 : vector<1x16xf32> to vector<16xf32>
    %swap3A_251 = vector.shape_cast %add3A_246 : vector<16xf32> to vector<1x16xf32>
    tpu.vector_store %arg11[%swap3A_247, %swap3A_248], %swap3A_251 {strides = array<i32>} : memref<32x512xf32, #tpu.memory_space<vmem>>, vector<1x16xf32>,
    %get3A_252 = arith.index_cast %while3A_72#0 : i32 to index
    %get3A_253 = arith.constant 288 : index
    %get3A_254 = tpu.vector_load %arg11[%get3A_252, %get3A_253] {strides = array<i32>} : memref<32x512xf32, #tpu.memory_space<vmem>>, vector<1x16xf32>,
    %get3A_255 = vector.shape_cast %get3A_254 : vector<1x16xf32> to vector<16xf32>
    %add3A_256 = arith.addf %get3A_255, %while3A_72#20 : vector<16xf32>
    %swap3A_257 = arith.index_cast %while3A_72#0 : i32 to index
    %swap3A_258 = arith.constant 288 : index
    %swap3A_259 = tpu.vector_load %arg11[%swap3A_257, %swap3A_258] {strides = array<i32>} : memref<32x512xf32, #tpu.memory_space<vmem>>, vector<1x16xf32>,
    %swap3A_260 = vector.shape_cast %swap3A_259 : vector<1x16xf32> to vector<16xf32>
    %swap3A_261 = vector.shape_cast %add3A_256 : vector<16xf32> to vector<1x16xf32>
    tpu.vector_store %arg11[%swap3A_257, %swap3A_258], %swap3A_261 {strides = array<i32>} : memref<32x512xf32, #tpu.memory_space<vmem>>, vector<1x16xf32>,
    %get3A_262 = arith.index_cast %while3A_72#0 : i32 to index
    %get3A_263 = arith.constant 304 : index
    %get3A_264 = tpu.vector_load %arg11[%get3A_262, %get3A_263] {strides = array<i32>} : memref<32x512xf32, #tpu.memory_space<vmem>>, vector<1x16xf32>,
    %get3A_265 = vector.shape_cast %get3A_264 : vector<1x16xf32> to vector<16xf32>
    %add3A_266 = arith.addf %get3A_265, %while3A_72#21 : vector<16xf32>
    %swap3A_267 = arith.index_cast %while3A_72#0 : i32 to index
    %swap3A_268 = arith.constant 304 : index
    %swap3A_269 = tpu.vector_load %arg11[%swap3A_267, %swap3A_268] {strides = array<i32>} : memref<32x512xf32, #tpu.memory_space<vmem>>, vector<1x16xf32>,
    %swap3A_270 = vector.shape_cast %swap3A_269 : vector<1x16xf32> to vector<16xf32>
    %swap3A_271 = vector.shape_cast %add3A_266 : vector<16xf32> to vector<1x16xf32>
    tpu.vector_store %arg11[%swap3A_267, %swap3A_268], %swap3A_271 {strides = array<i32>} : memref<32x512xf32, #tpu.memory_space<vmem>>, vector<1x16xf32>,
    %get3A_272 = arith.index_cast %while3A_72#0 : i32 to index
    %get3A_273 = arith.constant 320 : index
    %get3A_274 = tpu.vector_load %arg11[%get3A_272, %get3A_273] {strides = array<i32>} : memref<32x512xf32, #tpu.memory_space<vmem>>, vector<1x16xf32>,
    %get3A_275 = vector.shape_cast %get3A_274 : vector<1x16xf32> to vector<16xf32>
    %add3A_276 = arith.addf %get3A_275, %while3A_72#22 : vector<16xf32>
    %swap3A_277 = arith.index_cast %while3A_72#0 : i32 to index
    %swap3A_278 = arith.constant 320 : index
    %swap3A_279 = tpu.vector_load %arg11[%swap3A_277, %swap3A_278] {strides = array<i32>} : memref<32x512xf32, #tpu.memory_space<vmem>>, vector<1x16xf32>,
    %swap3A_280 = vector.shape_cast %swap3A_279 : vector<1x16xf32> to vector<16xf32>
    %swap3A_281 = vector.shape_cast %add3A_276 : vector<16xf32> to vector<1x16xf32>
    tpu.vector_store %arg11[%swap3A_277, %swap3A_278], %swap3A_281 {strides = array<i32>} : memref<32x512xf32, #tpu.memory_space<vmem>>, vector<1x16xf32>,
    %get3A_282 = arith.index_cast %while3A_72#0 : i32 to index
    %get3A_283 = arith.constant 336 : index
    %get3A_284 = tpu.vector_load %arg11[%get3A_282, %get3A_283] {strides = array<i32>} : memref<32x512xf32, #tpu.memory_space<vmem>>, vector<1x16xf32>,
    %get3A_285 = vector.shape_cast %get3A_284 : vector<1x16xf32> to vector<16xf32>
    %add3A_286 = arith.addf %get3A_285, %while3A_72#23 : vector<16xf32>
    %swap3A_287 = arith.index_cast %while3A_72#0 : i32 to index
    %swap3A_288 = arith.constant 336 : index
    %swap3A_289 = tpu.vector_load %arg11[%swap3A_287, %swap3A_288] {strides = array<i32>} : memref<32x512xf32, #tpu.memory_space<vmem>>, vector<1x16xf32>,
    %swap3A_290 = vector.shape_cast %swap3A_289 : vector<1x16xf32> to vector<16xf32>
    %swap3A_291 = vector.shape_cast %add3A_286 : vector<16xf32> to vector<1x16xf32>
    tpu.vector_store %arg11[%swap3A_287, %swap3A_288], %swap3A_291 {strides = array<i32>} : memref<32x512xf32, #tpu.memory_space<vmem>>, vector<1x16xf32>,
    %get3A_292 = arith.index_cast %while3A_72#0 : i32 to index
    %get3A_293 = arith.constant 352 : index
    %get3A_294 = tpu.vector_load %arg11[%get3A_292, %get3A_293] {strides = array<i32>} : memref<32x512xf32, #tpu.memory_space<vmem>>, vector<1x16xf32>,
    %get3A_295 = vector.shape_cast %get3A_294 : vector<1x16xf32> to vector<16xf32>
    %add3A_296 = arith.addf %get3A_295, %while3A_72#24 : vector<16xf32>
    %swap3A_297 = arith.index_cast %while3A_72#0 : i32 to index
    %swap3A_298 = arith.constant 352 : index
    %swap3A_299 = tpu.vector_load %arg11[%swap3A_297, %swap3A_298] {strides = array<i32>} : memref<32x512xf32, #tpu.memory_space<vmem>>, vector<1x16xf32>,
    %swap3A_300 = vector.shape_cast %swap3A_299 : vector<1x16xf32> to vector<16xf32>
    %swap3A_301 = vector.shape_cast %add3A_296 : vector<16xf32> to vector<1x16xf32>
    tpu.vector_store %arg11[%swap3A_297, %swap3A_298], %swap3A_301 {strides = array<i32>} : memref<32x512xf32, #tpu.memory_space<vmem>>, vector<1x16xf32>,
    %get3A_302 = arith.index_cast %while3A_72#0 : i32 to index
    %get3A_303 = arith.constant 368 : index
    %get3A_304 = tpu.vector_load %arg11[%get3A_302, %get3A_303] {strides = array<i32>} : memref<32x512xf32, #tpu.memory_space<vmem>>, vector<1x16xf32>,
    %get3A_305 = vector.shape_cast %get3A_304 : vector<1x16xf32> to vector<16xf32>
    %add3A_306 = arith.addf %get3A_305, %while3A_72#25 : vector<16xf32>
    %swap3A_307 = arith.index_cast %while3A_72#0 : i32 to index
    %swap3A_308 = arith.constant 368 : index
    %swap3A_309 = tpu.vector_load %arg11[%swap3A_307, %swap3A_308] {strides = array<i32>} : memref<32x512xf32, #tpu.memory_space<vmem>>, vector<1x16xf32>,
    %swap3A_310 = vector.shape_cast %swap3A_309 : vector<1x16xf32> to vector<16xf32>
    %swap3A_311 = vector.shape_cast %add3A_306 : vector<16xf32> to vector<1x16xf32>
    tpu.vector_store %arg11[%swap3A_307, %swap3A_308], %swap3A_311 {strides = array<i32>} : memref<32x512xf32, #tpu.memory_space<vmem>>, vector<1x16xf32>,
    %get3A_312 = arith.index_cast %while3A_72#0 : i32 to index
    %get3A_313 = arith.constant 384 : index
    %get3A_314 = tpu.vector_load %arg11[%get3A_312, %get3A_313] {strides = array<i32>} : memref<32x512xf32, #tpu.memory_space<vmem>>, vector<1x16xf32>,
    %get3A_315 = vector.shape_cast %get3A_314 : vector<1x16xf32> to vector<16xf32>
    %add3A_316 = arith.addf %get3A_315, %while3A_72#26 : vector<16xf32>
    %swap3A_317 = arith.index_cast %while3A_72#0 : i32 to index
    %swap3A_318 = arith.constant 384 : index
    %swap3A_319 = tpu.vector_load %arg11[%swap3A_317, %swap3A_318] {strides = array<i32>} : memref<32x512xf32, #tpu.memory_space<vmem>>, vector<1x16xf32>,
    %swap3A_320 = vector.shape_cast %swap3A_319 : vector<1x16xf32> to vector<16xf32>
    %swap3A_321 = vector.shape_cast %add3A_316 : vector<16xf32> to vector<1x16xf32>
    tpu.vector_store %arg11[%swap3A_317, %swap3A_318], %swap3A_321 {strides = array<i32>} : memref<32x512xf32, #tpu.memory_space<vmem>>, vector<1x16xf32>,
    %get3A_322 = arith.index_cast %while3A_72#0 : i32 to index
    %get3A_323 = arith.constant 400 : index
    %get3A_324 = tpu.vector_load %arg11[%get3A_322, %get3A_323] {strides = array<i32>} : memref<32x512xf32, #tpu.memory_space<vmem>>, vector<1x16xf32>,
    %get3A_325 = vector.shape_cast %get3A_324 : vector<1x16xf32> to vector<16xf32>
    %add3A_326 = arith.addf %get3A_325, %while3A_72#27 : vector<16xf32>
    %swap3A_327 = arith.index_cast %while3A_72#0 : i32 to index
    %swap3A_328 = arith.constant 400 : index
    %swap3A_329 = tpu.vector_load %arg11[%swap3A_327, %swap3A_328] {strides = array<i32>} : memref<32x512xf32, #tpu.memory_space<vmem>>, vector<1x16xf32>,
    %swap3A_330 = vector.shape_cast %swap3A_329 : vector<1x16xf32> to vector<16xf32>
    %swap3A_331 = vector.shape_cast %add3A_326 : vector<16xf32> to vector<1x16xf32>
    tpu.vector_store %arg11[%swap3A_327, %swap3A_328], %swap3A_331 {strides = array<i32>} : memref<32x512xf32, #tpu.memory_space<vmem>>, vector<1x16xf32>,
    %get3A_332 = arith.index_cast %while3A_72#0 : i32 to index
    %get3A_333 = arith.constant 416 : index
    %get3A_334 = tpu.vector_load %arg11[%get3A_332, %get3A_333] {strides = array<i32>} : memref<32x512xf32, #tpu.memory_space<vmem>>, vector<1x16xf32>,
    %get3A_335 = vector.shape_cast %get3A_334 : vector<1x16xf32> to vector<16xf32>
    %add3A_336 = arith.addf %get3A_335, %while3A_72#28 : vector<16xf32>
    %swap3A_337 = arith.index_cast %while3A_72#0 : i32 to index
    %swap3A_338 = arith.constant 416 : index
    %swap3A_339 = tpu.vector_load %arg11[%swap3A_337, %swap3A_338] {strides = array<i32>} : memref<32x512xf32, #tpu.memory_space<vmem>>, vector<1x16xf32>,
    %swap3A_340 = vector.shape_cast %swap3A_339 : vector<1x16xf32> to vector<16xf32>
    %swap3A_341 = vector.shape_cast %add3A_336 : vector<16xf32> to vector<1x16xf32>
    tpu.vector_store %arg11[%swap3A_337, %swap3A_338], %swap3A_341 {strides = array<i32>} : memref<32x512xf32, #tpu.memory_space<vmem>>, vector<1x16xf32>,
    %get3A_342 = arith.index_cast %while3A_72#0 : i32 to index
    %get3A_343 = arith.constant 432 : index
    %get3A_344 = tpu.vector_load %arg11[%get3A_342, %get3A_343] {strides = array<i32>} : memref<32x512xf32, #tpu.memory_space<vmem>>, vector<1x16xf32>,
    %get3A_345 = vector.shape_cast %get3A_344 : vector<1x16xf32> to vector<16xf32>
    %add3A_346 = arith.addf %get3A_345, %while3A_72#29 : vector<16xf32>
    %swap3A_347 = arith.index_cast %while3A_72#0 : i32 to index
    %swap3A_348 = arith.constant 432 : index
    %swap3A_349 = tpu.vector_load %arg11[%swap3A_347, %swap3A_348] {strides = array<i32>} : memref<32x512xf32, #tpu.memory_space<vmem>>, vector<1x16xf32>,
    %swap3A_350 = vector.shape_cast %swap3A_349 : vector<1x16xf32> to vector<16xf32>
    %swap3A_351 = vector.shape_cast %add3A_346 : vector<16xf32> to vector<1x16xf32>
    tpu.vector_store %arg11[%swap3A_347, %swap3A_348], %swap3A_351 {strides = array<i32>} : memref<32x512xf32, #tpu.memory_space<vmem>>, vector<1x16xf32>,
    %get3A_352 = arith.index_cast %while3A_72#0 : i32 to index
    %get3A_353 = arith.constant 448 : index
    %get3A_354 = tpu.vector_load %arg11[%get3A_352, %get3A_353] {strides = array<i32>} : memref<32x512xf32, #tpu.memory_space<vmem>>, vector<1x16xf32>,
    %get3A_355 = vector.shape_cast %get3A_354 : vector<1x16xf32> to vector<16xf32>
    %add3A_356 = arith.addf %get3A_355, %while3A_72#30 : vector<16xf32>
    %swap3A_357 = arith.index_cast %while3A_72#0 : i32 to index
    %swap3A_358 = arith.constant 448 : index
    %swap3A_359 = tpu.vector_load %arg11[%swap3A_357, %swap3A_358] {strides = array<i32>} : memref<32x512xf32, #tpu.memory_space<vmem>>, vector<1x16xf32>,
    %swap3A_360 = vector.shape_cast %swap3A_359 : vector<1x16xf32> to vector<16xf32>
    %swap3A_361 = vector.shape_cast %add3A_356 : vector<16xf32> to vector<1x16xf32>
    tpu.vector_store %arg11[%swap3A_357, %swap3A_358], %swap3A_361 {strides = array<i32>} : memref<32x512xf32, #tpu.memory_space<vmem>>, vector<1x16xf32>,
    %get3A_362 = arith.index_cast %while3A_72#0 : i32 to index
    %get3A_363 = arith.constant 464 : index
    %get3A_364 = tpu.vector_load %arg11[%get3A_362, %get3A_363] {strides = array<i32>} : memref<32x512xf32, #tpu.memory_space<vmem>>, vector<1x16xf32>,
    %get3A_365 = vector.shape_cast %get3A_364 : vector<1x16xf32> to vector<16xf32>
    %add3A_366 = arith.addf %get3A_365, %while3A_72#31 : vector<16xf32>
    %swap3A_367 = arith.index_cast %while3A_72#0 : i32 to index
    %swap3A_368 = arith.constant 464 : index
    %swap3A_369 = tpu.vector_load %arg11[%swap3A_367, %swap3A_368] {strides = array<i32>} : memref<32x512xf32, #tpu.memory_space<vmem>>, vector<1x16xf32>,
    %swap3A_370 = vector.shape_cast %swap3A_369 : vector<1x16xf32> to vector<16xf32>
    %swap3A_371 = vector.shape_cast %add3A_366 : vector<16xf32> to vector<1x16xf32>
    tpu.vector_store %arg11[%swap3A_367, %swap3A_368], %swap3A_371 {strides = array<i32>} : memref<32x512xf32, #tpu.memory_space<vmem>>, vector<1x16xf32>,
    %get3A_372 = arith.index_cast %while3A_72#0 : i32 to index
    %get3A_373 = arith.constant 480 : index
    %get3A_374 = tpu.vector_load %arg11[%get3A_372, %get3A_373] {strides = array<i32>} : memref<32x512xf32, #tpu.memory_space<vmem>>, vector<1x16xf32>,
    %get3A_375 = vector.shape_cast %get3A_374 : vector<1x16xf32> to vector<16xf32>
    %add3A_376 = arith.addf %get3A_375, %while3A_72#32 : vector<16xf32>
    %swap3A_377 = arith.index_cast %while3A_72#0 : i32 to index
    %swap3A_378 = arith.constant 480 : index
    %swap3A_379 = tpu.vector_load %arg11[%swap3A_377, %swap3A_378] {strides = array<i32>} : memref<32x512xf32, #tpu.memory_space<vmem>>, vector<1x16xf32>,
    %swap3A_380 = vector.shape_cast %swap3A_379 : vector<1x16xf32> to vector<16xf32>
    %swap3A_381 = vector.shape_cast %add3A_376 : vector<16xf32> to vector<1x16xf32>
    tpu.vector_store %arg11[%swap3A_377, %swap3A_378], %swap3A_381 {strides = array<i32>} : memref<32x512xf32, #tpu.memory_space<vmem>>, vector<1x16xf32>,
    %get3A_382 = arith.index_cast %while3A_72#0 : i32 to index
    %get3A_383 = arith.constant 496 : index
    %get3A_384 = tpu.vector_load %arg11[%get3A_382, %get3A_383] {strides = array<i32>} : memref<32x512xf32, #tpu.memory_space<vmem>>, vector<1x16xf32>,
    %get3A_385 = vector.shape_cast %get3A_384 : vector<1x16xf32> to vector<16xf32>
    %add3A_386 = arith.addf %get3A_385, %while3A_72#33 : vector<16xf32>
    %swap3A_387 = arith.index_cast %while3A_72#0 : i32 to index
    %swap3A_388 = arith.constant 496 : index
    %swap3A_389 = tpu.vector_load %arg11[%swap3A_387, %swap3A_388] {strides = array<i32>} : memref<32x512xf32, #tpu.memory_space<vmem>>, vector<1x16xf32>,
    %swap3A_390 = vector.shape_cast %swap3A_389 : vector<1x16xf32> to vector<16xf32>
    %swap3A_391 = vector.shape_cast %add3A_386 : vector<16xf32> to vector<1x16xf32>
    tpu.vector_store %arg11[%swap3A_387, %swap3A_388], %swap3A_391 {strides = array<i32>} : memref<32x512xf32, #tpu.memory_space<vmem>>, vector<1x16xf32>,
    %get3A_392 = arith.index_cast %while3A_72#0 : i32 to index
    %get3A_393 = arith.constant 0 : index
    %get3A_394 = tpu.vector_load %arg12[%get3A_392, %get3A_393] {strides = array<i32>} : memref<32x16xf32, #tpu.memory_space<vmem>>, vector<1x16xf32>,
    %get3A_395 = vector.shape_cast %get3A_394 : vector<1x16xf32> to vector<16xf32>
    %add3A_396 = arith.addf %get3A_395, %while3A_72#1 : vector<16xf32>
    %swap3A_397 = arith.index_cast %while3A_72#0 : i32 to index
    %swap3A_398 = arith.constant 0 : index
    %swap3A_399 = tpu.vector_load %arg12[%swap3A_397, %swap3A_398] {strides = array<i32>} : memref<32x16xf32, #tpu.memory_space<vmem>>, vector<1x16xf32>,
    %swap3A_400 = vector.shape_cast %swap3A_399 : vector<1x16xf32> to vector<16xf32>
    %swap3A_401 = vector.shape_cast %add3A_396 : vector<16xf32> to vector<1x16xf32>
    tpu.vector_store %arg12[%swap3A_397, %swap3A_398], %swap3A_401 {strides = array<i32>} : memref<32x16xf32, #tpu.memory_space<vmem>>, vector<1x16xf32>,
    %scan3A_402 = arith.constant 0 : i32
    %scan3A_403 = arith.constant 0 : i32
    %scan3A_404 = arith.constant 32 : i32
    %scan3A_405 = arith.addi %scan3A_403, %scan3A_404 : i32
    %scan3A_406 = arith.constant 1 : i32
    scf.for %scan3A_408 = %scan3A_403 to %scan3A_405 step %scan3A_406  : i32 {
      %get3A_409 = arith.index_cast %scan3A_408 : i32 to index
      %get3A_410 = arith.constant 0 : index
      %get3A_411 = tpu.vector_load %arg12[%get3A_409, %get3A_410] {strides = array<i32>} : memref<32x16xf32, #tpu.memory_space<vmem>>, vector<1x16xf32>,
      %get3A_412 = vector.shape_cast %get3A_411 : vector<1x16xf32> to vector<16xf32>
      %slice3A_413 = vector.extract_strided_slice %get3A_412 {offsets = [0], sizes = [1], strides = [1]} : vector<16xf32> to vector<1xf32>
      %squeeze3A_414 = vector.extract %slice3A_413[0] : f32 from vector<1xf32>
      %add3A_415 = arith.constant 1.000000e-16 : f32
      %add3A_416 = arith.addf %squeeze3A_414, %add3A_415 : f32
      %broadcast_in_dim3A_417 = vector.broadcast %add3A_416 : f32 to vector<16xf32>
      %slice3A_418 = vector.extract_strided_slice %get3A_412 {offsets = [1], sizes = [1], strides = [1]} : vector<16xf32> to vector<1xf32>
      %squeeze3A_419 = vector.extract %slice3A_418[0] : f32 from vector<1xf32>
      %broadcast_in_dim3A_420 = vector.broadcast %squeeze3A_419 : f32 to vector<16xf32>
      %max3A = arith.constant 1.000000e+00 : f32
      %max3A_421 = vector.broadcast %max3A : f32 to vector<16xf32>
      %max3A_422 = arith.maximumf %broadcast_in_dim3A_420, %max3A_421 : vector<16xf32>
      %mul3A_423 = arith.mulf %broadcast_in_dim3A_417, %max3A_422 : vector<16xf32>
      %div3A_424 = arith.constant 1.000000e+00 : f32
      %div3A_425 = vector.broadcast %div3A_424 : f32 to vector<16xf32>
      %div3A_426 = arith.divf %div3A_425, %mul3A_423 : vector<16xf32>
      %get3A_427 = arith.index_cast %scan3A_408 : i32 to index
      %get3A_428 = arith.constant 0 : index
      %get3A_429 = tpu.vector_load %arg11[%get3A_427, %get3A_428] {strides = array<i32>} : memref<32x512xf32, #tpu.memory_space<vmem>>, vector<1x16xf32>,
      %get3A_430 = vector.shape_cast %get3A_429 : vector<1x16xf32> to vector<16xf32>
      %mul3A_431 = arith.mulf %get3A_430, %div3A_426 : vector<16xf32>
      %swap3A_432 = arith.index_cast %scan3A_408 : i32 to index
      %swap3A_433 = arith.constant 0 : index
      %swap3A_434 = tpu.vector_load %arg11[%swap3A_432, %swap3A_433] {strides = array<i32>} : memref<32x512xf32, #tpu.memory_space<vmem>>, vector<1x16xf32>,
      %swap3A_435 = vector.shape_cast %swap3A_434 : vector<1x16xf32> to vector<16xf32>
      %swap3A_436 = vector.shape_cast %mul3A_431 : vector<16xf32> to vector<1x16xf32>
      tpu.vector_store %arg11[%swap3A_432, %swap3A_433], %swap3A_436 {strides = array<i32>} : memref<32x512xf32, #tpu.memory_space<vmem>>, vector<1x16xf32>,
      %get3A_437 = arith.index_cast %scan3A_408 : i32 to index
      %get3A_438 = arith.constant 16 : index
      %get3A_439 = tpu.vector_load %arg11[%get3A_437, %get3A_438] {strides = array<i32>} : memref<32x512xf32, #tpu.memory_space<vmem>>, vector<1x16xf32>,
      %get3A_440 = vector.shape_cast %get3A_439 : vector<1x16xf32> to vector<16xf32>
      %mul3A_441 = arith.mulf %get3A_440, %div3A_426 : vector<16xf32>
      %swap3A_442 = arith.index_cast %scan3A_408 : i32 to index
      %swap3A_443 = arith.constant 16 : index
      %swap3A_444 = tpu.vector_load %arg11[%swap3A_442, %swap3A_443] {strides = array<i32>} : memref<32x512xf32, #tpu.memory_space<vmem>>, vector<1x16xf32>,
      %swap3A_445 = vector.shape_cast %swap3A_444 : vector<1x16xf32> to vector<16xf32>
      %swap3A_446 = vector.shape_cast %mul3A_441 : vector<16xf32> to vector<1x16xf32>
      tpu.vector_store %arg11[%swap3A_442, %swap3A_443], %swap3A_446 {strides = array<i32>} : memref<32x512xf32, #tpu.memory_space<vmem>>, vector<1x16xf32>,
      %get3A_447 = arith.index_cast %scan3A_408 : i32 to index
      %get3A_448 = arith.constant 32 : index
      %get3A_449 = tpu.vector_load %arg11[%get3A_447, %get3A_448] {strides = array<i32>} : memref<32x512xf32, #tpu.memory_space<vmem>>, vector<1x16xf32>,
      %get3A_450 = vector.shape_cast %get3A_449 : vector<1x16xf32> to vector<16xf32>
      %mul3A_451 = arith.mulf %get3A_450, %div3A_426 : vector<16xf32>
      %swap3A_452 = arith.index_cast %scan3A_408 : i32 to index
      %swap3A_453 = arith.constant 32 : index
      %swap3A_454 = tpu.vector_load %arg11[%swap3A_452, %swap3A_453] {strides = array<i32>} : memref<32x512xf32, #tpu.memory_space<vmem>>, vector<1x16xf32>,
      %swap3A_455 = vector.shape_cast %swap3A_454 : vector<1x16xf32> to vector<16xf32>
      %swap3A_456 = vector.shape_cast %mul3A_451 : vector<16xf32> to vector<1x16xf32>
      tpu.vector_store %arg11[%swap3A_452, %swap3A_453], %swap3A_456 {strides = array<i32>} : memref<32x512xf32, #tpu.memory_space<vmem>>, vector<1x16xf32>,
      %get3A_457 = arith.index_cast %scan3A_408 : i32 to index
      %get3A_458 = arith.constant 48 : index
      %get3A_459 = tpu.vector_load %arg11[%get3A_457, %get3A_458] {strides = array<i32>} : memref<32x512xf32, #tpu.memory_space<vmem>>, vector<1x16xf32>,
      %get3A_460 = vector.shape_cast %get3A_459 : vector<1x16xf32> to vector<16xf32>
      %mul3A_461 = arith.mulf %get3A_460, %div3A_426 : vector<16xf32>
      %swap3A_462 = arith.index_cast %scan3A_408 : i32 to index
      %swap3A_463 = arith.constant 48 : index
      %swap3A_464 = tpu.vector_load %arg11[%swap3A_462, %swap3A_463] {strides = array<i32>} : memref<32x512xf32, #tpu.memory_space<vmem>>, vector<1x16xf32>,
      %swap3A_465 = vector.shape_cast %swap3A_464 : vector<1x16xf32> to vector<16xf32>
      %swap3A_466 = vector.shape_cast %mul3A_461 : vector<16xf32> to vector<1x16xf32>
      tpu.vector_store %arg11[%swap3A_462, %swap3A_463], %swap3A_466 {strides = array<i32>} : memref<32x512xf32, #tpu.memory_space<vmem>>, vector<1x16xf32>,
      %get3A_467 = arith.index_cast %scan3A_408 : i32 to index
      %get3A_468 = arith.constant 64 : index
      %get3A_469 = tpu.vector_load %arg11[%get3A_467, %get3A_468] {strides = array<i32>} : memref<32x512xf32, #tpu.memory_space<vmem>>, vector<1x16xf32>,
      %get3A_470 = vector.shape_cast %get3A_469 : vector<1x16xf32> to vector<16xf32>
      %mul3A_471 = arith.mulf %get3A_470, %div3A_426 : vector<16xf32>
      %swap3A_472 = arith.index_cast %scan3A_408 : i32 to index
      %swap3A_473 = arith.constant 64 : index
      %swap3A_474 = tpu.vector_load %arg11[%swap3A_472, %swap3A_473] {strides = array<i32>} : memref<32x512xf32, #tpu.memory_space<vmem>>, vector<1x16xf32>,
      %swap3A_475 = vector.shape_cast %swap3A_474 : vector<1x16xf32> to vector<16xf32>
      %swap3A_476 = vector.shape_cast %mul3A_471 : vector<16xf32> to vector<1x16xf32>
      tpu.vector_store %arg11[%swap3A_472, %swap3A_473], %swap3A_476 {strides = array<i32>} : memref<32x512xf32, #tpu.memory_space<vmem>>, vector<1x16xf32>,
      %get3A_477 = arith.index_cast %scan3A_408 : i32 to index
      %get3A_478 = arith.constant 80 : index
      %get3A_479 = tpu.vector_load %arg11[%get3A_477, %get3A_478] {strides = array<i32>} : memref<32x512xf32, #tpu.memory_space<vmem>>, vector<1x16xf32>,
      %get3A_480 = vector.shape_cast %get3A_479 : vector<1x16xf32> to vector<16xf32>
      %mul3A_481 = arith.mulf %get3A_480, %div3A_426 : vector<16xf32>
      %swap3A_482 = arith.index_cast %scan3A_408 : i32 to index
      %swap3A_483 = arith.constant 80 : index
      %swap3A_484 = tpu.vector_load %arg11[%swap3A_482, %swap3A_483] {strides = array<i32>} : memref<32x512xf32, #tpu.memory_space<vmem>>, vector<1x16xf32>,
      %swap3A_485 = vector.shape_cast %swap3A_484 : vector<1x16xf32> to vector<16xf32>
      %swap3A_486 = vector.shape_cast %mul3A_481 : vector<16xf32> to vector<1x16xf32>
      tpu.vector_store %arg11[%swap3A_482, %swap3A_483], %swap3A_486 {strides = array<i32>} : memref<32x512xf32, #tpu.memory_space<vmem>>, vector<1x16xf32>,
      %get3A_487 = arith.index_cast %scan3A_408 : i32 to index
      %get3A_488 = arith.constant 96 : index
      %get3A_489 = tpu.vector_load %arg11[%get3A_487, %get3A_488] {strides = array<i32>} : memref<32x512xf32, #tpu.memory_space<vmem>>, vector<1x16xf32>,
      %get3A_490 = vector.shape_cast %get3A_489 : vector<1x16xf32> to vector<16xf32>
      %mul3A_491 = arith.mulf %get3A_490, %div3A_426 : vector<16xf32>
      %swap3A_492 = arith.index_cast %scan3A_408 : i32 to index
      %swap3A_493 = arith.constant 96 : index
      %swap3A_494 = tpu.vector_load %arg11[%swap3A_492, %swap3A_493] {strides = array<i32>} : memref<32x512xf32, #tpu.memory_space<vmem>>, vector<1x16xf32>,
      %swap3A_495 = vector.shape_cast %swap3A_494 : vector<1x16xf32> to vector<16xf32>
      %swap3A_496 = vector.shape_cast %mul3A_491 : vector<16xf32> to vector<1x16xf32>
      tpu.vector_store %arg11[%swap3A_492, %swap3A_493], %swap3A_496 {strides = array<i32>} : memref<32x512xf32, #tpu.memory_space<vmem>>, vector<1x16xf32>,
      %get3A_497 = arith.index_cast %scan3A_408 : i32 to index
      %get3A_498 = arith.constant 112 : index
      %get3A_499 = tpu.vector_load %arg11[%get3A_497, %get3A_498] {strides = array<i32>} : memref<32x512xf32, #tpu.memory_space<vmem>>, vector<1x16xf32>,
      %get3A_500 = vector.shape_cast %get3A_499 : vector<1x16xf32> to vector<16xf32>
      %mul3A_501 = arith.mulf %get3A_500, %div3A_426 : vector<16xf32>
      %swap3A_502 = arith.index_cast %scan3A_408 : i32 to index
      %swap3A_503 = arith.constant 112 : index
      %swap3A_504 = tpu.vector_load %arg11[%swap3A_502, %swap3A_503] {strides = array<i32>} : memref<32x512xf32, #tpu.memory_space<vmem>>, vector<1x16xf32>,
      %swap3A_505 = vector.shape_cast %swap3A_504 : vector<1x16xf32> to vector<16xf32>
      %swap3A_506 = vector.shape_cast %mul3A_501 : vector<16xf32> to vector<1x16xf32>
      tpu.vector_store %arg11[%swap3A_502, %swap3A_503], %swap3A_506 {strides = array<i32>} : memref<32x512xf32, #tpu.memory_space<vmem>>, vector<1x16xf32>,
      %get3A_507 = arith.index_cast %scan3A_408 : i32 to index
      %get3A_508 = arith.constant 128 : index
      %get3A_509 = tpu.vector_load %arg11[%get3A_507, %get3A_508] {strides = array<i32>} : memref<32x512xf32, #tpu.memory_space<vmem>>, vector<1x16xf32>,
      %get3A_510 = vector.shape_cast %get3A_509 : vector<1x16xf32> to vector<16xf32>
      %mul3A_511 = arith.mulf %get3A_510, %div3A_426 : vector<16xf32>
      %swap3A_512 = arith.index_cast %scan3A_408 : i32 to index
      %swap3A_513 = arith.constant 128 : index
      %swap3A_514 = tpu.vector_load %arg11[%swap3A_512, %swap3A_513] {strides = array<i32>} : memref<32x512xf32, #tpu.memory_space<vmem>>, vector<1x16xf32>,
      %swap3A_515 = vector.shape_cast %swap3A_514 : vector<1x16xf32> to vector<16xf32>
      %swap3A_516 = vector.shape_cast %mul3A_511 : vector<16xf32> to vector<1x16xf32>
      tpu.vector_store %arg11[%swap3A_512, %swap3A_513], %swap3A_516 {strides = array<i32>} : memref<32x512xf32, #tpu.memory_space<vmem>>, vector<1x16xf32>,
      %get3A_517 = arith.index_cast %scan3A_408 : i32 to index
      %get3A_518 = arith.constant 144 : index
      %get3A_519 = tpu.vector_load %arg11[%get3A_517, %get3A_518] {strides = array<i32>} : memref<32x512xf32, #tpu.memory_space<vmem>>, vector<1x16xf32>,
      %get3A_520 = vector.shape_cast %get3A_519 : vector<1x16xf32> to vector<16xf32>
      %mul3A_521 = arith.mulf %get3A_520, %div3A_426 : vector<16xf32>
      %swap3A_522 = arith.index_cast %scan3A_408 : i32 to index
      %swap3A_523 = arith.constant 144 : index
      %swap3A_524 = tpu.vector_load %arg11[%swap3A_522, %swap3A_523] {strides = array<i32>} : memref<32x512xf32, #tpu.memory_space<vmem>>, vector<1x16xf32>,
      %swap3A_525 = vector.shape_cast %swap3A_524 : vector<1x16xf32> to vector<16xf32>
      %swap3A_526 = vector.shape_cast %mul3A_521 : vector<16xf32> to vector<1x16xf32>
      tpu.vector_store %arg11[%swap3A_522, %swap3A_523], %swap3A_526 {strides = array<i32>} : memref<32x512xf32, #tpu.memory_space<vmem>>, vector<1x16xf32>,
      %get3A_527 = arith.index_cast %scan3A_408 : i32 to index
      %get3A_528 = arith.constant 160 : index
      %get3A_529 = tpu.vector_load %arg11[%get3A_527, %get3A_528] {strides = array<i32>} : memref<32x512xf32, #tpu.memory_space<vmem>>, vector<1x16xf32>,
      %get3A_530 = vector.shape_cast %get3A_529 : vector<1x16xf32> to vector<16xf32>
      %mul3A_531 = arith.mulf %get3A_530, %div3A_426 : vector<16xf32>
      %swap3A_532 = arith.index_cast %scan3A_408 : i32 to index
      %swap3A_533 = arith.constant 160 : index
      %swap3A_534 = tpu.vector_load %arg11[%swap3A_532, %swap3A_533] {strides = array<i32>} : memref<32x512xf32, #tpu.memory_space<vmem>>, vector<1x16xf32>,
      %swap3A_535 = vector.shape_cast %swap3A_534 : vector<1x16xf32> to vector<16xf32>
      %swap3A_536 = vector.shape_cast %mul3A_531 : vector<16xf32> to vector<1x16xf32>
      tpu.vector_store %arg11[%swap3A_532, %swap3A_533], %swap3A_536 {strides = array<i32>} : memref<32x512xf32, #tpu.memory_space<vmem>>, vector<1x16xf32>,
      %get3A_537 = arith.index_cast %scan3A_408 : i32 to index
      %get3A_538 = arith.constant 176 : index
      %get3A_539 = tpu.vector_load %arg11[%get3A_537, %get3A_538] {strides = array<i32>} : memref<32x512xf32, #tpu.memory_space<vmem>>, vector<1x16xf32>,
      %get3A_540 = vector.shape_cast %get3A_539 : vector<1x16xf32> to vector<16xf32>
      %mul3A_541 = arith.mulf %get3A_540, %div3A_426 : vector<16xf32>
      %swap3A_542 = arith.index_cast %scan3A_408 : i32 to index
      %swap3A_543 = arith.constant 176 : index
      %swap3A_544 = tpu.vector_load %arg11[%swap3A_542, %swap3A_543] {strides = array<i32>} : memref<32x512xf32, #tpu.memory_space<vmem>>, vector<1x16xf32>,
      %swap3A_545 = vector.shape_cast %swap3A_544 : vector<1x16xf32> to vector<16xf32>
      %swap3A_546 = vector.shape_cast %mul3A_541 : vector<16xf32> to vector<1x16xf32>
      tpu.vector_store %arg11[%swap3A_542, %swap3A_543], %swap3A_546 {strides = array<i32>} : memref<32x512xf32, #tpu.memory_space<vmem>>, vector<1x16xf32>,
      %get3A_547 = arith.index_cast %scan3A_408 : i32 to index
      %get3A_548 = arith.constant 192 : index
      %get3A_549 = tpu.vector_load %arg11[%get3A_547, %get3A_548] {strides = array<i32>} : memref<32x512xf32, #tpu.memory_space<vmem>>, vector<1x16xf32>,
      %get3A_550 = vector.shape_cast %get3A_549 : vector<1x16xf32> to vector<16xf32>
      %mul3A_551 = arith.mulf %get3A_550, %div3A_426 : vector<16xf32>
      %swap3A_552 = arith.index_cast %scan3A_408 : i32 to index
      %swap3A_553 = arith.constant 192 : index
      %swap3A_554 = tpu.vector_load %arg11[%swap3A_552, %swap3A_553] {strides = array<i32>} : memref<32x512xf32, #tpu.memory_space<vmem>>, vector<1x16xf32>,
      %swap3A_555 = vector.shape_cast %swap3A_554 : vector<1x16xf32> to vector<16xf32>
      %swap3A_556 = vector.shape_cast %mul3A_551 : vector<16xf32> to vector<1x16xf32>
      tpu.vector_store %arg11[%swap3A_552, %swap3A_553], %swap3A_556 {strides = array<i32>} : memref<32x512xf32, #tpu.memory_space<vmem>>, vector<1x16xf32>,
      %get3A_557 = arith.index_cast %scan3A_408 : i32 to index
      %get3A_558 = arith.constant 208 : index
      %get3A_559 = tpu.vector_load %arg11[%get3A_557, %get3A_558] {strides = array<i32>} : memref<32x512xf32, #tpu.memory_space<vmem>>, vector<1x16xf32>,
      %get3A_560 = vector.shape_cast %get3A_559 : vector<1x16xf32> to vector<16xf32>
      %mul3A_561 = arith.mulf %get3A_560, %div3A_426 : vector<16xf32>
      %swap3A_562 = arith.index_cast %scan3A_408 : i32 to index
      %swap3A_563 = arith.constant 208 : index
      %swap3A_564 = tpu.vector_load %arg11[%swap3A_562, %swap3A_563] {strides = array<i32>} : memref<32x512xf32, #tpu.memory_space<vmem>>, vector<1x16xf32>,
      %swap3A_565 = vector.shape_cast %swap3A_564 : vector<1x16xf32> to vector<16xf32>
      %swap3A_566 = vector.shape_cast %mul3A_561 : vector<16xf32> to vector<1x16xf32>
      tpu.vector_store %arg11[%swap3A_562, %swap3A_563], %swap3A_566 {strides = array<i32>} : memref<32x512xf32, #tpu.memory_space<vmem>>, vector<1x16xf32>,
      %get3A_567 = arith.index_cast %scan3A_408 : i32 to index
      %get3A_568 = arith.constant 224 : index
      %get3A_569 = tpu.vector_load %arg11[%get3A_567, %get3A_568] {strides = array<i32>} : memref<32x512xf32, #tpu.memory_space<vmem>>, vector<1x16xf32>,
      %get3A_570 = vector.shape_cast %get3A_569 : vector<1x16xf32> to vector<16xf32>
      %mul3A_571 = arith.mulf %get3A_570, %div3A_426 : vector<16xf32>
      %swap3A_572 = arith.index_cast %scan3A_408 : i32 to index
      %swap3A_573 = arith.constant 224 : index
      %swap3A_574 = tpu.vector_load %arg11[%swap3A_572, %swap3A_573] {strides = array<i32>} : memref<32x512xf32, #tpu.memory_space<vmem>>, vector<1x16xf32>,
      %swap3A_575 = vector.shape_cast %swap3A_574 : vector<1x16xf32> to vector<16xf32>
      %swap3A_576 = vector.shape_cast %mul3A_571 : vector<16xf32> to vector<1x16xf32>
      tpu.vector_store %arg11[%swap3A_572, %swap3A_573], %swap3A_576 {strides = array<i32>} : memref<32x512xf32, #tpu.memory_space<vmem>>, vector<1x16xf32>,
      %get3A_577 = arith.index_cast %scan3A_408 : i32 to index
      %get3A_578 = arith.constant 240 : index
      %get3A_579 = tpu.vector_load %arg11[%get3A_577, %get3A_578] {strides = array<i32>} : memref<32x512xf32, #tpu.memory_space<vmem>>, vector<1x16xf32>,
      %get3A_580 = vector.shape_cast %get3A_579 : vector<1x16xf32> to vector<16xf32>
      %mul3A_581 = arith.mulf %get3A_580, %div3A_426 : vector<16xf32>
      %swap3A_582 = arith.index_cast %scan3A_408 : i32 to index
      %swap3A_583 = arith.constant 240 : index
      %swap3A_584 = tpu.vector_load %arg11[%swap3A_582, %swap3A_583] {strides = array<i32>} : memref<32x512xf32, #tpu.memory_space<vmem>>, vector<1x16xf32>,
      %swap3A_585 = vector.shape_cast %swap3A_584 : vector<1x16xf32> to vector<16xf32>
      %swap3A_586 = vector.shape_cast %mul3A_581 : vector<16xf32> to vector<1x16xf32>
      tpu.vector_store %arg11[%swap3A_582, %swap3A_583], %swap3A_586 {strides = array<i32>} : memref<32x512xf32, #tpu.memory_space<vmem>>, vector<1x16xf32>,
      %get3A_587 = arith.index_cast %scan3A_408 : i32 to index
      %get3A_588 = arith.constant 256 : index
      %get3A_589 = tpu.vector_load %arg11[%get3A_587, %get3A_588] {strides = array<i32>} : memref<32x512xf32, #tpu.memory_space<vmem>>, vector<1x16xf32>,
      %get3A_590 = vector.shape_cast %get3A_589 : vector<1x16xf32> to vector<16xf32>
      %mul3A_591 = arith.mulf %get3A_590, %div3A_426 : vector<16xf32>
      %swap3A_592 = arith.index_cast %scan3A_408 : i32 to index
      %swap3A_593 = arith.constant 256 : index
      %swap3A_594 = tpu.vector_load %arg11[%swap3A_592, %swap3A_593] {strides = array<i32>} : memref<32x512xf32, #tpu.memory_space<vmem>>, vector<1x16xf32>,
      %swap3A_595 = vector.shape_cast %swap3A_594 : vector<1x16xf32> to vector<16xf32>
      %swap3A_596 = vector.shape_cast %mul3A_591 : vector<16xf32> to vector<1x16xf32>
      tpu.vector_store %arg11[%swap3A_592, %swap3A_593], %swap3A_596 {strides = array<i32>} : memref<32x512xf32, #tpu.memory_space<vmem>>, vector<1x16xf32>,
      %get3A_597 = arith.index_cast %scan3A_408 : i32 to index
      %get3A_598 = arith.constant 272 : index
      %get3A_599 = tpu.vector_load %arg11[%get3A_597, %get3A_598] {strides = array<i32>} : memref<32x512xf32, #tpu.memory_space<vmem>>, vector<1x16xf32>,
      %get3A_600 = vector.shape_cast %get3A_599 : vector<1x16xf32> to vector<16xf32>
      %mul3A_601 = arith.mulf %get3A_600, %div3A_426 : vector<16xf32>
      %swap3A_602 = arith.index_cast %scan3A_408 : i32 to index
      %swap3A_603 = arith.constant 272 : index
      %swap3A_604 = tpu.vector_load %arg11[%swap3A_602, %swap3A_603] {strides = array<i32>} : memref<32x512xf32, #tpu.memory_space<vmem>>, vector<1x16xf32>,
      %swap3A_605 = vector.shape_cast %swap3A_604 : vector<1x16xf32> to vector<16xf32>
      %swap3A_606 = vector.shape_cast %mul3A_601 : vector<16xf32> to vector<1x16xf32>
      tpu.vector_store %arg11[%swap3A_602, %swap3A_603], %swap3A_606 {strides = array<i32>} : memref<32x512xf32, #tpu.memory_space<vmem>>, vector<1x16xf32>,
      %get3A_607 = arith.index_cast %scan3A_408 : i32 to index
      %get3A_608 = arith.constant 288 : index
      %get3A_609 = tpu.vector_load %arg11[%get3A_607, %get3A_608] {strides = array<i32>} : memref<32x512xf32, #tpu.memory_space<vmem>>, vector<1x16xf32>,
      %get3A_610 = vector.shape_cast %get3A_609 : vector<1x16xf32> to vector<16xf32>
      %mul3A_611 = arith.mulf %get3A_610, %div3A_426 : vector<16xf32>
      %swap3A_612 = arith.index_cast %scan3A_408 : i32 to index
      %swap3A_613 = arith.constant 288 : index
      %swap3A_614 = tpu.vector_load %arg11[%swap3A_612, %swap3A_613] {strides = array<i32>} : memref<32x512xf32, #tpu.memory_space<vmem>>, vector<1x16xf32>,
      %swap3A_615 = vector.shape_cast %swap3A_614 : vector<1x16xf32> to vector<16xf32>
      %swap3A_616 = vector.shape_cast %mul3A_611 : vector<16xf32> to vector<1x16xf32>
      tpu.vector_store %arg11[%swap3A_612, %swap3A_613], %swap3A_616 {strides = array<i32>} : memref<32x512xf32, #tpu.memory_space<vmem>>, vector<1x16xf32>,
      %get3A_617 = arith.index_cast %scan3A_408 : i32 to index
      %get3A_618 = arith.constant 304 : index
      %get3A_619 = tpu.vector_load %arg11[%get3A_617, %get3A_618] {strides = array<i32>} : memref<32x512xf32, #tpu.memory_space<vmem>>, vector<1x16xf32>,
      %get3A_620 = vector.shape_cast %get3A_619 : vector<1x16xf32> to vector<16xf32>
      %mul3A_621 = arith.mulf %get3A_620, %div3A_426 : vector<16xf32>
      %swap3A_622 = arith.index_cast %scan3A_408 : i32 to index
      %swap3A_623 = arith.constant 304 : index
      %swap3A_624 = tpu.vector_load %arg11[%swap3A_622, %swap3A_623] {strides = array<i32>} : memref<32x512xf32, #tpu.memory_space<vmem>>, vector<1x16xf32>,
      %swap3A_625 = vector.shape_cast %swap3A_624 : vector<1x16xf32> to vector<16xf32>
      %swap3A_626 = vector.shape_cast %mul3A_621 : vector<16xf32> to vector<1x16xf32>
      tpu.vector_store %arg11[%swap3A_622, %swap3A_623], %swap3A_626 {strides = array<i32>} : memref<32x512xf32, #tpu.memory_space<vmem>>, vector<1x16xf32>,
      %get3A_627 = arith.index_cast %scan3A_408 : i32 to index
      %get3A_628 = arith.constant 320 : index
      %get3A_629 = tpu.vector_load %arg11[%get3A_627, %get3A_628] {strides = array<i32>} : memref<32x512xf32, #tpu.memory_space<vmem>>, vector<1x16xf32>,
      %get3A_630 = vector.shape_cast %get3A_629 : vector<1x16xf32> to vector<16xf32>
      %mul3A_631 = arith.mulf %get3A_630, %div3A_426 : vector<16xf32>
      %swap3A_632 = arith.index_cast %scan3A_408 : i32 to index
      %swap3A_633 = arith.constant 320 : index
      %swap3A_634 = tpu.vector_load %arg11[%swap3A_632, %swap3A_633] {strides = array<i32>} : memref<32x512xf32, #tpu.memory_space<vmem>>, vector<1x16xf32>,
      %swap3A_635 = vector.shape_cast %swap3A_634 : vector<1x16xf32> to vector<16xf32>
      %swap3A_636 = vector.shape_cast %mul3A_631 : vector<16xf32> to vector<1x16xf32>
      tpu.vector_store %arg11[%swap3A_632, %swap3A_633], %swap3A_636 {strides = array<i32>} : memref<32x512xf32, #tpu.memory_space<vmem>>, vector<1x16xf32>,
      %get3A_637 = arith.index_cast %scan3A_408 : i32 to index
      %get3A_638 = arith.constant 336 : index
      %get3A_639 = tpu.vector_load %arg11[%get3A_637, %get3A_638] {strides = array<i32>} : memref<32x512xf32, #tpu.memory_space<vmem>>, vector<1x16xf32>,
      %get3A_640 = vector.shape_cast %get3A_639 : vector<1x16xf32> to vector<16xf32>
      %mul3A_641 = arith.mulf %get3A_640, %div3A_426 : vector<16xf32>
      %swap3A_642 = arith.index_cast %scan3A_408 : i32 to index
      %swap3A_643 = arith.constant 336 : index
      %swap3A_644 = tpu.vector_load %arg11[%swap3A_642, %swap3A_643] {strides = array<i32>} : memref<32x512xf32, #tpu.memory_space<vmem>>, vector<1x16xf32>,
      %swap3A_645 = vector.shape_cast %swap3A_644 : vector<1x16xf32> to vector<16xf32>
      %swap3A_646 = vector.shape_cast %mul3A_641 : vector<16xf32> to vector<1x16xf32>
      tpu.vector_store %arg11[%swap3A_642, %swap3A_643], %swap3A_646 {strides = array<i32>} : memref<32x512xf32, #tpu.memory_space<vmem>>, vector<1x16xf32>,
      %get3A_647 = arith.index_cast %scan3A_408 : i32 to index
      %get3A_648 = arith.constant 352 : index
      %get3A_649 = tpu.vector_load %arg11[%get3A_647, %get3A_648] {strides = array<i32>} : memref<32x512xf32, #tpu.memory_space<vmem>>, vector<1x16xf32>,
      %get3A_650 = vector.shape_cast %get3A_649 : vector<1x16xf32> to vector<16xf32>
      %mul3A_651 = arith.mulf %get3A_650, %div3A_426 : vector<16xf32>
      %swap3A_652 = arith.index_cast %scan3A_408 : i32 to index
      %swap3A_653 = arith.constant 352 : index
      %swap3A_654 = tpu.vector_load %arg11[%swap3A_652, %swap3A_653] {strides = array<i32>} : memref<32x512xf32, #tpu.memory_space<vmem>>, vector<1x16xf32>,
      %swap3A_655 = vector.shape_cast %swap3A_654 : vector<1x16xf32> to vector<16xf32>
      %swap3A_656 = vector.shape_cast %mul3A_651 : vector<16xf32> to vector<1x16xf32>
      tpu.vector_store %arg11[%swap3A_652, %swap3A_653], %swap3A_656 {strides = array<i32>} : memref<32x512xf32, #tpu.memory_space<vmem>>, vector<1x16xf32>,
      %get3A_657 = arith.index_cast %scan3A_408 : i32 to index
      %get3A_658 = arith.constant 368 : index
      %get3A_659 = tpu.vector_load %arg11[%get3A_657, %get3A_658] {strides = array<i32>} : memref<32x512xf32, #tpu.memory_space<vmem>>, vector<1x16xf32>,
      %get3A_660 = vector.shape_cast %get3A_659 : vector<1x16xf32> to vector<16xf32>
      %mul3A_661 = arith.mulf %get3A_660, %div3A_426 : vector<16xf32>
      %swap3A_662 = arith.index_cast %scan3A_408 : i32 to index
      %swap3A_663 = arith.constant 368 : index
      %swap3A_664 = tpu.vector_load %arg11[%swap3A_662, %swap3A_663] {strides = array<i32>} : memref<32x512xf32, #tpu.memory_space<vmem>>, vector<1x16xf32>,
      %swap3A_665 = vector.shape_cast %swap3A_664 : vector<1x16xf32> to vector<16xf32>
      %swap3A_666 = vector.shape_cast %mul3A_661 : vector<16xf32> to vector<1x16xf32>
      tpu.vector_store %arg11[%swap3A_662, %swap3A_663], %swap3A_666 {strides = array<i32>} : memref<32x512xf32, #tpu.memory_space<vmem>>, vector<1x16xf32>,
      %get3A_667 = arith.index_cast %scan3A_408 : i32 to index
      %get3A_668 = arith.constant 384 : index
      %get3A_669 = tpu.vector_load %arg11[%get3A_667, %get3A_668] {strides = array<i32>} : memref<32x512xf32, #tpu.memory_space<vmem>>, vector<1x16xf32>,
      %get3A_670 = vector.shape_cast %get3A_669 : vector<1x16xf32> to vector<16xf32>
      %mul3A_671 = arith.mulf %get3A_670, %div3A_426 : vector<16xf32>
      %swap3A_672 = arith.index_cast %scan3A_408 : i32 to index
      %swap3A_673 = arith.constant 384 : index
      %swap3A_674 = tpu.vector_load %arg11[%swap3A_672, %swap3A_673] {strides = array<i32>} : memref<32x512xf32, #tpu.memory_space<vmem>>, vector<1x16xf32>,
      %swap3A_675 = vector.shape_cast %swap3A_674 : vector<1x16xf32> to vector<16xf32>
      %swap3A_676 = vector.shape_cast %mul3A_671 : vector<16xf32> to vector<1x16xf32>
      tpu.vector_store %arg11[%swap3A_672, %swap3A_673], %swap3A_676 {strides = array<i32>} : memref<32x512xf32, #tpu.memory_space<vmem>>, vector<1x16xf32>,
      %get3A_677 = arith.index_cast %scan3A_408 : i32 to index
      %get3A_678 = arith.constant 400 : index
      %get3A_679 = tpu.vector_load %arg11[%get3A_677, %get3A_678] {strides = array<i32>} : memref<32x512xf32, #tpu.memory_space<vmem>>, vector<1x16xf32>,
      %get3A_680 = vector.shape_cast %get3A_679 : vector<1x16xf32> to vector<16xf32>
      %mul3A_681 = arith.mulf %get3A_680, %div3A_426 : vector<16xf32>
      %swap3A_682 = arith.index_cast %scan3A_408 : i32 to index
      %swap3A_683 = arith.constant 400 : index
      %swap3A_684 = tpu.vector_load %arg11[%swap3A_682, %swap3A_683] {strides = array<i32>} : memref<32x512xf32, #tpu.memory_space<vmem>>, vector<1x16xf32>,
      %swap3A_685 = vector.shape_cast %swap3A_684 : vector<1x16xf32> to vector<16xf32>
      %swap3A_686 = vector.shape_cast %mul3A_681 : vector<16xf32> to vector<1x16xf32>
      tpu.vector_store %arg11[%swap3A_682, %swap3A_683], %swap3A_686 {strides = array<i32>} : memref<32x512xf32, #tpu.memory_space<vmem>>, vector<1x16xf32>,
      %get3A_687 = arith.index_cast %scan3A_408 : i32 to index
      %get3A_688 = arith.constant 416 : index
      %get3A_689 = tpu.vector_load %arg11[%get3A_687, %get3A_688] {strides = array<i32>} : memref<32x512xf32, #tpu.memory_space<vmem>>, vector<1x16xf32>,
      %get3A_690 = vector.shape_cast %get3A_689 : vector<1x16xf32> to vector<16xf32>
      %mul3A_691 = arith.mulf %get3A_690, %div3A_426 : vector<16xf32>
      %swap3A_692 = arith.index_cast %scan3A_408 : i32 to index
      %swap3A_693 = arith.constant 416 : index
      %swap3A_694 = tpu.vector_load %arg11[%swap3A_692, %swap3A_693] {strides = array<i32>} : memref<32x512xf32, #tpu.memory_space<vmem>>, vector<1x16xf32>,
      %swap3A_695 = vector.shape_cast %swap3A_694 : vector<1x16xf32> to vector<16xf32>
      %swap3A_696 = vector.shape_cast %mul3A_691 : vector<16xf32> to vector<1x16xf32>
      tpu.vector_store %arg11[%swap3A_692, %swap3A_693], %swap3A_696 {strides = array<i32>} : memref<32x512xf32, #tpu.memory_space<vmem>>, vector<1x16xf32>,
      %get3A_697 = arith.index_cast %scan3A_408 : i32 to index
      %get3A_698 = arith.constant 432 : index
      %get3A_699 = tpu.vector_load %arg11[%get3A_697, %get3A_698] {strides = array<i32>} : memref<32x512xf32, #tpu.memory_space<vmem>>, vector<1x16xf32>,
      %get3A_700 = vector.shape_cast %get3A_699 : vector<1x16xf32> to vector<16xf32>
      %mul3A_701 = arith.mulf %get3A_700, %div3A_426 : vector<16xf32>
      %swap3A_702 = arith.index_cast %scan3A_408 : i32 to index
      %swap3A_703 = arith.constant 432 : index
      %swap3A_704 = tpu.vector_load %arg11[%swap3A_702, %swap3A_703] {strides = array<i32>} : memref<32x512xf32, #tpu.memory_space<vmem>>, vector<1x16xf32>,
      %swap3A_705 = vector.shape_cast %swap3A_704 : vector<1x16xf32> to vector<16xf32>
      %swap3A_706 = vector.shape_cast %mul3A_701 : vector<16xf32> to vector<1x16xf32>
      tpu.vector_store %arg11[%swap3A_702, %swap3A_703], %swap3A_706 {strides = array<i32>} : memref<32x512xf32, #tpu.memory_space<vmem>>, vector<1x16xf32>,
      %get3A_707 = arith.index_cast %scan3A_408 : i32 to index
      %get3A_708 = arith.constant 448 : index
      %get3A_709 = tpu.vector_load %arg11[%get3A_707, %get3A_708] {strides = array<i32>} : memref<32x512xf32, #tpu.memory_space<vmem>>, vector<1x16xf32>,
      %get3A_710 = vector.shape_cast %get3A_709 : vector<1x16xf32> to vector<16xf32>
      %mul3A_711 = arith.mulf %get3A_710, %div3A_426 : vector<16xf32>
      %swap3A_712 = arith.index_cast %scan3A_408 : i32 to index
      %swap3A_713 = arith.constant 448 : index
      %swap3A_714 = tpu.vector_load %arg11[%swap3A_712, %swap3A_713] {strides = array<i32>} : memref<32x512xf32, #tpu.memory_space<vmem>>, vector<1x16xf32>,
      %swap3A_715 = vector.shape_cast %swap3A_714 : vector<1x16xf32> to vector<16xf32>
      %swap3A_716 = vector.shape_cast %mul3A_711 : vector<16xf32> to vector<1x16xf32>
      tpu.vector_store %arg11[%swap3A_712, %swap3A_713], %swap3A_716 {strides = array<i32>} : memref<32x512xf32, #tpu.memory_space<vmem>>, vector<1x16xf32>,
      %get3A_717 = arith.index_cast %scan3A_408 : i32 to index
      %get3A_718 = arith.constant 464 : index
      %get3A_719 = tpu.vector_load %arg11[%get3A_717, %get3A_718] {strides = array<i32>} : memref<32x512xf32, #tpu.memory_space<vmem>>, vector<1x16xf32>,
      %get3A_720 = vector.shape_cast %get3A_719 : vector<1x16xf32> to vector<16xf32>
      %mul3A_721 = arith.mulf %get3A_720, %div3A_426 : vector<16xf32>
      %swap3A_722 = arith.index_cast %scan3A_408 : i32 to index
      %swap3A_723 = arith.constant 464 : index
      %swap3A_724 = tpu.vector_load %arg11[%swap3A_722, %swap3A_723] {strides = array<i32>} : memref<32x512xf32, #tpu.memory_space<vmem>>, vector<1x16xf32>,
      %swap3A_725 = vector.shape_cast %swap3A_724 : vector<1x16xf32> to vector<16xf32>
      %swap3A_726 = vector.shape_cast %mul3A_721 : vector<16xf32> to vector<1x16xf32>
      tpu.vector_store %arg11[%swap3A_722, %swap3A_723], %swap3A_726 {strides = array<i32>} : memref<32x512xf32, #tpu.memory_space<vmem>>, vector<1x16xf32>,
      %get3A_727 = arith.index_cast %scan3A_408 : i32 to index
      %get3A_728 = arith.constant 480 : index
      %get3A_729 = tpu.vector_load %arg11[%get3A_727, %get3A_728] {strides = array<i32>} : memref<32x512xf32, #tpu.memory_space<vmem>>, vector<1x16xf32>,
      %get3A_730 = vector.shape_cast %get3A_729 : vector<1x16xf32> to vector<16xf32>
      %mul3A_731 = arith.mulf %get3A_730, %div3A_426 : vector<16xf32>
      %swap3A_732 = arith.index_cast %scan3A_408 : i32 to index
      %swap3A_733 = arith.constant 480 : index
      %swap3A_734 = tpu.vector_load %arg11[%swap3A_732, %swap3A_733] {strides = array<i32>} : memref<32x512xf32, #tpu.memory_space<vmem>>, vector<1x16xf32>,
      %swap3A_735 = vector.shape_cast %swap3A_734 : vector<1x16xf32> to vector<16xf32>
      %swap3A_736 = vector.shape_cast %mul3A_731 : vector<16xf32> to vector<1x16xf32>
      tpu.vector_store %arg11[%swap3A_732, %swap3A_733], %swap3A_736 {strides = array<i32>} : memref<32x512xf32, #tpu.memory_space<vmem>>, vector<1x16xf32>,
      %get3A_737 = arith.index_cast %scan3A_408 : i32 to index
      %get3A_738 = arith.constant 496 : index
      %get3A_739 = tpu.vector_load %arg11[%get3A_737, %get3A_738] {strides = array<i32>} : memref<32x512xf32, #tpu.memory_space<vmem>>, vector<1x16xf32>,
      %get3A_740 = vector.shape_cast %get3A_739 : vector<1x16xf32> to vector<16xf32>
      %mul3A_741 = arith.mulf %get3A_740, %div3A_426 : vector<16xf32>
      %swap3A_742 = arith.index_cast %scan3A_408 : i32 to index
      %swap3A_743 = arith.constant 496 : index
      %swap3A_744 = tpu.vector_load %arg11[%swap3A_742, %swap3A_743] {strides = array<i32>} : memref<32x512xf32, #tpu.memory_space<vmem>>, vector<1x16xf32>,
      %swap3A_745 = vector.shape_cast %swap3A_744 : vector<1x16xf32> to vector<16xf32>
      %swap3A_746 = vector.shape_cast %mul3A_741 : vector<16xf32> to vector<1x16xf32>
      tpu.vector_store %arg11[%swap3A_742, %swap3A_743], %swap3A_746 {strides = array<i32>} : memref<32x512xf32, #tpu.memory_space<vmem>>, vector<1x16xf32>,
    }
    %scan3A_407 = arith.constant 32 : i32
    "tpu.region"() ({
      %run_scoped3A = tpu.sem_alloc : memref<!tpu.dma_semaphore, #tpu.memory_space<semaphore_mem>>
      %dma_start3A = arith.constant 0 : i32
      %dma_start3A_408 = tpu.memref_slice %arg6[%mul3A_2, %dma_start3A] : memref<1024x512xf32, #tpu.memory_space<hbm>> -> memref<32x512xf32, #tpu.memory_space<hbm>>
      %dma_start3A_409 = arith.constant 0 : i32
      %dma_start3A_410 = tpu.memref_slice %arg6[%mul3A_2, %dma_start3A_409] : memref<1024x512xf32, #tpu.memory_space<hbm>> -> memref<32x512xf32, #tpu.memory_space<hbm>>
      tpu.enqueue_dma source(%arg11 : memref<32x512xf32, #tpu.memory_space<vmem>>) target(%dma_start3A_410 : memref<32x512xf32, #tpu.memory_space<hbm>>) target_semaphore(%run_scoped3A : memref<!tpu.dma_semaphore, #tpu.memory_space<semaphore_mem>>)
      %dma_wait3A = arith.constant 0 : i32
      %dma_wait3A_411 = tpu.memref_slice %arg6[%mul3A_2, %dma_wait3A] : memref<1024x512xf32, #tpu.memory_space<hbm>> -> memref<32x512xf32, #tpu.memory_space<hbm>>
      %dma_wait3A_412 = arith.constant 0 : i32
      %dma_wait3A_413 = tpu.memref_slice %arg6[%mul3A_2, %dma_wait3A_412] : memref<1024x512xf32, #tpu.memory_space<hbm>> -> memref<32x512xf32, #tpu.memory_space<hbm>>
      tpu.wait_dma2 semaphore(%run_scoped3A : memref<!tpu.dma_semaphore, #tpu.memory_space<semaphore_mem>>) src(%arg11 : memref<32x512xf32, #tpu.memory_space<vmem>>) dst(%dma_wait3A_413 : memref<32x512xf32, #tpu.memory_space<hbm>>)
      tpu.yield
    }) : () -> ()
    return
  }
}

module attributes {stable_mosaic.version = 14 : i64} {
  func.func @_scores_body(%arg0: i32, %arg1: memref<1024x512xf32, #tpu.memory_space<vmem>>, %arg2: memref<1024xi32, #tpu.memory_space<vmem>>, %arg3: memref<512x512xf32, #tpu.memory_space<vmem>>, %arg4: memref<1x512xf32, #tpu.memory_space<vmem>>, %arg5: memref<1x512xf32, #tpu.memory_space<vmem>>, %arg6: memref<1xf32, #tpu.memory_space<smem>>, %arg7: memref<1x1x1024xf32, #tpu.memory_space<vmem>>, %arg8: memref<1x128xi32, #tpu.memory_space<vmem>>) attributes {dimension_semantics = [#tpu.dimension_semantics<arbitrary>], iteration_bounds = array<i64: 98>, scalar_prefetch = 0 : i64, scratch_operands = 0 : i64, tpu.core_type = #tpu.core_type<tc>, window_params = [{transform_indices = @transform_0, window_bounds = array<i64: 1024, 512>}, {transform_indices = @transform_1, window_bounds = array<i64: 1024>}, {pipeline_mode = #tpu.pipeline_mode<synchronous>, transform_indices = @transform_2, window_bounds = array<i64: 512, 512>}, {pipeline_mode = #tpu.pipeline_mode<synchronous>, transform_indices = @transform_3, window_bounds = array<i64: 1, 512>}, {pipeline_mode = #tpu.pipeline_mode<synchronous>, transform_indices = @transform_4, window_bounds = array<i64: 1, 512>}, {transform_indices = @transform_5, window_bounds = array<i64: 1>}, {transform_indices = @transform_6, window_bounds = array<i64: 1, 1, 1024>}, {pipeline_mode = #tpu.pipeline_mode<synchronous>, transform_indices = @transform_7, window_bounds = array<i64: 1, 128>}]} {
    %get3A = arith.constant 0 : index
    %get3A_0 = arith.constant 0 : index
    %get3A_1 = vector.load %arg1[%get3A, %get3A_0] : memref<1024x512xf32, #tpu.memory_space<vmem>>, vector<1024x512xf32>
    %get3A_2 = arith.constant 0 : index
    %get3A_3 = arith.constant 0 : index
    %get3A_4 = vector.load %arg3[%get3A_2, %get3A_3] : memref<512x512xf32, #tpu.memory_space<vmem>>, vector<512x512xf32>
    %dot_general3A = arith.constant dense<0.000000e+00> : vector<1024x512xf32>
    %dot_general3A_5 = tpu.matmul %get3A_1, %get3A_4, %dot_general3A {dimension_numbers = #tpu.dot_dimension_numbers<[1], [0], [0], [1], [0, 0, 1, 1], [], []>, transpose_lhs_hint = false} : vector<1024x512xf32>, vector<512x512xf32>, vector<1024x512xf32> -> vector<1024x512xf32>
    %get3A_6 = arith.constant 0 : index
    %get3A_7 = arith.constant 0 : index
    %get3A_8 = vector.load %arg4[%get3A_6, %get3A_7] : memref<1x512xf32, #tpu.memory_space<vmem>>, vector<1x512xf32>
    %add3A = vector.broadcast %get3A_8 : vector<1x512xf32> to vector<1024x512xf32>
    %add3A_9 = arith.addf %dot_general3A_5, %add3A : vector<1024x512xf32>
    %tanh3A = math.tanh %add3A_9 : vector<1024x512xf32>
    %get3A_10 = arith.constant 0 : index
    %get3A_11 = arith.constant 0 : index
    %get3A_12 = vector.load %arg5[%get3A_10, %get3A_11] : memref<1x512xf32, #tpu.memory_space<vmem>>, vector<1x512xf32>
    %mul3A = vector.broadcast %get3A_12 : vector<1x512xf32> to vector<1024x512xf32>
    %mul3A_13 = arith.mulf %tanh3A, %mul3A : vector<1024x512xf32>
    %reduce_sum3A = arith.constant dense<0.000000e+00> : vector<1024xf32>
    %reduce_sum3A_14 = vector.multi_reduction <add>, %mul3A_13, %reduce_sum3A [1] : vector<1024x512xf32> to vector<1024xf32>
    %get3A_15 = arith.constant 0 : index
    %get3A_16 = memref.load %arg6[%get3A_15] : memref<1xf32, #tpu.memory_space<smem>>
    %add3A_17 = vector.broadcast %get3A_16 : f32 to vector<1024xf32>
    %add3A_18 = arith.addf %reduce_sum3A_14, %add3A_17 : vector<1024xf32>
    %reshape3A = vector.shape_cast %add3A_18 : vector<1024xf32> to vector<1x1x1024xf32>
    %swap3A = arith.constant 0 : index
    %swap3A_19 = arith.constant 0 : index
    %swap3A_20 = arith.constant 0 : index
    %swap3A_21 = vector.load %arg7[%swap3A, %swap3A_19, %swap3A_20] : memref<1x1x1024xf32, #tpu.memory_space<vmem>>, vector<1x1x1024xf32>
    tpu.vector_store %arg7[%swap3A, %swap3A_19, %swap3A_20], %reshape3A {strides = array<i32>} : memref<1x1x1024xf32, #tpu.memory_space<vmem>>, vector<1x1x1024xf32>,
    %mul3A_22 = arith.constant 1024 : i32
    %mul3A_23 = arith.muli %arg0, %mul3A_22 : i32
    %iota3A = tpu.iota {dimensions = array<i32: 0>} : vector<1024x1xi32>
    %add3A_24 = vector.broadcast %mul3A_23 : i32 to vector<1024x1xi32>
    %add3A_25 = arith.addi %add3A_24, %iota3A : vector<1024x1xi32>
    %iota3A_26 = tpu.iota {dimensions = array<i32: 1>} : vector<1x128xi32>
    %mul3A_27 = arith.constant 32 : i32
    %mul3A_28 = vector.broadcast %mul3A_27 : i32 to vector<1x128xi32>
    %mul3A_29 = arith.muli %mul3A_28, %iota3A_26 : vector<1x128xi32>
    %get3A_30 = arith.constant 0 : index
    %get3A_31 = vector.load %arg2[%get3A_30] : memref<1024xi32, #tpu.memory_space<vmem>>, vector<1024xi32>
    %reshape3A_32 = vector.shape_cast %get3A_31 : vector<1024xi32> to vector<1024x1xi32>
    %lt3A = vector.broadcast %reshape3A_32 : vector<1024x1xi32> to vector<1024x128xi32>
    %lt3A_33 = vector.broadcast %mul3A_29 : vector<1x128xi32> to vector<1024x128xi32>
    %lt3A_34 = arith.cmpi slt, %lt3A, %lt3A_33 : vector<1024x128xi32>
    %lt3A_35 = arith.constant 100000 : i32
    %lt3A_36 = vector.broadcast %lt3A_35 : i32 to vector<1024x1xi32>
    %lt3A_37 = arith.cmpi slt, %add3A_25, %lt3A_36 : vector<1024x1xi32>
    %and3A = vector.broadcast %lt3A_37 : vector<1024x1xi1> to vector<1024x128xi1>
    %and3A_38 = arith.andi %lt3A_34, %and3A : vector<1024x128xi1>
    %convert_element_type3A = arith.extui %and3A_38 : vector<1024x128xi1> to vector<1024x128xi32>
    %reduce_sum3A_39 = arith.constant dense<0> : vector<128xi32>
    %reduce_sum3A_40 = vector.multi_reduction <add>, %convert_element_type3A, %reduce_sum3A_39 [0] : vector<1024x128xi32> to vector<128xi32>
    %reshape3A_41 = vector.shape_cast %reduce_sum3A_40 : vector<128xi32> to vector<1x128xi32>
    %eq3A = arith.constant 0 : i32
    %eq3A_42 = arith.cmpi eq, %arg0, %eq3A : i32
    %convert_element_type3A_43 = arith.extui %eq3A_42 : i1 to i32
    %cond3A = arith.constant 0 : i32
    %cond3A_44 = arith.cmpi ne, %convert_element_type3A_43, %cond3A : i32
    scf.if %cond3A_44 {
      %broadcast_in_dim3A = arith.constant 0 : i32
      %broadcast_in_dim3A_52 = vector.broadcast %broadcast_in_dim3A : i32 to vector<1x128xi32>
      %swap3A_53 = arith.constant 0 : index
      %swap3A_54 = arith.constant 0 : index
      %swap3A_55 = vector.load %arg8[%swap3A_53, %swap3A_54] : memref<1x128xi32, #tpu.memory_space<vmem>>, vector<1x128xi32>
      tpu.vector_store %arg8[%swap3A_53, %swap3A_54], %broadcast_in_dim3A_52 {strides = array<i32>} : memref<1x128xi32, #tpu.memory_space<vmem>>, vector<1x128xi32>,
    } else {
    }
    %get3A_45 = arith.constant 0 : index
    %get3A_46 = arith.constant 0 : index
    %get3A_47 = vector.load %arg8[%get3A_45, %get3A_46] : memref<1x128xi32, #tpu.memory_space<vmem>>, vector<1x128xi32>
    %add3A_48 = arith.addi %get3A_47, %reshape3A_41 : vector<1x128xi32>
    %swap3A_49 = arith.constant 0 : index
    %swap3A_50 = arith.constant 0 : index
    %swap3A_51 = vector.load %arg8[%swap3A_49, %swap3A_50] : memref<1x128xi32, #tpu.memory_space<vmem>>, vector<1x128xi32>
    tpu.vector_store %arg8[%swap3A_49, %swap3A_50], %add3A_48 {strides = array<i32>} : memref<1x128xi32, #tpu.memory_space<vmem>>, vector<1x128xi32>,
    return
  }
  func.func @transform_0(%arg0: i32) -> (i32, i32) {
    %c0_i32 = arith.constant 0 : i32
    %c0_i32_0 = arith.constant 0 : i32
    return %arg0, %c0_i32 : i32, i32
  }
  func.func @transform_1(%arg0: i32) -> i32 {
    %c0_i32 = arith.constant 0 : i32
    return %arg0 : i32
  }
  func.func @transform_2(%arg0: i32) -> (i32, i32) {
    %c0_i32 = arith.constant 0 : i32
    %c0_i32_0 = arith.constant 0 : i32
    %c0_i32_1 = arith.constant 0 : i32
    return %c0_i32, %c0_i32_0 : i32, i32
  }
  func.func @transform_3(%arg0: i32) -> (i32, i32) {
    %c0_i32 = arith.constant 0 : i32
    %c0_i32_0 = arith.constant 0 : i32
    %c0_i32_1 = arith.constant 0 : i32
    return %c0_i32, %c0_i32_0 : i32, i32
  }
  func.func @transform_4(%arg0: i32) -> (i32, i32) {
    %c0_i32 = arith.constant 0 : i32
    %c0_i32_0 = arith.constant 0 : i32
    %c0_i32_1 = arith.constant 0 : i32
    return %c0_i32, %c0_i32_0 : i32, i32
  }
  func.func @transform_5(%arg0: i32) -> i32 {
    %c0_i32 = arith.constant 0 : i32
    %c0_i32_0 = arith.constant 0 : i32
    return %c0_i32 : i32
  }
  func.func @transform_6(%arg0: i32) -> (i32, i32, i32) {
    %c0_i32 = arith.constant 0 : i32
    %c0_i32_0 = arith.constant 0 : i32
    %c0_i32_1 = arith.constant 0 : i32
    return %arg0, %c0_i32, %c0_i32_0 : i32, i32, i32
  }
  func.func @transform_7(%arg0: i32) -> (i32, i32) {
    %c0_i32 = arith.constant 0 : i32
    %c0_i32_0 = arith.constant 0 : i32
    %c0_i32_1 = arith.constant 0 : i32
    return %c0_i32, %c0_i32_0 : i32, i32
  }
}

</mosaic_0001>

<sc_bundles>
// kernel: kernel.4.cloned.1.call-start
scs
__scs_entry_jumppad:
0x0: {  	(pc) =	sbr.rel $0x88, $3  }
0x1: {  	(tag) =	ssettag $0x0;
	lr =	simm.s32 $0x1  }
0x2: {  	[smem:$0x3F9B] =	sst lr;
	_ =	strace $0xD0000000  }
0x3: {  	_ = 	snop  }
0x4: {  	_ = 	snop  }
0x5: {  	_ = 	snop  }
0x6: {  	_ = 	snop  }
0x7: {  	_ = 	snop  }
__scs_overlays_trampoline_lowered:
0x8: {  	[smem:$0x3FAA] =	sst s0  }
0x9: {  	[smem:$0x3FAB] =	sst s1  }
0xa: {  	[smem:$0x3FAC] =	sst s2  }
0xb: {  	[smem:$0x3FAD] =	sst s3  }
0xc: {  	[smem:$0x3FAE] =	sst s4  }
0xd: {  	[smem:$0x3FAF] =	sst s5  }
0xe: {  	[smem:$0x3FB0] =	sst s6  }
0xf: {  	[smem:$0x3FB1] =	sst s7  }
0x10: {  	[smem:$0x3FB2] =	sst s8  }
0x11: {  	[smem:$0x3FB3] =	sst s9;
	s0 =	simm.s32 @!p0 $0x0  }
0x12: {  	s1 =	sld [smem:$0x3F99];
	s0 =	simm.s32 @p0 $0x1  }
0x13: {  	[smem:$0x3FB4] =	sst s0;
	s0 =	simm.s32 @!p1 $0x0  }
0x14: {  	s2 =	sld [smem:$0x3F98];
	s0 =	simm.s32 @p1 $0x1  }
0x15: {  	[smem:$0x3FB5] =	sst s0;
	s0 =	simm.s32 @!p2 $0x0  }
0x16: {  	s3 =	sld [smem:$0x3FDB];
	s0 =	simm.s32 @p2 $0x1  }
0x17: {  	s4 =	simm.s32 $0x1BF5;
	[smem:$0x3FB7] =	sst s0  }
0x18: {  	s0 =	sld [smem:$0x3F9A];
	_ =	swait.ge [sflag:s4], $0x0  }
0x19: {  	s7 =	sld [smem:$0x3F9B]  }
0x1a: {  	s8 =	sadd.s32 $0xFFFFE003, lr  }
0x1b: {  	s9 =	sadd.s32 $0xFFFFFEF7, lr;
	s5 =	simm.s32 $0xFFFFFFFF;
	p2 =	slt.u32 s8, $0xFFFFF086  }
0x1c: {  	p1 =	slt.u32 s9, $0xF7A;
	s5 =	simm.s32 @!p2 $0x0  }
0x1d: {  	s5 =	simm.s32 @p1 $0x1;
	p0 =	seq.s32 s7, s2  }
0x1e: {  	s7 =	smul.u32 @!p0 $0xF7A, s2;
	p2 =	seq.s32 @!p0 s5, $0x0  }
0x1f: {  	s9 =	smul.u32 $0xF7A, s1;
	s8 =	simm.s32 @!p0 $0x1BF5;
	p2 =	por !p2, p0  }
0x20: {  	[sflag:s8] =	ssyncset.s32 @!p0 $0xFFFFF086;
	s6 =	sadd.s32 @!p0 s3, s7;
	s7 =	simm.s32 @!p0 $0x108  }
0x21: {  	s3 =	sadd.s32 s3, s9;
	s6 =	sadd.s32 @!p0 $0x88, s6;
	s7 =	simm.s32 @p2 $0x1082  }
0x22: {  	[simem:s7], [sflag:s8] =	dma.local @!p0 [hbm:s6], $0xF7A  }
0x23: {  	s9 =	sor.u32 $0xD0000000, s2;
	s6 =	simm.s32 $0x108;
	_ =	swait.ge @!p0 [sflag:s8], $0x0  }
0x24: {  	s3 =	sadd.s32 $0x88, s3;
	s6 =	simm.s32 @!p1 $0x1082;
	[sflag:s4] =	ssyncset.s32 $0xFFFFF086  }
0x25: {  	[simem:s6], [sflag:s4] =	dma.local [hbm:s3], $0xF7A  }
0x26: {  	[smem:$0x3F9B] =	sst s1;
	(tag) =	ssettag s2;
	_ =	strace s9  }
0x27: {  	s1 =	sld [smem:$0x3FAB]  }
0x28: {  	s2 =	sld [smem:$0x3FAC]  }
0x29: {  	s4 =	sld [smem:$0x3FAE]  }
0x2a: {  	p0 =	seq.s32 s5, $0x0;
	s5 =	sld [smem:$0x3FAF]  }
0x2b: {  	s6 =	sld [smem:$0x3FB0]  }
0x2c: {  	s7 =	sld [smem:$0x3FB1]  }
0x2d: {  	s3 =	simm.s32 $0x108;
	s8 =	sld [smem:$0x3FB2]  }
0x2e: {  	s3 =	simm.s32 @!p0 $0x1082;
	s9 =	sld [smem:$0x3FB3]  }
0x2f: {  	lr =	sadd.s32 s0, s3;
	s0 =	sld [smem:$0x3FAA]  }
0x30: {  	s3 =	sld [smem:$0x3FAD]  }
0x31: {  	[smem:$0x3FB6] =	sst s10  }
0x32: {  	s10 =	sld [smem:$0x3FB4];
	_ =	sdelay $0x3  }
0x33: {  	p0 =	seq.s32 s10, $0x1;
	s10 =	sld [smem:$0x3FB6];
	_ =	sdelay $0x3  }
0x34: {  	[smem:$0x3FB6] =	sst s10  }
0x35: {  	s10 =	sld [smem:$0x3FB5];
	_ =	sdelay $0x3  }
0x36: {  	p1 =	seq.s32 s10, $0x1;
	s10 =	sld [smem:$0x3FB6];
	_ =	sdelay $0x3  }
0x37: {  	[smem:$0x3FB6] =	sst s10  }
0x38: {  	s10 =	sld [smem:$0x3FB7]  }
0x39: {  	_ = 	snop;
	(pc) =	sbr.ind lr, $3  }
0x3a: {  	_ = 	snop  }
0x3b: {  	_ = 	snop  }
0x3c: {  	p2 =	seq.s32 s10, $0x1;
	s10 =	sld [smem:$0x3FB6]  }
0x3d: {  	_ =	shalt  }
0x3e: {  	_ =	shalt  }
0x3f: {  	_ =	shalt  }
0x40: {  	_ =	shalt  }
0x41: {  	_ =	shalt  }
0x42: {  	_ =	shalt  }
0x43: {  	_ =	shalt  }
0x44: {  	_ =	shalt  }
0x45: {  	_ =	shalt  }
0x46: {  	_ =	shalt  }
0x47: {  	_ =	shalt  }
0x48: {  	_ =	shalt  }
0x49: {  	_ =	shalt  }
0x4a: {  	_ =	shalt  }
0x4b: {  	_ =	shalt  }
0x4c: {  	_ =	shalt  }
0x4d: {  	_ =	shalt  }
0x4e: {  	_ =	shalt  }
0x4f: {  	_ =	shalt  }
0x50: {  	_ =	shalt  }
0x51: {  	_ =	shalt  }
0x52: {  	_ =	shalt  }
0x53: {  	_ =	shalt  }
0x54: {  	_ =	shalt  }
0x55: {  	_ =	shalt  }
0x56: {  	_ =	shalt  }
0x57: {  	_ =	shalt  }
0x58: {  	_ =	shalt  }
0x59: {  	_ =	shalt  }
0x5a: {  	_ =	shalt  }
0x5b: {  	_ =	shalt  }
0x5c: {  	_ =	shalt  }
0x5d: {  	_ =	shalt  }
0x5e: {  	_ =	shalt  }
0x5f: {  	_ =	shalt  }
0x60: {  	_ =	shalt  }
0x61: {  	_ =	shalt  }
0x62: {  	_ =	shalt  }
0x63: {  	_ =	shalt  }
0x64: {  	_ =	shalt  }
0x65: {  	_ =	shalt  }
0x66: {  	_ =	shalt  }
0x67: {  	_ =	shalt  }
0x68: {  	_ =	shalt  }
0x69: {  	_ =	shalt  }
0x6a: {  	_ =	shalt  }
0x6b: {  	_ =	shalt  }
0x6c: {  	_ =	shalt  }
0x6d: {  	_ =	shalt  }
0x6e: {  	_ =	shalt  }
0x6f: {  	_ =	shalt  }
0x70: {  	_ =	shalt  }
0x71: {  	_ =	shalt  }
0x72: {  	_ =	shalt  }
0x73: {  	_ =	shalt  }
0x74: {  	_ =	shalt  }
0x75: {  	_ =	shalt  }
0x76: {  	_ =	shalt  }
0x77: {  	_ =	shalt  }
0x78: {  	_ =	shalt  }
0x79: {  	_ =	shalt  }
0x7a: {  	_ =	shalt  }
0x7b: {  	_ =	shalt  }
0x7c: {  	_ =	shalt  }
0x7d: {  	_ =	shalt  }
0x7e: {  	_ =	shalt  }
0x7f: {  	_ =	shalt  }
0x80: {  	_ =	shalt  }
0x81: {  	_ =	shalt  }
0x82: {  	_ =	shalt  }
0x83: {  	_ =	shalt  }
0x84: {  	_ =	shalt  }
0x85: {  	_ =	shalt  }
0x86: {  	_ =	shalt  }
0x87: {  	_ =	shalt  }
.Lfunc_end0:
.L_simem_size_0:
called_computation_lowered:
.L_overlay_start_0:
0x88: {  	s2 =	sld [smem:$0x3FD9]  }
0x89: {  	s3 =	sld [smem:$0x3FFE];
	_ =	sdelay $0x1  }
0x8a: {  	s1 =	srdreg.scid  }
0x8b: {  	s0 =	sand.u32 $0x1, s1  }
0x8c: {  	s17 =	sshll.u32 s0, $0xA;
	s2 =	sadd.s32 s3, s2  }
0x8d: {  	s2 =	sadd.s32 s2, s17  }
0x8e: {  	[smem:$0x3FC2] =	sst s2  }
0x8f: {  	_ = 	snop  }
0x90: {  	s2 =	sld [smem:$0x3FC9]  }
0x91: {  	s18 =	sld [smem:$0x3FC8]  }
0x92: {  	s4 =	sld [smem:$0x3FD0];
	(tm) =	ssettm $0x1  }
0x93: {  	s5 =	sld [smem:$0x3FFB];
	_ =	sdelay $0x3  }
0x94: {  	_ =	strace s5  }
0x95: {  	s5 =	sld [smem:$0x3FFC];
	_ =	sdelay $0x3  }
0x96: {  	_ =	strace s5  }
0x97: {  	s5 =	sld [smem:$0x3FFD];
	_ =	sdelay $0x3  }
0x98: {  	_ =	strace s5  }
0x99: {  	_ =	strace $0x8FFFFFFF  }
0x9a: {  	s19 =	sld [smem:$0x3FDB];
	_ =	sdelay $0x1  }
0x9b: {  	s6 =	simm.s32 $_scs_section_size  }
0x9c: {  	s7 =	simm.s32 $_size__tile_overlayer_lowered;
	s8 =	simm.s32 $_tile_overlayer_lowered  }
0x9d: {  	s22 =	simm.s32 $0x1BFF;
	s21 =	sshll.u32 s8, $0x1;
	s5 =	sadd.s32 s6, s19  }
0x9e: {  	s9 =	simm.s32 $0x0;
	s20 =	sshll.u32 s7, $0x1;
	s7 =	sadd.s32 s21, s5  }
0x9f: {  	[timem:s9], [sflag:s22] =	dma.local [hbm:s7], s20  }
0xa0: {  	_ =	swait.ge [sflag:s22], s20  }
0xa1: {  	s6 =	ssub.s32 $0x0, s20;
	[sflag:s22] =	ssyncset.done $0x0  }
0xa2: {  	[sflag:s22] =	ssyncadd.s32 s6;
	_ =	sdelay $0x1  }
0xa3: {  	s23 =	simm.s32 $0x1B8B  }
0xa4: {  	_ =	swait.ge [sflag:s23], $0x1  }
0xa5: {  	[sflag:s23] =	ssyncset.done $0x0  }
0xa6: {  	s25 =	simm.s32 $0x1B8E;
	s24 =	sld [smem:$0x3FFE];
	[sflag:s23] =	ssyncadd.s32 $0xFFFFFFFF  }
0xa7: {  	s26 =	simm.s32 $execute0_lowered;
	[smem:$0x3FD2] =	sst s25  }
0xa8: {  	s7 =	sshll.u32 s26, $0x1;
	_ =	strace $0x80000046;
	[dreg:$0x1] =	wrdreg $0xFFFFFFFF  }
0xa9: {  	s28 =	simm.s32 $_size_execute0_lowered;
	s5 =	sadd.s32 s5, s7;
	[dreg:$0x0] =	wrdreg $0x0  }
0xaa: {  	s7 =	sshll.u32 s28, $0x1;
	[dreg:$0x2] =	wrdreg s5  }
0xab: {  	[dreg:$0x3] =	wrdreg s7  }
0xac: {  	[dreg:$0x4] =	wrdreg $0xC0  }
0xad: {  	_ =	task [dreg:s9], $0x5FFFF  }
0xae: {  	[dreg:$0x1] =	wrdreg $0xFFFFFFFF  }
0xaf: {  	[dreg:$0x0] =	wrdreg $0x60  }
0xb0: {  	[dreg:$0x2] =	wrdreg s2  }
0xb1: {  	[dreg:$0x3] =	wrdreg s24  }
0xb2: {  	[dreg:$0x4] =	wrdreg s18  }
0xb3: {  	[dreg:$0x5] =	wrdreg s4  }
0xb4: {  	[dreg:$0x6] =	wrdreg $0x9  }
0xb5: {  	_ =	task.clear_ibuf [dreg:s9], $0x7FFFF;
	_ =	strace $0x90000046  }
0xb6: {  	s29 =	simm.s32 $0x9;
	_ =	strace $0x80000048  }
0xb7: {  	_ =	swait.ge [sflag:s29], $0x1  }
0xb8: {  	[sflag:s29] =	ssyncadd.s32 $0xFFFFFFFF  }
0xb9: {  	_ =	strace $0x90000048  }
0xba: {  	_ =	sfence  }
0xbb: {  	s30 =	sld [smem:$0x0];
	_ =	sdelay $0x2  }
0xbc: {  	s31 =	sshll.u32 s1, $0xD;
	s1 =	sshrl.u32 s1, $0x2  }
0xbd: {  	s3 =	sand.u32 $0x4000, s31;
	s1 =	sadd.s32 s1, s30  }
0xbe: {  	s0 =	sor.u32 s3, s0;
	s1 =	sshll.u32 s1, $0x11  }
0xbf: {  	s0 =	sor.u32 s1, s0  }
0xc0: {  	s0 =	sadd.s32 $0x8F2B, s0  }
0xc1: {  	[sflag:s0] =	ssyncadd.remote.s32 $0x1  }
0xc2: {  	_ =	sfence.sel $0xFFFF  }
0xc3: {  	[dreg:$0x0] =	wrdreg $0xFFFFFFFF;
	(pc) =	sbr.abs _section_cstart, $3  }
0xc4: {  	[dreg:$0x1] =	wrdreg $0xFFFFFFFF  }
0xc5: {  	_ =	task.clear_ibuf [dreg:s9], $0x2FFFF;
	_ =	strace $0x9FFFFFFF  }
0xc6: {  	(tm) =	ssettm $0x7FFFFFFF  }
0xc7: {  	_ =	shalt  }
tec
execute0_lowered:
.L_overlay_start_1:
0x0: {  	(tag) =	ssettag $0x1  }
0x1: {  	s1 =	rddreg [dreg:$0x0]  }
0x2: {  	s0 =	rddreg [dreg:$0x1]  }
0x3: {  	s2 =	rddreg [dreg:$0x2]  }
0x4: {  	s3 =	rddreg [dreg:$0x3];
	s4 =	simm.s32 $0x0;
	s5 =	srdreg.scid  }
0x5: {  	s7 =	stileid.u32;
	s12 =	simm.s32 $0x3;
	s16 =	simm.s32 $0x0  }
0x6: {  	[smem:$0x7FF] =	sst s4;
	s6 =	sand.u32 $0x1, s5;
	s7 =	sshll.u32 s7, $0x1  }
0x7: {  	s5 =	sadd.s32 $0x1200, s0;
	s0 =	sadd.s32 $0x4400, s0;
	s8 =	ssub.s32 $0x2, s6  }
0x8: {  	_ =	strace $0x80000047;
	s6 =	sor.u32 s6, s7;
	s9 =	sshrl.u32 s8, $0x1  }
0x9: {  	[dreg:$0x5] =	wrdreg s0;
	s31 =	sshll.u32 s6, $0xB;
	s30 =	ssub.s32 s8, s9  }
0xa: {  	v0 =	vimm.f32 $0.0e+00;
	vm0 =	vcmask $0x704;
	vm1 =	vmmov $0x1;
	s8 =	sshll.u32 s6, $0x5;
	s9 =	sadd.s32 s3, s31;
	s10 =	smax.u32 s30, $0x1  }
.LBB2_1:
0xb: {  	s0 =	rddreg [dreg:$0x5];
	s3 =	simm.s32 $0x10200  }
0xc: {  	[tilespmem:s3], [sflag:$0x3] =	stream.linear.gather [hbm4b:s0+s4], $0x80, $0x38;
	[tilespmem:$0x15280] =	vst v63  }
0xd: {  	s30 =	sand.u32 $0x3000, s4;
	s31 =	sand.u32 $0x380, s4;
	_ =	swait.ge [sflag:s12], $0x80  }
0xe: {  	s3 =	sor.u32 s31, s30;
	[sflag:s12] =	ssyncset.done $0x0  }
0xf: {  	s0 =	sadd.s32 $0x10280, s3;
	[sflag:s12] =	ssyncadd.s32 $0xFFFFFF80  }
0x10: {  	v1 =	vld [tilespmem:s6+$0x10200];
	[tilespmem:s0+$0x40] =	vst v0  }
0x11: {  	[tilespmem:s0+$0x50] =	vst v0  }
0x12: {  	[tilespmem:s0+$0x60] =	vst v0  }
0x13: {  	[tilespmem:s0+$0x70] =	vst v0  }
0x14: {  	[tilespmem:s0+$0x400] =	vst v0  }
0x15: {  	[tilespmem:s0+$0x410] =	vst v0  }
0x16: {  	[tilespmem:s0+$0x420] =	vst v0  }
0x17: {  	[tilespmem:s0+$0x430] =	vst v0  }
0x18: {  	[tilespmem:s0+$0x440] =	vst v0  }
0x19: {  	[tilespmem:s0+$0x450] =	vst v0  }
0x1a: {  	[tilespmem:s0+$0x460] =	vst v0  }
0x1b: {  	[tilespmem:s0+$0x470] =	vst v0  }
0x1c: {  	[tilespmem:s0+$0x800] =	vst v0  }
0x1d: {  	[tilespmem:s0+$0x810] =	vst v0  }
0x1e: {  	[tilespmem:s0+$0x820] =	vst v0  }
0x1f: {  	[tilespmem:s0+$0x830] =	vst v0  }
0x20: {  	[tilespmem:s0+$0x840] =	vst v0  }
0x21: {  	[tilespmem:s0+$0x850] =	vst v0  }
0x22: {  	[tilespmem:s0+$0x860] =	vst v0  }
0x23: {  	[tilespmem:s0+$0x870] =	vst v0  }
0x24: {  	[tilespmem:s0+$0xC00] =	vst v0  }
0x25: {  	[tilespmem:s0+$0xC10] =	vst v0  }
0x26: {  	[tilespmem:s0+$0xC20] =	vst v0  }
0x27: {  	[tilespmem:s0+$0xC30] =	vst v0  }
0x28: {  	[tilespmem:s0+$0xC40] =	vst v0  }
0x29: {  	[tilespmem:s0+$0xC50] =	vst v0  }
0x2a: {  	[tilespmem:s0+$0xC60] =	vst v0  }
0x2b: {  	[tilespmem:s0+$0xC70] =	vst v0  }
0x2c: {  	[tilespmem:s3+$0x10280] =	vst v0  }
0x2d: {  	s11 =	simm.s32 $0x80;
	s13 =	simm.s32 $0x200;
	s3 =	simm.s32 $0x0;
	[tilespmem:s0+$0x10] =	vst v0  }
.LBB2_2:
0x2e: {  	s14 =	sand.u32 $0x3000, s13;
	s15 =	sand.u32 $0x380, s11;
	p0 =	sne.s32 s13, $0x3E00;
	[tilespmem:s0+$0x20] =	vst v0  }
0x2f: {  	s14 =	sor.u32 s15, s14;
	[tilespmem:s0+$0x30] =	vst v0;
	s15 =	sshra.s32 s3, $0x2;
	s3 =	smov.u32 s13  }
0x30: {  	s0 =	sadd.s32 $0x10280, s14;
	[tilespmem:s15+$0x14280] =	vst v0  }
0x31: {  	[tilespmem:s0+$0x40] =	vst v0  }
0x32: {  	[tilespmem:s0+$0x50] =	vst v0  }
0x33: {  	[tilespmem:s0+$0x60] =	vst v0  }
0x34: {  	[tilespmem:s0+$0x70] =	vst v0  }
0x35: {  	[tilespmem:s0+$0x400] =	vst v0  }
0x36: {  	[tilespmem:s0+$0x410] =	vst v0  }
0x37: {  	[tilespmem:s0+$0x420] =	vst v0  }
0x38: {  	[tilespmem:s0+$0x430] =	vst v0  }
0x39: {  	[tilespmem:s0+$0x440] =	vst v0  }
0x3a: {  	[tilespmem:s0+$0x450] =	vst v0  }
0x3b: {  	[tilespmem:s0+$0x460] =	vst v0  }
0x3c: {  	[tilespmem:s0+$0x470] =	vst v0  }
0x3d: {  	[tilespmem:s0+$0x800] =	vst v0  }
0x3e: {  	[tilespmem:s0+$0x810] =	vst v0  }
0x3f: {  	[tilespmem:s0+$0x820] =	vst v0  }
0x40: {  	[tilespmem:s0+$0x830] =	vst v0  }
0x41: {  	[tilespmem:s0+$0x840] =	vst v0  }
0x42: {  	[tilespmem:s0+$0x850] =	vst v0  }
0x43: {  	[tilespmem:s0+$0x860] =	vst v0  }
0x44: {  	[tilespmem:s0+$0x870] =	vst v0  }
0x45: {  	[tilespmem:s0+$0xC00] =	vst v0  }
0x46: {  	[tilespmem:s0+$0xC10] =	vst v0  }
0x47: {  	[tilespmem:s0+$0xC20] =	vst v0  }
0x48: {  	[tilespmem:s0+$0xC30] =	vst v0  }
0x49: {  	[tilespmem:s0+$0xC40] =	vst v0  }
.Ltmp0:
0x4a: {  	[tilespmem:s0+$0xC50] =	vst v0;
	(pc) =	sbr.rel @p0 .LBB2_2-.Ltmp0, $4  }
0x4b: {  	[tilespmem:s0+$0xC60] =	vst v0  }
0x4c: {  	[tilespmem:s0+$0xC70] =	vst v0  }
0x4d: {  	[tilespmem:s14+$0x10280] =	vst v0  }
0x4e: {  	s11 =	sadd.s32 $0x80, s11;
	s13 =	sadd.s32 $0x200, s13;
	[tilespmem:s0+$0x10] =	vst v0  }
0x4f: {  	(v2sf) =	vpush v1, $0x0;
	_ =	sdelay $0x6  }
0x50: {  	(v2sf) =	vpush v1, $0x1;
	_ =	sdelay $0x7  }
0x51: {  	s18 =	spop (v2sf)  }
0x52: {  	s11 =	sand.u32 $0x7, s18  }
0x53: {  	s13 =	sshra.s32 s18, $0x1F;
	p0 =	slt.s32 s18, $0x1;
	p1 =	sne.s32 s11, $0x0  }
0x54: {  	s28 =	sshrl.u32 s13, $0x1D;
	p0 =	por !p0, !p1  }
0x55: {  	s13 =	simm.s32 $0x1;
	s11 =	sadd.s32 s28, s18;
	p0 =	por !p0, !p0  }
0x56: {  	s11 =	sshrl.u32 s11, $0x3;
	s13 =	simm.s32 @!p0 $0x0  }
0x57: {  	s11 =	ssub.s32 s11, s13  }
0x58: {  	s19 =	spop (v2sf);
	s20 =	sshll.u32 s11, $0x3  }
0x59: {  	s11 =	ssub.s32 s19, s20  }
0x5a: {  	s11 =	sadd.s32 $0x3F, s11  }
0x5b: {  	s29 =	sand.u32 $0x3F, s11  }
0x5c: {  	s30 =	sshra.s32 s11, $0x1F;
	p6 =	slt.s32 s11, $0x1;
	p5 =	sne.s32 s29, $0x0  }
0x5d: {  	s13 =	sshrl.u32 s30, $0x1A;
	p0 =	por !p6, !p5  }
0x5e: {  	s11 =	sadd.s32 s13, s11;
	s13 =	simm.s32 $0x1;
	p0 =	por !p0, !p0  }
0x5f: {  	s11 =	sshra.s32 s11, $0x6;
	s13 =	simm.s32 @!p0 $0x0  }
0x60: {  	s21 =	ssub.s32 s11, s13  }
0x61: {  	p0 =	slt.s32 s21, $0x1  }
.Ltmp1:
0x62: {  	_ = 	snop;
	(pc) =	sbr.rel @p0 .LBB2_4-.Ltmp1, $4  }
0x63: {  	_ = 	snop  }
0x64: {  	[tilespmem:s0+$0x20] =	vst v0  }
0x65: {  	[tilespmem:s0+$0x30] =	vst v0;
	s31 =	sshra.s32 s3, $0x2  }
0x66: {  	s17 =	simm.s32 $0x0;
	[tilespmem:s31+$0x14280] =	vst v0  }
0x67: {  	v1 =	vimm.f32 $0.0e+00;
	v2 =	vimm.f32 $0.0e+00;
	v5 =	vimm.f32 $0.0e+00  }
0x68: {  	p0 =	slt.s32 s20, $0x18660;
	s0 =	smov.u32 s20;
	v4 =	vimm.f32 $0.0e+00;
	v6 =	vimm.f32 $0.0e+00;
	v7 =	vimm.f32 $0.0e+00  }
0x69: {  	v8 =	vimm.f32 $0.0e+00;
	v9 =	vimm.f32 $0.0e+00;
	v13 =	vimm.f32 $0.0e+00;
	s0 =	simm.s32 @!p0 $0x18660  }
0x6a: {  	v14 =	vimm.f32 $0.0e+00;
	v15 =	vimm.f32 $0.0e+00;
	v10 =	vimm.f32 $0.0e+00;
	s3 =	sshll.u32 s0, $0x6  }
0x6b: {  	s22 =	simm.s32 $0x0;
	v16 =	vimm.f32 $0.0e+00;
	v17 =	vimm.f32 $0.0e+00;
	v18 =	vimm.f32 $0.0e+00;
	s3 =	sadd.s32 s1, s3  }
0x6c: {  	v19 =	vimm.f32 $0.0e+00;
	v20 =	vimm.f32 $0.0e+00;
	v21 =	vimm.f32 $0.0e+00;
	[tilespmem:s22], [sflag:$0x1] =	stream.linear.gather [hbm4b:s3+s22], $0x8000, $0x38;
	[tilespmem:$0x15280] =	vst v63  }
.Ltmp2:
0x6d: {  	s7 =	simm.s32 $0x10000;
	v22 =	vimm.f32 $0.0e+00;
	v11 =	vimm.f32 $0.0e+00;
	v23 =	vimm.f32 $0.0e+00;
	s0 =	sshrl.u32 s0, $0x3;
	(pc) =	sbr.rel .LBB2_11-.Ltmp2, $4  }
0x6e: {  	v24 =	vimm.f32 $0.0e+00;
	v25 =	vimm.f32 $0.0e+00;
	v26 =	vimm.f32 $0.0e+00;
	s31 =	simm.s32 $0x10100;
	s23 =	smov.u32 s20;
	s30 =	sadd.s32 s5, s0  }
0x6f: {  	v27 =	vimm.f32 $0.0e+00;
	v28 =	vimm.f32 $0.0e+00;
	v29 =	vimm.f32 $0.0e+00;
	[tilespmem:s7], [sflag:$0x1] =	stream.linear.gather [hbm4b:s30+s22], $0x40, $0x38;
	[tilespmem:$0x15280] =	vst v63  }
0x70: {  	v12 =	vimm.f32 $0.0e+00;
	v30 =	vimm.f32 $0.0e+00;
	v31 =	vimm.f32 $0.0e+00;
	s24 =	simm.s32 $0x0;
	p0 =	por $0x0, $0x0;
	s0 =	sadd.s32 s2, s0  }
0x71: {  	v32 =	vimm.f32 $0.0e+00;
	v33 =	vimm.f32 $0.0e+00;
	v3 =	vimm.f32 $0.0e+00;
	[tilespmem:s31], [sflag:$0x1] =	stream.linear.gather [hbm4b:s0+s22], $0x40, $0x38;
	[tilespmem:$0x15280] =	vst v63  }
.LBB2_10:
0x72: {  	p1 =	seq.s32 s24, s21  }
.Ltmp3:
0x73: {  	_ = 	snop;
	(pc) =	sbr.rel @p1 .LBB2_5-.Ltmp3, $2  }
0x74: {  	_ =	sdelay $0x2  }
0x75: {  	s23 =	sadd.s32 $0x40, s23;
	p0 =	por !p0, !p0  }
.LBB2_11:
0x76: {  	s0 =	sand.u32 $0x1, s24;
	s11 =	sshll.u32 s24, $0x6;
	s24 =	sadd.s32 $0x1, s24  }
0x77: {  	p2 =	slt.s32 s23, $0x18660;
	s25 =	smov.u32 s23;
	s3 =	sadd.s32 $0x1, s0  }
0x78: {  	p1 =	sge.s32 s24, s21;
	s25 =	simm.s32 @!p2 $0x18660;
	_ =	swait.ge [sflag:s3], $0x8000  }
0x79: {  	s31 =	sshll.u32 s0, $0xF;
	s13 =	sshll.u32 @!p1 s24, $0x6;
	[sflag:s3] =	ssyncset.done $0x0  }
0x7a: {  	s14 =	sxor.u32 @!p1 $0x1, s0;
	s13 =	sadd.s32 @!p1 s20, s13;
	[sflag:s3] =	ssyncadd.s32 $0xFFFF8000  }
0x7b: {  	s28 =	simm.s32 @!p1 $0x0;
	p3 =	slt.s32 @!p1 s13, $0x18660;
	_ =	swait.ge [sflag:s3], $0x40  }
0x7c: {  	s0 =	simm.s32 $0x0;
	p2 =	por !p3, p1;
	[sflag:s3] =	ssyncset.done $0x0  }
0x7d: {  	s26 =	sshll.u32 @!p1 s14, $0xF;
	s13 =	simm.s32 @p2 $0x18660;
	[sflag:s3] =	ssyncadd.s32 $0xFFFFFFC0  }
0x7e: {  	s15 =	sshll.u32 @!p1 s13, $0x6;
	s13 =	sshrl.u32 @!p1 s13, $0x3;
	_ =	swait.ge [sflag:s3], $0x40  }
0x7f: {  	s15 =	sadd.s32 @!p1 s1, s15;
	s29 =	sadd.s32 @!p1 s5, s13;
	[sflag:s3] =	ssyncset.done $0x0  }
0x80: {  	[sflag:s3] =	ssyncadd.s32 $0xFFFFFFC0;
	s3 =	sadd.s32 @!p1 $0x1, s14;
	s14 =	sshll.u32 @!p1 s14, $0x7  }
0x81: {  	[tilespmem:s26], [sflag:s3] =	stream.linear.gather @!p1 [hbm4b:s15+s28], $0x8000, $0x38;
	[tilespmem:$0x15280] =	vst v63  }
0x82: {  	s13 =	sadd.s32 @!p1 s2, s13;
	s15 =	simm.s32 $0x1;
	s26 =	sor.u32 @!p1 $0x10000, s14  }
0x83: {  	[tilespmem:s26], [sflag:s3] =	stream.linear.gather @!p1 [hbm4b:s29+s28], $0x40, $0x38;
	[tilespmem:$0x15280] =	vst v63  }
.Ltmp4:
0x84: {  	s15 =	simm.s32 @!p0 $0x0;
	s26 =	sadd.s32 s20, s11;
	(pc) =	sbr.rel .LBB2_12-.Ltmp4, $4  }
0x85: {  	s11 =	sor.u32 @!p1 $0x10100, s14;
	s15 =	sshll.u32 s15, $0x7;
	s14 =	smov.u32 s22  }
0x86: {  	[tilespmem:s11], [sflag:s3] =	stream.linear.gather @!p1 [hbm4b:s13+s28], $0x40, $0x38;
	[tilespmem:$0x15280] =	vst v63  }
0x87: {  	s29 =	sor.u32 $0x10000, s15;
	s30 =	sor.u32 $0x10100, s15;
	p1 =	sgt.s32 s18, s26  }
0x88: {  	s28 =	sadd.s32 $0x40, s26;
	s3 =	simm.s32 $0x0;
	s26 =	smov.u32 @p1 s18  }
.LBB2_14:
0x89: {  	v34 =	vld [tilespmem:s29+$0x0];
	_ =	sdelay $0x1  }
0x8a: {  	v32 =	vmul.f32 s13, v32  }
0x8b: {  	s7 =	sand.u32 $0x7000, s3;
	v30 =	vmul.f32 s13, v30;
	v12 =	vmul.f32 s13, v12  }
0x8c: {  	s11 =	sand.u32 $0x380, s0;
	v29 =	vmul.f32 s13, v29;
	v28 =	vmul.f32 s13, v28;
	s7 =	sadd.s32 s7, s31  }
0x8d: {  	v27 =	vmul.f32 s13, v27;
	s11 =	sadd.s32 s11, s7;
	v34 =	vmul.f32 $1.442695020e+00, v34  }
0x8e: {  	v26 =	vmul.f32 s13, v26;
	v25 =	vmul.f32 s13, v25;
	v35 =	vld [tilespmem:s11+$0x0]  }
0x8f: {  	v24 =	vmul.f32 s13, v24;
	v36 =	vld [tilespmem:s11+$0x10];
	v34 =	vbroadcast v34, $0x0  }
0x90: {  	v23 =	vmul.f32 s13, v23;
	v11 =	vmul.f32 s13, v11;
	v37 =	vld [tilespmem:s11+$0x20]  }
0x91: {  	v22 =	vmul.f32 s13, v22;
	v38 =	vld [tilespmem:s11+$0x30];
	(erf) = vpow2.f32 v34  }
0x92: {  	v21 =	vmul.f32 s13, v21;
	v20 =	vmul.f32 s13, v20;
	v39 =	vld [tilespmem:s11+$0x40]  }
0x93: {  	v19 =	vmul.f32 s13, v19;
	v18 =	vmul.f32 s13, v18;
	v40 =	vld [tilespmem:s11+$0x50]  }
0x94: {  	v17 =	vmul.f32 s13, v17;
	v16 =	vmul.f32 s13, v16;
	v41 =	vld [tilespmem:s11+$0x60]  }
0x95: {  	p1 =	slt.s32 s25, s19;
	p2 =	slt.s32 s25, s28;
	v10 =	vmul.f32 s13, v10;
	v33 =	vmul.f32 s13, v33;
	v42 =	vld [tilespmem:s11+$0x70]  }
0x96: {  	p1 =	por !p1, !p2;
	v31 =	vmul.f32 s13, v31;
	v15 =	vmul.f32 s13, v15;
	v49 =	vld [tilespmem:s11+$0x400]  }
0x97: {  	p6 =	sge.s32 s25, s26;
	v14 =	vmul.f32 s13, v14;
	v13 =	vmul.f32 s13, v13;
	p1 =	por !p1, !p1;
	v51 =	vld [tilespmem:s11+$0x410]  }
0x98: {  	v9 =	vmul.f32 s13, v9;
	v8 =	vmul.f32 s13, v8;
	p1 =	por !p1, !p6;
	v53 =	vld [tilespmem:s11+$0x420]  }
0x99: {  	s14 =	simm.f32 $1.000000000e+00;
	v7 =	vmul.f32 s13, v7;
	v6 =	vmul.f32 s13, v6;
	v55 =	vld [tilespmem:s11+$0x430];
	p1 =	por !p1, !p1  }
0x9a: {  	v4 =	vmul.f32 s13, v4;
	v5 =	vmul.f32 s13, v5;
	v57 =	vld [tilespmem:s11+$0x440];
	s14 =	simm.s32 @!p1 $0x0;
	v34 =	vpop (erf)  }
0x9b: {  	v2 =	vmul.f32 s13, v2;
	v59 =	vld [tilespmem:s11+$0x450];
	v34 =	vmul.f32 s14, v34  }
0x9c: {  	v1 =	vmul.f32 s13, v1;
	v3 =	vmul.f32 s13, v3;
	v61 =	vld [tilespmem:s11+$0x460]  }
0x9d: {  	v63 =	vld [tilespmem:s11+$0x470];
	v35 =	vmul.f32 v34, v35;
	v48 =	vmul.f32 v34, v38  }
0x9e: {  	v46 =	vld [tilespmem:s11+$0x800];
	v36 =	vmul.f32 v34, v36;
	v50 =	vmul.f32 v39, v34  }
0x9f: {  	v37 =	vmul.f32 v34, v37;
	v52 =	vmul.f32 v40, v34;
	v30 =	vadd.f32 v48, v30;
	v48 =	vld [tilespmem:s11+$0x810]  }
0xa0: {  	v54 =	vmul.f32 v41, v34;
	v56 =	vmul.f32 v42, v34;
	v12 =	vadd.f32 v50, v12;
	v50 =	vld [tilespmem:s11+$0x820]  }
0xa1: {  	v58 =	vmul.f32 v49, v34;
	v60 =	vmul.f32 v51, v34;
	v29 =	vadd.f32 v52, v29;
	v52 =	vld [tilespmem:s11+$0x830]  }
0xa2: {  	v62 =	vmul.f32 v53, v34;
	v45 =	vmul.f32 v55, v34;
	v28 =	vadd.f32 v54, v28;
	v54 =	vld [tilespmem:s11+$0x840]  }
0xa3: {  	v47 =	vmul.f32 v57, v34;
	v33 =	vadd.f32 v35, v33;
	v27 =	vadd.f32 v56, v27;
	v56 =	vld [tilespmem:s11+$0x850]  }
0xa4: {  	v49 =	vmul.f32 v59, v34;
	v32 =	vadd.f32 v36, v32;
	v26 =	vadd.f32 v58, v26;
	v58 =	vld [tilespmem:s11+$0x860]  }
0xa5: {  	v51 =	vmul.f32 v61, v34;
	v31 =	vadd.f32 v37, v31;
	v25 =	vadd.f32 v60, v25;
	v60 =	vld [tilespmem:s11+$0x870]  }
0xa6: {  	v53 =	vmul.f32 v63, v34;
	v24 =	vadd.f32 v62, v24;
	v23 =	vadd.f32 v45, v23;
	v62 =	vld [tilespmem:s11+$0xC00]  }
0xa7: {  	v55 =	vmul.f32 v46, v34;
	v11 =	vadd.f32 v47, v11;
	v22 =	vadd.f32 v49, v22;
	v45 =	vld [tilespmem:s11+$0xC10]  }
0xa8: {  	v21 =	vadd.f32 v51, v21;
	v47 =	vld [tilespmem:s11+$0xC20];
	v57 =	vmul.f32 v48, v34;
	v59 =	vmul.f32 v50, v34  }
0xa9: {  	v20 =	vadd.f32 v53, v20;
	v49 =	vld [tilespmem:s11+$0xC30];
	v61 =	vmul.f32 v52, v34;
	v63 =	vmul.f32 v54, v34  }
0xaa: {  	v19 =	vadd.f32 v55, v19;
	v51 =	vld [tilespmem:s11+$0xC40];
	v46 =	vmul.f32 v56, v34;
	v48 =	vmul.f32 v58, v34  }
0xab: {  	v50 =	vmul.f32 v60, v34;
	v54 =	vld [tilespmem:s11+$0xC50];
	v18 =	vadd.f32 v57, v18;
	v17 =	vadd.f32 v59, v17  }
0xac: {  	v52 =	vmul.f32 v62, v34;
	v56 =	vld [tilespmem:s11+$0xC60];
	v16 =	vadd.f32 v61, v16;
	v10 =	vadd.f32 v63, v10  }
0xad: {  	v53 =	vmul.f32 v45, v34;
	v58 =	vld [tilespmem:s11+$0xC70];
	v15 =	vadd.f32 v46, v15;
	v14 =	vadd.f32 v48, v14  }
0xae: {  	s3 =	sadd.s32 $0x200, s3;
	v55 =	vmul.f32 v47, v34;
	v13 =	vadd.f32 v50, v13;
	v9 =	vadd.f32 v52, v9  }
0xaf: {  	p1 =	seq.s32 s3, $0x8000;
	v57 =	vmul.f32 v49, v34;
	v59 =	vmul.f32 v51, v34;
	v61 =	vmov s14  }
.Ltmp5:
0xb0: {  	v8 =	vadd.f32 v53, v8;
	v7 =	vadd.f32 v55, v7;
	v36 =	vnsel vm0, $0x0, v61;
	(pc) =	sbr.rel @p1 .LBB2_10-.Ltmp5, $4  }
0xb1: {  	v6 =	vadd.f32 v57, v6;
	v4 =	vadd.f32 v59, v4;
	v60 =	vmul.f32 v54, v34  }
0xb2: {  	v62 =	vmul.f32 v56, v34;
	v63 =	vmul.f32 v58, v34;
	v34 =	vsel vm1, v34, v36  }
0xb3: {  	s0 =	sadd.s32 $0x80, s0;
	s25 =	sadd.s32 $0x1, s25;
	v3 =	vadd.f32 v34, v3;
	v5 =	vadd.f32 v60, v5  }
0xb4: {  	s29 =	sadd.s32 $0x1, s29;
	s30 =	sadd.s32 $0x1, s30;
	s14 =	smov.u32 s22;
	v2 =	vadd.f32 v62, v2;
	v1 =	vadd.f32 v63, v1  }
.LBB2_12:
0xb5: {  	v34 =	vld [tilespmem:s30+$0x0];
	_ =	sdelay $0x4  }
0xb6: {  	(v2sf) =	vpush v34, $0x0;
	_ =	sdelay $0xe  }
0xb7: {  	s11 =	spop (v2sf)  }
0xb8: {  	s11 =	ssub.s32 s11, s8  }
0xb9: {  	p1 =	sgt.s32 s11, $0x0  }
0xba: {  	s11 =	simm.s32 @!p1 $0x0  }
0xbb: {  	s22 =	smin.u32 s11, $0x1F  }
0xbc: {  	p1 =	seq.s32 s22, s14  }
.Ltmp6:
0xbd: {  	_ = 	snop;
	(pc) =	sbr.rel @p1 .LBB2_14-.Ltmp6, $2  }
0xbe: {  	_ =	sdelay $0x2  }
0xbf: {  	s13 =	simm.f32 $1.000000000e+00  }
0xc0: {  	s11 =	sshll.u32 s14, $0x9;
	s14 =	sshll.u32 s14, $0x7  }
0xc1: {  	s15 =	sand.u32 $0x3000, s11;
	s13 =	sand.u32 $0x380, s14  }
0xc2: {  	s7 =	sor.u32 s13, s15  }
0xc3: {  	v34 =	vld [tilespmem:s7+$0x10280];
	s13 =	sadd.s32 $0x10280, s7  }
0xc4: {  	v37 =	vld [tilespmem:s13+$0x50]  }
0xc5: {  	v38 =	vld [tilespmem:s13+$0x60]  }
0xc6: {  	v39 =	vld [tilespmem:s13+$0x70]  }
0xc7: {  	v40 =	vld [tilespmem:s13+$0x400]  }
0xc8: {  	v51 =	vld [tilespmem:s13+$0x410];
	v34 =	vadd.f32 v34, v33  }
0xc9: {  	v53 =	vld [tilespmem:s13+$0x420];
	v52 =	vadd.f32 v37, v29  }
0xca: {  	v55 =	vld [tilespmem:s13+$0x430];
	v54 =	vadd.f32 v38, v28;
	[tilespmem:s7+$0x10280] =	vst v34  }
0xcb: {  	v57 =	vld [tilespmem:s13+$0x450];
	v56 =	vadd.f32 v39, v27;
	[tilespmem:s13+$0x50] =	vst v52  }
0xcc: {  	v59 =	vld [tilespmem:s13+$0x460];
	v58 =	vadd.f32 v40, v26;
	[tilespmem:s13+$0x60] =	vst v54  }
0xcd: {  	v49 =	vld [tilespmem:s13+$0x830];
	v60 =	vadd.f32 v51, v25;
	[tilespmem:s13+$0x70] =	vst v56  }
0xce: {  	v63 =	vld [tilespmem:s13+$0x800];
	v62 =	vadd.f32 v53, v24;
	[tilespmem:s13+$0x400] =	vst v58  }
0xcf: {  	v45 =	vld [tilespmem:s13+$0x810];
	v44 =	vadd.f32 v55, v23;
	[tilespmem:s13+$0x410] =	vst v60  }
0xd0: {  	v47 =	vld [tilespmem:s13+$0x820];
	v46 =	vadd.f32 v57, v22;
	[tilespmem:s13+$0x420] =	vst v62  }
0xd1: {  	v48 =	vadd.f32 v59, v21;
	v51 =	vld [tilespmem:s13+$0x850];
	[tilespmem:s13+$0x430] =	vst v44  }
0xd2: {  	v53 =	vld [tilespmem:s13+$0x860];
	v57 =	vadd.f32 v49, v16;
	[tilespmem:s13+$0x450] =	vst v46  }
0xd3: {  	v34 =	vld [tilespmem:s13+$0x10];
	[tilespmem:s13+$0x460] =	vst v48;
	v52 =	vadd.f32 v63, v19  }
0xd4: {  	v36 =	vld [tilespmem:s13+$0x30];
	v54 =	vadd.f32 v45, v18;
	[tilespmem:s13+$0x830] =	vst v57  }
0xd5: {  	v35 =	vld [tilespmem:s13+$0x20];
	v56 =	vadd.f32 v47, v17;
	[tilespmem:s13+$0x800] =	vst v52  }
0xd6: {  	v61 =	vld [tilespmem:s13+$0x470];
	[tilespmem:s13+$0x810] =	vst v54;
	v58 =	vadd.f32 v51, v15  }
0xd7: {  	v55 =	vld [tilespmem:s13+$0x870];
	[tilespmem:s13+$0x820] =	vst v56;
	v59 =	vadd.f32 v53, v14  }
0xd8: {  	v34 =	vadd.f32 v34, v32;
	[tilespmem:s13+$0x850] =	vst v58  }
0xd9: {  	v50 =	vadd.f32 v36, v30;
	[tilespmem:s13+$0x860] =	vst v59  }
0xda: {  	v35 =	vadd.f32 v35, v31;
	[tilespmem:s13+$0x10] =	vst v34  }
0xdb: {  	[tilespmem:s13+$0x30] =	vst v50;
	v50 =	vadd.f32 v61, v20  }
0xdc: {  	v60 =	vld [tilespmem:s13+$0x40];
	[tilespmem:s13+$0x20] =	vst v35;
	v61 =	vadd.f32 v55, v13  }
0xdd: {  	s7 =	sor.u32 s14, s15;
	v62 =	vld [tilespmem:s13+$0x440];
	[tilespmem:s13+$0x470] =	vst v50  }
0xde: {  	v63 =	vld [tilespmem:s13+$0x840];
	s14 =	sor.u32 $0xC00, s7;
	[tilespmem:s13+$0x870] =	vst v61  }
0xdf: {  	v35 =	vld [tilespmem:s14+$0x10280];
	_ =	sdelay $0x1  }
0xe0: {  	v36 =	vadd.f32 v60, v12  }
0xe1: {  	v37 =	vadd.f32 v62, v11  }
0xe2: {  	[tilespmem:s13+$0x40] =	vst v36;
	v34 =	vadd.f32 v63, v10  }
0xe3: {  	[tilespmem:s13+$0x440] =	vst v37;
	v35 =	vadd.f32 v35, v9  }
0xe4: {  	[tilespmem:s13+$0x840] =	vst v34  }
0xe5: {  	s15 =	sor.u32 $0xC10, s7;
	[tilespmem:s14+$0x10280] =	vst v35  }
0xe6: {  	v34 =	vld [tilespmem:s15+$0x10280];
	_ =	sdelay $0x4  }
0xe7: {  	v34 =	vadd.f32 v34, v8;
	_ =	sdelay $0x1  }
0xe8: {  	s14 =	sor.u32 $0xC20, s7;
	[tilespmem:s15+$0x10280] =	vst v34  }
0xe9: {  	v34 =	vld [tilespmem:s14+$0x10280];
	_ =	sdelay $0x4  }
0xea: {  	v34 =	vadd.f32 v34, v7;
	_ =	sdelay $0x1  }
0xeb: {  	s15 =	sor.u32 $0xC30, s7;
	[tilespmem:s14+$0x10280] =	vst v34  }
0xec: {  	v34 =	vld [tilespmem:s15+$0x10280];
	_ =	sdelay $0x4  }
0xed: {  	v34 =	vadd.f32 v34, v6;
	_ =	sdelay $0x1  }
0xee: {  	s14 =	sor.u32 $0xC40, s7;
	[tilespmem:s15+$0x10280] =	vst v34  }
0xef: {  	v34 =	vld [tilespmem:s14+$0x10280];
	_ =	sdelay $0x4  }
0xf0: {  	v34 =	vadd.f32 v34, v4;
	_ =	sdelay $0x1  }
0xf1: {  	s15 =	sor.u32 $0xC50, s7;
	[tilespmem:s14+$0x10280] =	vst v34  }
0xf2: {  	v34 =	vld [tilespmem:s15+$0x10280];
	_ =	sdelay $0x4  }
0xf3: {  	v34 =	vadd.f32 v34, v5;
	_ =	sdelay $0x1  }
0xf4: {  	s14 =	sor.u32 $0xC60, s7;
	[tilespmem:s15+$0x10280] =	vst v34  }
0xf5: {  	v34 =	vld [tilespmem:s14+$0x10280];
	_ =	sdelay $0x4  }
0xf6: {  	v34 =	vadd.f32 v34, v2;
	_ =	sdelay $0x1  }
0xf7: {  	s7 =	sor.u32 $0xC70, s7;
	[tilespmem:s14+$0x10280] =	vst v34  }
0xf8: {  	v34 =	vld [tilespmem:s7+$0x10280];
	_ =	sdelay $0x4  }
0xf9: {  	v34 =	vadd.f32 v34, v1;
	_ =	sdelay $0x1  }
0xfa: {  	s15 =	sshrl.u32 s11, $0x2;
	[tilespmem:s7+$0x10280] =	vst v34  }
0xfb: {  	v34 =	vld [tilespmem:s15+$0x14280];
	_ =	sdelay $0x2  }
.Ltmp7:
0xfc: {  	_ = 	snop;
	(pc) =	sbr.rel .LBB2_14-.Ltmp7, $3  }
0xfd: {  	_ = 	snop  }
0xfe: {  	v34 =	vadd.f32 v34, v3;
	_ =	sdelay $0x1  }
0xff: {  	s13 =	simm.f32 $0.0e+00;
	[tilespmem:s15+$0x14280] =	vst v34  }
.LBB2_4:
0x100: {  	v3 =	vimm.f32 $0.0e+00;
	v33 =	vimm.f32 $0.0e+00;
	v32 =	vimm.f32 $0.0e+00  }
0x101: {  	v31 =	vimm.f32 $0.0e+00;
	v30 =	vimm.f32 $0.0e+00;
	v12 =	vimm.f32 $0.0e+00  }
0x102: {  	v29 =	vimm.f32 $0.0e+00;
	v28 =	vimm.f32 $0.0e+00;
	v27 =	vimm.f32 $0.0e+00  }
0x103: {  	v26 =	vimm.f32 $0.0e+00;
	v25 =	vimm.f32 $0.0e+00;
	v24 =	vimm.f32 $0.0e+00  }
0x104: {  	v23 =	vimm.f32 $0.0e+00;
	v11 =	vimm.f32 $0.0e+00;
	v22 =	vimm.f32 $0.0e+00  }
0x105: {  	v21 =	vimm.f32 $0.0e+00;
	v20 =	vimm.f32 $0.0e+00;
	v19 =	vimm.f32 $0.0e+00  }
0x106: {  	v18 =	vimm.f32 $0.0e+00;
	v17 =	vimm.f32 $0.0e+00;
	v16 =	vimm.f32 $0.0e+00  }
0x107: {  	v10 =	vimm.f32 $0.0e+00;
	v15 =	vimm.f32 $0.0e+00;
	v14 =	vimm.f32 $0.0e+00  }
0x108: {  	v13 =	vimm.f32 $0.0e+00;
	v9 =	vimm.f32 $0.0e+00;
	v8 =	vimm.f32 $0.0e+00  }
0x109: {  	v7 =	vimm.f32 $0.0e+00;
	v6 =	vimm.f32 $0.0e+00;
	v4 =	vimm.f32 $0.0e+00  }
0x10a: {  	s22 =	simm.s32 $0x0;
	v5 =	vimm.f32 $0.0e+00;
	v2 =	vimm.f32 $0.0e+00;
	v1 =	vimm.f32 $0.0e+00  }
.LBB2_5:
0x10b: {  	s0 =	sshll.u32 s22, $0x9;
	s11 =	sshll.u32 s22, $0x7  }
0x10c: {  	s13 =	sand.u32 $0x3000, s0;
	s3 =	sand.u32 $0x380, s11  }
0x10d: {  	s7 =	sor.u32 s3, s13  }
0x10e: {  	v34 =	vld [tilespmem:s7+$0x10280];
	s3 =	sadd.s32 $0x10280, s7  }
0x10f: {  	v36 =	vld [tilespmem:s3+$0x50]  }
0x110: {  	v37 =	vld [tilespmem:s3+$0x60]  }
0x111: {  	v49 =	vld [tilespmem:s3+$0x70]  }
0x112: {  	v50 =	vld [tilespmem:s3+$0x400]  }
0x113: {  	v51 =	vld [tilespmem:s3+$0x410];
	v33 =	vadd.f32 v34, v33  }
0x114: {  	v52 =	vld [tilespmem:s3+$0x420];
	v29 =	vadd.f32 v36, v29  }
0x115: {  	v53 =	vld [tilespmem:s3+$0x430];
	v28 =	vadd.f32 v37, v28;
	[tilespmem:s7+$0x10280] =	vst v33  }
0x116: {  	v54 =	vld [tilespmem:s3+$0x450];
	v27 =	vadd.f32 v49, v27;
	[tilespmem:s3+$0x50] =	vst v29  }
0x117: {  	v55 =	vld [tilespmem:s3+$0x460];
	v26 =	vadd.f32 v50, v26;
	[tilespmem:s3+$0x60] =	vst v28  }
0x118: {  	v56 =	vld [tilespmem:s3+$0x470];
	v25 =	vadd.f32 v51, v25;
	[tilespmem:s3+$0x70] =	vst v27  }
0x119: {  	v57 =	vld [tilespmem:s3+$0x800];
	v24 =	vadd.f32 v52, v24;
	[tilespmem:s3+$0x400] =	vst v26  }
0x11a: {  	v58 =	vld [tilespmem:s3+$0x810];
	v23 =	vadd.f32 v53, v23;
	[tilespmem:s3+$0x410] =	vst v25  }
0x11b: {  	v59 =	vld [tilespmem:s3+$0x820];
	v22 =	vadd.f32 v54, v22;
	[tilespmem:s3+$0x420] =	vst v24  }
0x11c: {  	v60 =	vld [tilespmem:s3+$0x830];
	v21 =	vadd.f32 v55, v21;
	[tilespmem:s3+$0x430] =	vst v23  }
0x11d: {  	v61 =	vld [tilespmem:s3+$0x850];
	v20 =	vadd.f32 v56, v20;
	[tilespmem:s3+$0x450] =	vst v22  }
0x11e: {  	v62 =	vld [tilespmem:s3+$0x860];
	v19 =	vadd.f32 v57, v19;
	[tilespmem:s3+$0x460] =	vst v21  }
0x11f: {  	v63 =	vld [tilespmem:s3+$0x870];
	v18 =	vadd.f32 v58, v18;
	[tilespmem:s3+$0x470] =	vst v20  }
0x120: {  	v17 =	vadd.f32 v59, v17;
	v33 =	vld [tilespmem:s3+$0x10];
	[tilespmem:s3+$0x800] =	vst v19  }
0x121: {  	v16 =	vadd.f32 v60, v16;
	v48 =	vld [tilespmem:s3+$0x20];
	[tilespmem:s3+$0x810] =	vst v18  }
0x122: {  	v15 =	vadd.f32 v61, v15;
	v35 =	vld [tilespmem:s3+$0x30];
	[tilespmem:s3+$0x820] =	vst v17  }
0x123: {  	v14 =	vadd.f32 v62, v14;
	[tilespmem:s3+$0x830] =	vst v16  }
0x124: {  	v13 =	vadd.f32 v63, v13;
	[tilespmem:s3+$0x850] =	vst v15  }
0x125: {  	[tilespmem:s3+$0x860] =	vst v14;
	v32 =	vadd.f32 v33, v32  }
0x126: {  	[tilespmem:s3+$0x870] =	vst v13;
	v31 =	vadd.f32 v48, v31  }
0x127: {  	v16 =	vld [tilespmem:s3+$0x40];
	v30 =	vadd.f32 v35, v30;
	[tilespmem:s3+$0x10] =	vst v32  }
0x128: {  	s19 =	sor.u32 s11, s13;
	v15 =	vld [tilespmem:s3+$0x440];
	[tilespmem:s3+$0x20] =	vst v31  }
0x129: {  	s11 =	sor.u32 $0xC00, s19;
	v14 =	vld [tilespmem:s3+$0x840];
	[tilespmem:s3+$0x30] =	vst v30  }
0x12a: {  	v13 =	vld [tilespmem:s11+$0x10280];
	_ =	sdelay $0x1  }
0x12b: {  	v12 =	vadd.f32 v16, v12  }
0x12c: {  	v11 =	vadd.f32 v15, v11  }
0x12d: {  	v10 =	vadd.f32 v14, v10;
	[tilespmem:s3+$0x40] =	vst v12  }
0x12e: {  	[tilespmem:s3+$0x440] =	vst v11;
	v9 =	vadd.f32 v13, v9  }
0x12f: {  	[tilespmem:s3+$0x840] =	vst v10  }
0x130: {  	s20 =	sor.u32 $0xC10, s19;
	[tilespmem:s11+$0x10280] =	vst v9  }
0x131: {  	v9 =	vld [tilespmem:s20+$0x10280];
	_ =	sdelay $0x4  }
0x132: {  	v8 =	vadd.f32 v9, v8;
	_ =	sdelay $0x1  }
0x133: {  	s21 =	sor.u32 $0xC20, s19;
	[tilespmem:s20+$0x10280] =	vst v8  }
0x134: {  	v8 =	vld [tilespmem:s21+$0x10280];
	_ =	sdelay $0x4  }
0x135: {  	v7 =	vadd.f32 v8, v7;
	_ =	sdelay $0x1  }
0x136: {  	s22 =	sor.u32 $0xC30, s19;
	[tilespmem:s21+$0x10280] =	vst v7  }
0x137: {  	v7 =	vld [tilespmem:s22+$0x10280];
	_ =	sdelay $0x4  }
0x138: {  	v6 =	vadd.f32 v7, v6;
	_ =	sdelay $0x1  }
0x139: {  	s23 =	sor.u32 $0xC40, s19;
	[tilespmem:s22+$0x10280] =	vst v6  }
0x13a: {  	v6 =	vld [tilespmem:s23+$0x10280];
	_ =	sdelay $0x4  }
0x13b: {  	v4 =	vadd.f32 v6, v4;
	_ =	sdelay $0x1  }
0x13c: {  	s24 =	sor.u32 $0xC50, s19;
	[tilespmem:s23+$0x10280] =	vst v4  }
0x13d: {  	v4 =	vld [tilespmem:s24+$0x10280];
	_ =	sdelay $0x4  }
0x13e: {  	v4 =	vadd.f32 v4, v5;
	_ =	sdelay $0x1  }
0x13f: {  	s25 =	sor.u32 $0xC60, s19;
	[tilespmem:s24+$0x10280] =	vst v4  }
0x140: {  	v4 =	vld [tilespmem:s25+$0x10280];
	_ =	sdelay $0x4  }
0x141: {  	v2 =	vadd.f32 v4, v2;
	_ =	sdelay $0x1  }
0x142: {  	s26 =	sor.u32 $0xC70, s19;
	[tilespmem:s25+$0x10280] =	vst v2  }
0x143: {  	v2 =	vld [tilespmem:s26+$0x10280];
	_ =	sdelay $0x4  }
0x144: {  	v1 =	vadd.f32 v2, v1;
	_ =	sdelay $0x1  }
0x145: {  	s0 =	sshrl.u32 s0, $0x2;
	[tilespmem:s26+$0x10280] =	vst v1  }
0x146: {  	v1 =	vld [tilespmem:s0+$0x14280];
	_ =	sdelay $0x4  }
0x147: {  	v1 =	vadd.f32 v1, v3;
	_ =	sdelay $0x1  }
0x148: {  	s28 =	simm.s32 $0x0;
	[tilespmem:s0+$0x14280] =	vst v1  }
0x149: {  	v1 =	vld [tilespmem:s28+$0x14280];
	_ =	sdelay $0x4  }
0x14a: {  	(v2sf) =	vpush v1, $0x0;
	_ =	sdelay $0x9  }
0x14b: {  	s29 =	sand.u32 $0x3000, s17;
	s30 =	sand.u32 $0x380, s17  }
0x14c: {  	s11 =	sor.u32 s30, s29  }
0x14d: {  	s0 =	sadd.s32 $0x10280, s11;
	v13 =	vld [tilespmem:s11+$0x10280]  }
0x14e: {  	v6 =	vld [tilespmem:s0+$0x420]  }
0x14f: {  	v3 =	vld [tilespmem:s0+$0xC30]  }
0x150: {  	v2 =	vld [tilespmem:s0+$0xC10];
	v1 =	vmax.f32 v1, $1.000000000e+00;
	s31 =	spop (v2sf)  }
0x151: {  	v5 =	vld [tilespmem:s0+$0x60];
	v8 =	vbroadcast v1, $0x1;
	s3 =	sadd.f32 $1.000000020e-16, s31  }
0x152: {  	v4 =	vld [tilespmem:s0+$0x70]  }
0x153: {  	v7 =	vld [tilespmem:s0+$0x50];
	v8 =	vmul.f32 s3, v8  }
0x154: {  	v14 =	vld [tilespmem:s0+$0x870]  }
0x155: {  	v11 =	vld [tilespmem:s0+$0xC50];
	(erf) = vrcp.f32 v8  }
0x156: {  	v10 =	vld [tilespmem:s0+$0xC40]  }
0x157: {  	v9 =	vld [tilespmem:s0+$0x850]  }
0x158: {  	v15 =	vld [tilespmem:s0+$0xC00]  }
0x159: {  	v12 =	vld [tilespmem:s0+$0x470]  }
0x15a: {  	v16 =	vld [tilespmem:s0+$0x460]  }
0x15b: {  	v1 =	vld [tilespmem:s0+$0xC20]  }
0x15c: {  	s3 =	simm.s32 $0x200;
	v8 =	vld [tilespmem:s0+$0x860]  }
.LBB2_6:
0x15d: {  	p0 =	sne.s32 s3, $0x3E00  }
0x15e: {  	v17 =	vld [tilespmem:s0+$0x450];
	s17 =	sadd.s32 $0x80, s17;
	v18 =	vpop (erf);
	s13 =	smov.u32 s3;
	s3 =	sadd.s32 $0x200, s3  }
0x15f: {  	v13 =	vmul.f32 v18, v13;
	v19 =	vld [tilespmem:s0+$0x830];
	v9 =	vmul.f32 v9, v18  }
0x160: {  	v14 =	vmul.f32 v14, v18;
	v15 =	vmul.f32 v15, v18  }
0x161: {  	v2 =	vmul.f32 v2, v18;
	[tilespmem:s11+$0x10280] =	vst v13;
	v13 =	vmul.f32 v16, v18;
	v16 =	vld [tilespmem:s0+$0x840]  }
0x162: {  	v3 =	vmul.f32 v3, v18;
	v10 =	vmul.f32 v10, v18;
	v20 =	vld [tilespmem:s0+$0x20];
	[tilespmem:s0+$0x870] =	vst v14  }
0x163: {  	v6 =	vmul.f32 v6, v18;
	v11 =	vmul.f32 v11, v18;
	v14 =	vld [tilespmem:s0+$0x400];
	[tilespmem:s0+$0x460] =	vst v13  }
0x164: {  	v12 =	vmul.f32 v12, v18;
	v17 =	vmul.f32 v17, v18;
	v13 =	vld [tilespmem:s0+$0x410];
	[tilespmem:s0+$0xC00] =	vst v15  }
0x165: {  	v7 =	vmul.f32 v7, v18;
	v15 =	vld [tilespmem:s0+$0x430];
	[tilespmem:s0+$0xC50] =	vst v11  }
0x166: {  	v5 =	vmul.f32 v5, v18;
	v11 =	vld [tilespmem:s0+$0x440];
	[tilespmem:s0+$0x450] =	vst v17;
	v17 =	vmul.f32 v19, v18  }
0x167: {  	v4 =	vmul.f32 v4, v18;
	v19 =	vld [tilespmem:s0+$0x30];
	[tilespmem:s0+$0x420] =	vst v6;
	v6 =	vmul.f32 v8, v18  }
0x168: {  	v8 =	vmul.f32 v18, v20;
	[tilespmem:s0+$0x50] =	vst v7;
	v7 =	vmul.f32 v14, v18  }
0x169: {  	[tilespmem:s0+$0x60] =	vst v5;
	v5 =	vmul.f32 v13, v18;
	v13 =	vmul.f32 v16, v18  }
0x16a: {  	[tilespmem:s0+$0x70] =	vst v4;
	v4 =	vmul.f32 v15, v18  }
0x16b: {  	v11 =	vmul.f32 v11, v18;
	[tilespmem:s0+$0x470] =	vst v12  }
0x16c: {  	v12 =	vmul.f32 v19, v18;
	[tilespmem:s0+$0xC40] =	vst v10  }
0x16d: {  	[tilespmem:s0+$0x400] =	vst v7  }
0x16e: {  	v7 =	vld [tilespmem:s0+$0x10];
	[tilespmem:s0+$0x830] =	vst v17  }
0x16f: {  	v10 =	vld [tilespmem:s0+$0x40];
	[tilespmem:s0+$0x430] =	vst v4  }
0x170: {  	[tilespmem:s0+$0x410] =	vst v5;
	v4 =	vld [tilespmem:s0+$0x810]  }
0x171: {  	[tilespmem:s0+$0x440] =	vst v11;
	v5 =	vld [tilespmem:s0+$0x800]  }
0x172: {  	[tilespmem:s0+$0x860] =	vst v6;
	v6 =	vld [tilespmem:s0+$0xC60]  }
0x173: {  	v7 =	vmul.f32 v18, v7;
	[tilespmem:s0+$0xC30] =	vst v3  }
0x174: {  	v3 =	vmul.f32 v10, v18;
	v10 =	vld [tilespmem:s0+$0x820];
	[tilespmem:s0+$0x840] =	vst v13  }
0x175: {  	s7 =	sshra.s32 s13, $0x2;
	[tilespmem:s0+$0x30] =	vst v12;
	v4 =	vmul.f32 v4, v18;
	v11 =	vld [tilespmem:s0+$0xC70]  }
0x176: {  	v5 =	vmul.f32 v5, v18;
	[tilespmem:s0+$0xC10] =	vst v2  }
0x177: {  	[tilespmem:s0+$0x850] =	vst v9;
	v2 =	vmul.f32 v6, v18  }
0x178: {  	[tilespmem:s0+$0x10] =	vst v7  }
0x179: {  	[tilespmem:s0+$0x40] =	vst v3;
	v3 =	vmul.f32 v10, v18  }
0x17a: {  	[tilespmem:s0+$0x810] =	vst v4;
	v4 =	vmul.f32 v11, v18  }
0x17b: {  	v1 =	vmul.f32 v1, v18;
	[tilespmem:s0+$0x800] =	vst v5  }
0x17c: {  	[tilespmem:s0+$0xC60] =	vst v2  }
0x17d: {  	[tilespmem:s0+$0x820] =	vst v3  }
0x17e: {  	[tilespmem:s0+$0xC20] =	vst v1  }
0x17f: {  	[tilespmem:s0+$0xC70] =	vst v4  }
0x180: {  	[tilespmem:s0+$0x20] =	vst v8  }
0x181: {  	v1 =	vld [tilespmem:s7+$0x14280];
	_ =	sdelay $0x4  }
0x182: {  	(v2sf) =	vpush v1, $0x0;
	_ =	sdelay $0x3  }
0x183: {  	v1 =	vmax.f32 v1, $1.000000000e+00  }
0x184: {  	v1 =	vbroadcast v1, $0x1;
	_ =	sdelay $0x5  }
0x185: {  	s0 =	sand.u32 $0x3000, s13;
	s7 =	sand.u32 $0x380, s17  }
0x186: {  	s11 =	sor.u32 s7, s0  }
0x187: {  	s0 =	sadd.s32 $0x10280, s11;
	v13 =	vld [tilespmem:s11+$0x10280]  }
0x188: {  	v6 =	vld [tilespmem:s0+$0x420]  }
0x189: {  	v3 =	vld [tilespmem:s0+$0xC30];
	s7 =	spop (v2sf)  }
0x18a: {  	s7 =	sadd.f32 $1.000000020e-16, s7;
	v2 =	vld [tilespmem:s0+$0xC10]  }
0x18b: {  	v5 =	vld [tilespmem:s0+$0x60]  }
0x18c: {  	v1 =	vmul.f32 s7, v1;
	v4 =	vld [tilespmem:s0+$0x70]  }
0x18d: {  	v7 =	vld [tilespmem:s0+$0x50]  }
0x18e: {  	v14 =	vld [tilespmem:s0+$0x870];
	(erf) = vrcp.f32 v1  }
0x18f: {  	v11 =	vld [tilespmem:s0+$0xC50]  }
0x190: {  	v10 =	vld [tilespmem:s0+$0xC40]  }
0x191: {  	v9 =	vld [tilespmem:s0+$0x850]  }
.Ltmp8:
0x192: {  	v1 =	vld [tilespmem:s0+$0xC20];
	(pc) =	sbr.rel @p0 .LBB2_6-.Ltmp8, $4  }
0x193: {  	v15 =	vld [tilespmem:s0+$0xC00]  }
0x194: {  	v12 =	vld [tilespmem:s0+$0x470]  }
0x195: {  	v16 =	vld [tilespmem:s0+$0x460]  }
0x196: {  	v8 =	vld [tilespmem:s0+$0x860]  }
0x197: {  	v17 =	vpop (erf)  }
0x198: {  	v13 =	vmul.f32 v17, v13  }
0x199: {  	v14 =	vmul.f32 v14, v17  }
0x19a: {  	v15 =	vmul.f32 v15, v17;
	[tilespmem:s11+$0x10280] =	vst v13  }
0x19b: {  	v11 =	vmul.f32 v11, v17;
	[tilespmem:s0+$0x870] =	vst v14  }
0x19c: {  	v6 =	vmul.f32 v6, v17;
	[tilespmem:s0+$0xC00] =	vst v15  }
0x19d: {  	v7 =	vmul.f32 v7, v17;
	[tilespmem:s0+$0xC50] =	vst v11  }
0x19e: {  	v5 =	vmul.f32 v5, v17;
	[tilespmem:s0+$0x420] =	vst v6  }
0x19f: {  	v4 =	vmul.f32 v4, v17;
	[tilespmem:s0+$0x50] =	vst v7  }
0x1a0: {  	v47 =	vmul.f32 v10, v17;
	[tilespmem:s0+$0x60] =	vst v5  }
0x1a1: {  	v3 =	vmul.f32 v3, v17;
	[tilespmem:s0+$0x70] =	vst v4  }
0x1a2: {  	v2 =	vmul.f32 v2, v17;
	[tilespmem:s0+$0xC40] =	vst v47  }
0x1a3: {  	v18 =	vld [tilespmem:s0+$0x450];
	v61 =	vmul.f32 v9, v17;
	[tilespmem:s0+$0xC30] =	vst v3  }
0x1a4: {  	v40 =	vld [tilespmem:s0+$0x400];
	v1 =	vmul.f32 v1, v17;
	[tilespmem:s0+$0xC10] =	vst v2  }
0x1a5: {  	v19 =	vld [tilespmem:s0+$0x830];
	v46 =	vmul.f32 v12, v17;
	[tilespmem:s0+$0x850] =	vst v61  }
0x1a6: {  	v42 =	vld [tilespmem:s0+$0x430];
	v38 =	vmul.f32 v16, v17;
	[tilespmem:s0+$0xC20] =	vst v1  }
0x1a7: {  	v44 =	vld [tilespmem:s0+$0x410];
	[tilespmem:s0+$0x470] =	vst v46;
	v54 =	vmul.f32 v8, v17  }
0x1a8: {  	v43 =	vld [tilespmem:s0+$0x440];
	[tilespmem:s0+$0x460] =	vst v38;
	v41 =	vmul.f32 v18, v17  }
0x1a9: {  	v39 =	vld [tilespmem:s0+$0x840];
	v48 =	vmul.f32 v40, v17;
	[tilespmem:s0+$0x860] =	vst v54  }
0x1aa: {  	v55 =	vld [tilespmem:s0+$0x40];
	v49 =	vmul.f32 v19, v17;
	[tilespmem:s0+$0x450] =	vst v41  }
0x1ab: {  	v56 =	vld [tilespmem:s0+$0x810];
	v50 =	vmul.f32 v42, v17;
	[tilespmem:s0+$0x400] =	vst v48  }
0x1ac: {  	v60 =	vld [tilespmem:s0+$0x800];
	v51 =	vmul.f32 v44, v17;
	[tilespmem:s0+$0x830] =	vst v49  }
0x1ad: {  	v58 =	vld [tilespmem:s0+$0xC60];
	v52 =	vmul.f32 v43, v17;
	[tilespmem:s0+$0x430] =	vst v50  }
0x1ae: {  	v3 =	vld [tilespmem:s0+$0x820];
	v57 =	vmul.f32 v39, v17;
	[tilespmem:s0+$0x410] =	vst v51  }
0x1af: {  	v45 =	vld [tilespmem:s0+$0x30];
	v2 =	vmul.f32 v55, v17;
	[tilespmem:s0+$0x440] =	vst v52  }
0x1b0: {  	v53 =	vld [tilespmem:s0+$0x10];
	v4 =	vmul.f32 v56, v17;
	[tilespmem:s0+$0x840] =	vst v57  }
0x1b1: {  	v62 =	vld [tilespmem:s0+$0xC70];
	v63 =	vmul.f32 v60, v17;
	[tilespmem:s0+$0x40] =	vst v2  }
0x1b2: {  	v20 =	vld [tilespmem:s0+$0x20];
	v2 =	vmul.f32 v58, v17;
	[tilespmem:s0+$0x810] =	vst v4  }
0x1b3: {  	[tilespmem:s0+$0x800] =	vst v63;
	v3 =	vmul.f32 v3, v17  }
0x1b4: {  	v59 =	vmul.f32 v45, v17;
	[tilespmem:s0+$0xC60] =	vst v2  }
0x1b5: {  	v7 =	vmul.f32 v17, v53;
	[tilespmem:s0+$0x820] =	vst v3  }
0x1b6: {  	v2 =	vmul.f32 v62, v17;
	[tilespmem:s0+$0x30] =	vst v59  }
0x1b7: {  	s16 =	sadd.s32 $0x1, s16;
	v3 =	vmul.f32 v17, v20;
	[tilespmem:s0+$0x10] =	vst v7  }
0x1b8: {  	p0 =	sne.s32 s16, s10;
	[tilespmem:s0+$0xC70] =	vst v2  }
.Ltmp9:
0x1b9: {  	s31 =	simm.s32 $0x10280;
	[tilespmem:s0+$0x20] =	vst v3;
	(pc) =	sbr.rel @p0 .LBB2_1-.Ltmp9, $4  }
0x1ba: {  	[hbm4b:s9+s4] =	stream.linear.scatter [tilespmem:s31], [sflag:$0x3], $0x4000, $0x38;
	[tilespmem:$0x15280] =	vst v63  }
0x1bb: {  	_ =	swait.ge [sflag:s12], $0x4000  }
0x1bc: {  	[sflag:s12] =	ssyncset.done $0x0  }
0x1bd: {  	[sflag:s12] =	ssyncadd.s32 $0xFFFFC000  }
0x1be: {  	_ =	sfence.sel $0x180000  }
0x1bf: {  	[bflag:$0x0] =	sbarrier.arrive $0xFFFF  }
0x1c0: {  	_ =	strace $0x90000047  }
0x1c1: {  	s0 =	stileid.u32;
	[bflag:$0x2] =	sbarrier.arrive $0xFFFF  }
0x1c2: {  	p0 =	sne.s32 s0, $0x0;
	s0 =	rddreg [dreg:$0x4]  }
0x1c3: {  	s0 =	sadd.s32 @!p0 $0x100000, s0  }
0x1c4: {  	[sflag:s0] =	ssyncadd.tile.s32 @!p0 $0x1;
	_ =	shalt  }
.Lfunc_end2:
_tile_overlayer_lowered:
.L_overlay_start_2:
0x1c5: {  	(tag) =	ssettag $0x2  }
0x1c6: {  	s0 =	rddreg [dreg:$0x0];
	s2 =	stileid.u32  }
0x1c7: {  	s1 =	rddreg [dreg:$0x1];
	p0 =	sne.s32 s2, $0x0  }
0x1c8: {  	s3 =	rddreg [dreg:$0x2];
	[bflag:$0x3] =	sbarrier.arrive $0xFFFF;
	s2 =	simm.s32 @!p0 $0x1C03  }
0x1c9: {  	[timem:s3], [sflag:s2] =	dma.local @!p0 [hbm:s0], s1  }
0x1ca: {  	s0 =	simm.s32 @!p0 $0x3  }
0x1cb: {  	_ =	swait.ge @!p0 [sflag:s0], s1  }
0x1cc: {  	s1 =	ssub.s32 @!p0 $0x0, s1;
	[sflag:s0] =	ssyncset.done @!p0 $0x0  }
0x1cd: {  	[sflag:s0] =	ssyncadd.s32 @!p0 s1  }
0x1ce: {  	[bflag:$0x3] =	sbarrier.arrive $0xFFFF  }
0x1cf: {  	_ =	shalt  }

</sc_bundles>
